<compile_context>
chip_gen: v7x
topology: tpu7x:2x2x1
jax: 0.10.2.dev20260603
libtpu: 0.0.44.dev20260713+nightly
codegen_flags: <defaults>
</compile_context>

<pallas_src>
import functools

import jax
import jax.numpy as jnp
from jax import lax
from jax.experimental import pallas as pl
from jax.experimental.pallas import tpu as pltpu
from jax.experimental.pallas import tpu_sc as plsc

B = 16384
K = 64
DIM = 100000
NOUT = 256
NC = 2
NS = 16
NW = NC * NS
FPW = K // NW
ICH = 4096
NICH = B // ICH
LANES = 16


def _sc_gather_prod_kernel(i0_hbm, i1_hbm, i2_hbm, t0_hbm, t1_hbm, t2_hbm,
                           out_hbm, row_v, acc_v, ixa_v, ixb_v, sdma,
                           si0, si1):
    wid = lax.axis_index("s") * NC + lax.axis_index("c")
    ixbufs = (ixa_v, ixb_v)
    isems = (si0, si1)

    for f in range(FPW):
        k = wid * FPW + f
        for t, t_hbm, i_hbm in ((0, t0_hbm, i0_hbm), (1, t1_hbm, i1_hbm),
                                (2, t2_hbm, i2_hbm)):
            rcp = pltpu.async_copy(t_hbm.at[k, pl.ds(0, DIM)], row_v, sdma)
            icp = {0: pltpu.async_copy(i_hbm.at[pl.ds(0, ICH)], ixbufs[0],
                                       isems[0])}
            rcp.wait()
            for ci in range(NICH):
                icp.pop(ci).wait()
                if ci + 1 < NICH:
                    icp[ci + 1] = pltpu.async_copy(
                        i_hbm.at[pl.ds((ci + 1) * ICH, ICH)],
                        ixbufs[(ci + 1) % 2], isems[(ci + 1) % 2])
                ixb = ixbufs[ci % 2]

                @plsc.parallel_loop(0, ICH // LANES, unroll=8)
                def vloop(v, _t=t, _ci=ci, _ixb=ixb):
                    iv = _ixb[pl.ds(v * LANES, LANES)]
                    g = plsc.load_gather(row_v, [iv])
                    off = _ci * ICH + v * LANES
                    if _t == 0:
                        acc_v[pl.ds(off, LANES)] = g
                    else:
                        acc_v[pl.ds(off, LANES)] = acc_v[pl.ds(off, LANES)] * g
        pltpu.sync_copy(acc_v, out_hbm.at[k, pl.ds(0, B)])


@jax.jit
def _sc_gather_prod(i0, i1, i2, t0t, t1t, t2t):
    mesh = plsc.VectorSubcoreMesh(core_axis_name="c", subcore_axis_name="s")
    return pl.kernel(
        _sc_gather_prod_kernel,
        mesh=mesh,
        compiler_params=pltpu.CompilerParams(use_tc_tiling_on_sc=True,
                                             needs_layout_passes=False),
        out_type=jax.ShapeDtypeStruct((K, B), jnp.float32),
        scratch_types=[
            pltpu.VMEM((DIM,), jnp.float32),
            pltpu.VMEM((B,), jnp.float32),
            pltpu.VMEM((ICH,), jnp.int32),
            pltpu.VMEM((ICH,), jnp.int32),
            pltpu.SemaphoreType.DMA,
            pltpu.SemaphoreType.DMA,
            pltpu.SemaphoreType.DMA,
        ],
    )(i0, i1, i2, t0t, t1t, t2t)


BM = 2048


def _tc_proj_kernel(prodt_ref, f3_ref, ls_ref, out_ref, ls_out_ref):
    out_ref[...] = lax.dot_general(
        prodt_ref[...], f3_ref[...],
        dimension_numbers=(((0,), (1,)), ((), ())),
        preferred_element_type=jnp.float32,
    )
    ls_out_ref[...] = jnp.clip(ls_ref[...], -2.5, 0.0)


@jax.jit
def _tc_proj(prodt, f3, log_sigma):
    return pl.pallas_call(
        _tc_proj_kernel,
        grid=(B // BM,),
        in_specs=[
            pl.BlockSpec((K, BM), lambda i: (0, i)),
            pl.BlockSpec((NOUT, K), lambda i: (0, 0)),
            pl.BlockSpec((1, NOUT), lambda i: (0, 0)),
        ],
        out_specs=[
            pl.BlockSpec((BM, NOUT), lambda i: (i, 0)),
            pl.BlockSpec((1, NOUT), lambda i: (0, 0)),
        ],
        out_shape=[
            jax.ShapeDtypeStruct((B, NOUT), jnp.float32),
            jax.ShapeDtypeStruct((1, NOUT), jnp.float32),
        ],
    )(prodt, f3, log_sigma)


def kernel(indices, f0, f1, f2, f3, log_sigma):
    idx = indices.astype(jnp.int32)
    prodt = _sc_gather_prod(idx[:, 0], idx[:, 1], idx[:, 2],
                            f0.T, f1.T, f2.T)
    res, ls = _tc_proj(prodt, f3, log_sigma)
    return (res, ls)

# --- scband reference (transcript-rebuilt; emitter-appended) ---
"""Pipeline reference for scband-policy-parafac-9861244912301 (READ-ONLY COPY).

The authoritative reference and input builder live on the scoring server;
editing this copy changes nothing except your own understanding.
"""

import jax, jax.numpy as jnp
import numpy as np

DIMS = [100000, 100000, 100000, 256]
K = 64
NUM_OUTPUTS = 256
BATCH = 16384


def setup_inputs(seed: int = 0) -> dict:
    key = jax.random.key(seed)
    ks = jax.random.split(key, 6)
    indices = jax.random.randint(ks[0], (BATCH, 3), 0, 100000, dtype=jnp.int64 if jax.config.jax_enable_x64 else jnp.int32)
    f0 = jax.random.normal(ks[1], (DIMS[0], K), dtype=jnp.float32)
    f1 = jax.random.normal(ks[2], (DIMS[1], K), dtype=jnp.float32)
    f2 = jax.random.normal(ks[3], (DIMS[2], K), dtype=jnp.float32)
    f3 = jax.random.normal(ks[4], (DIMS[3], K), dtype=jnp.float32)
    log_sigma = jnp.zeros((1, NUM_OUTPUTS), dtype=jnp.float32)
    return {"indices": indices, "f0": f0, "f1": f1, "f2": f2, "f3": f3, "log_sigma": log_sigma}


def reference(indices, f0, f1, f2, f3, log_sigma):
    # PARAFAC forward: elementwise product of gathered factor rows
    prod = jnp.take(f0, indices[:, 0], axis=0)
    prod = prod * jnp.take(f1, indices[:, 1], axis=0)
    prod = prod * jnp.take(f2, indices[:, 2], axis=0)
    # indices.shape[1] (=3) < len(factors) (=4): project with last factor
    res = jnp.matmul(prod, f3.T)
    # gaussian model: also return clamped log_sigma
    return (res, jnp.clip(log_sigma, -2.5, 0.0))

if __name__ == "__main__":
    import jax
    _d = setup_inputs()
    print(jax.jit(kernel)(*tuple(_d.values())))

</pallas_src>

<mosaic_0001>
#map = affine_map<(d0, d1) -> (0)>
#map1 = affine_map<(d0, d1) -> (0, 0)>
module attributes {stable_mosaic.version = 14 : i64} {
  func.func @_sc_gather_prod_kernel(%arg0: i32, %arg1: i32, %arg2: memref<16384xi32, #tpu.memory_space<hbm>>, %arg3: memref<16384xi32, #tpu.memory_space<hbm>>, %arg4: memref<16384xi32, #tpu.memory_space<hbm>>, %arg5: memref<64x100000xf32, #tpu.memory_space<hbm>>, %arg6: memref<64x100000xf32, #tpu.memory_space<hbm>>, %arg7: memref<64x100000xf32, #tpu.memory_space<hbm>>, %arg8: memref<64x16384xf32, #tpu.memory_space<hbm>>, %arg9: memref<100000xf32, #tpu.memory_space<vmem>>, %arg10: memref<16384xf32, #tpu.memory_space<vmem>>, %arg11: memref<4096xi32, #tpu.memory_space<vmem>>, %arg12: memref<4096xi32, #tpu.memory_space<vmem>>, %arg13: memref<!tpu.dma_semaphore, #tpu.memory_space<semaphore_mem>>, %arg14: memref<!tpu.dma_semaphore, #tpu.memory_space<semaphore_mem>>, %arg15: memref<!tpu.dma_semaphore, #tpu.memory_space<semaphore_mem>>) attributes {dimension_semantics = [#tpu.dimension_semantics<core_parallel>, #tpu.dimension_semantics<subcore_parallel>], iteration_bounds = array<i64: 2, 16>, scalar_prefetch = 0 : i64, scratch_operands = 7 : i64, tpu.core_type = #tpu.core_type<sc_vector_subcore>, window_params = [{transform_indices = #map}, {transform_indices = #map}, {transform_indices = #map}, {transform_indices = #map1}, {transform_indices = #map1}, {transform_indices = #map1}, {transform_indices = #map1}]} {
    %mul3A = arith.constant 2 : i32
    %mul3A_0 = arith.muli %arg1, %mul3A : i32
    %add3A = arith.addi %mul3A_0, %arg0 : i32
    %mul3A_1 = arith.constant 2 : i32
    %mul3A_2 = arith.muli %add3A, %mul3A_1 : i32
    %add3A_3 = arith.constant 0 : i32
    %add3A_4 = arith.addi %mul3A_2, %add3A_3 : i32
    %dma_start3A = arith.constant 0 : i32
    %dma_start3A_5 = tpu.memref_slice %arg5[%add3A_4, %dma_start3A] : memref<64x100000xf32, #tpu.memory_space<hbm>> -> memref<1x100000xf32, #tpu.memory_space<hbm>>
    %dma_start3A_6 = tpu.memref_squeeze %dma_start3A_5 : memref<1x100000xf32, #tpu.memory_space<hbm>> -> memref<100000xf32, #tpu.memory_space<hbm>>
    %dma_start3A_7 = arith.constant 0 : i32
    %dma_start3A_8 = tpu.memref_slice %arg5[%add3A_4, %dma_start3A_7] : memref<64x100000xf32, #tpu.memory_space<hbm>> -> memref<1x100000xf32, #tpu.memory_space<hbm>>
    %dma_start3A_9 = tpu.memref_squeeze %dma_start3A_8 : memref<1x100000xf32, #tpu.memory_space<hbm>> -> memref<100000xf32, #tpu.memory_space<hbm>>
    tpu.enqueue_dma source(%dma_start3A_9 : memref<100000xf32, #tpu.memory_space<hbm>>) target(%arg9 : memref<100000xf32, #tpu.memory_space<vmem>>) target_semaphore(%arg13 : memref<!tpu.dma_semaphore, #tpu.memory_space<semaphore_mem>>)
    %dma_start3A_10 = arith.constant 0 : i32
    %dma_start3A_11 = tpu.memref_slice %arg2[%dma_start3A_10] : memref<16384xi32, #tpu.memory_space<hbm>> -> memref<4096xi32, #tpu.memory_space<hbm>>
    %dma_start3A_12 = arith.constant 0 : i32
    %dma_start3A_13 = tpu.memref_slice %arg2[%dma_start3A_12] : memref<16384xi32, #tpu.memory_space<hbm>> -> memref<4096xi32, #tpu.memory_space<hbm>>
    tpu.enqueue_dma source(%dma_start3A_13 : memref<4096xi32, #tpu.memory_space<hbm>>) target(%arg11 : memref<4096xi32, #tpu.memory_space<vmem>>) target_semaphore(%arg14 : memref<!tpu.dma_semaphore, #tpu.memory_space<semaphore_mem>>)
    %dma_wait3A = arith.constant 0 : i32
    %dma_wait3A_14 = tpu.memref_slice %arg5[%add3A_4, %dma_wait3A] : memref<64x100000xf32, #tpu.memory_space<hbm>> -> memref<1x100000xf32, #tpu.memory_space<hbm>>
    %dma_wait3A_15 = tpu.memref_squeeze %dma_wait3A_14 : memref<1x100000xf32, #tpu.memory_space<hbm>> -> memref<100000xf32, #tpu.memory_space<hbm>>
    %dma_wait3A_16 = arith.constant 0 : i32
    %dma_wait3A_17 = tpu.memref_slice %arg5[%add3A_4, %dma_wait3A_16] : memref<64x100000xf32, #tpu.memory_space<hbm>> -> memref<1x100000xf32, #tpu.memory_space<hbm>>
    %dma_wait3A_18 = tpu.memref_squeeze %dma_wait3A_17 : memref<1x100000xf32, #tpu.memory_space<hbm>> -> memref<100000xf32, #tpu.memory_space<hbm>>
    tpu.wait_dma2 semaphore(%arg13 : memref<!tpu.dma_semaphore, #tpu.memory_space<semaphore_mem>>) src(%dma_wait3A_18 : memref<100000xf32, #tpu.memory_space<hbm>>) dst(%arg9 : memref<100000xf32, #tpu.memory_space<vmem>>)
    %dma_wait3A_19 = arith.constant 0 : i32
    %dma_wait3A_20 = tpu.memref_slice %arg2[%dma_wait3A_19] : memref<16384xi32, #tpu.memory_space<hbm>> -> memref<4096xi32, #tpu.memory_space<hbm>>
    %dma_wait3A_21 = arith.constant 0 : i32
    %dma_wait3A_22 = tpu.memref_slice %arg2[%dma_wait3A_21] : memref<16384xi32, #tpu.memory_space<hbm>> -> memref<4096xi32, #tpu.memory_space<hbm>>
    tpu.wait_dma2 semaphore(%arg14 : memref<!tpu.dma_semaphore, #tpu.memory_space<semaphore_mem>>) src(%dma_wait3A_22 : memref<4096xi32, #tpu.memory_space<hbm>>) dst(%arg11 : memref<4096xi32, #tpu.memory_space<vmem>>)
    %dma_start3A_23 = arith.constant 4096 : i32
    %dma_start3A_24 = tpu.memref_slice %arg2[%dma_start3A_23] : memref<16384xi32, #tpu.memory_space<hbm>> -> memref<4096xi32, #tpu.memory_space<hbm>>
    %dma_start3A_25 = arith.constant 4096 : i32
    %dma_start3A_26 = tpu.memref_slice %arg2[%dma_start3A_25] : memref<16384xi32, #tpu.memory_space<hbm>> -> memref<4096xi32, #tpu.memory_space<hbm>>
    tpu.enqueue_dma source(%dma_start3A_26 : memref<4096xi32, #tpu.memory_space<hbm>>) target(%arg12 : memref<4096xi32, #tpu.memory_space<vmem>>) target_semaphore(%arg15 : memref<!tpu.dma_semaphore, #tpu.memory_space<semaphore_mem>>)
    %parallel_loop3A = arith.constant 0 : i32
    %parallel_loop3A_27 = arith.constant 256 : i32
    %parallel_loop3A_28 = arith.constant 1 : i32
    scf.for %parallel_loop3A_342 = %parallel_loop3A to %parallel_loop3A_27 step %parallel_loop3A_28  : i32 {
      %parallel_loop3A_343 = arith.constant 16 : i32
      %parallel_loop3A_344 = arith.muli %parallel_loop3A_342, %parallel_loop3A_343 : i32
      %parallel_loop3A_345 = arith.index_cast %parallel_loop3A_344 : i32 to index
      %parallel_loop3A_346 = tpu.vector_load %arg11[%parallel_loop3A_345] {strides = array<i32>} : memref<4096xi32, #tpu.memory_space<vmem>>, vector<16xi32>,
      %parallel_loop3A_347 = tpu.vector_load_idx %arg9[%parallel_loop3A_346] : memref<100000xf32, #tpu.memory_space<vmem>>[vector<16xi32>], vector<16xf32>,
      %parallel_loop3A_348 = arith.constant 16 : i32
      %parallel_loop3A_349 = arith.muli %parallel_loop3A_342, %parallel_loop3A_348 : i32
      %parallel_loop3A_350 = arith.constant 0 : i32
      %parallel_loop3A_351 = arith.addi %parallel_loop3A_350, %parallel_loop3A_349 : i32
      %parallel_loop3A_352 = arith.index_cast %parallel_loop3A_351 : i32 to index
      %parallel_loop3A_353 = tpu.vector_load %arg10[%parallel_loop3A_352] {strides = array<i32>} : memref<16384xf32, #tpu.memory_space<vmem>>, vector<16xf32>,
      tpu.vector_store %arg10[%parallel_loop3A_352], %parallel_loop3A_347 {strides = array<i32>} : memref<16384xf32, #tpu.memory_space<vmem>>, vector<16xf32>,
    } {sc.loop_unroll_factor = 8 : i64, sc.parallel_access}
    %dma_wait3A_29 = arith.constant 4096 : i32
    %dma_wait3A_30 = tpu.memref_slice %arg2[%dma_wait3A_29] : memref<16384xi32, #tpu.memory_space<hbm>> -> memref<4096xi32, #tpu.memory_space<hbm>>
    %dma_wait3A_31 = arith.constant 4096 : i32
    %dma_wait3A_32 = tpu.memref_slice %arg2[%dma_wait3A_31] : memref<16384xi32, #tpu.memory_space<hbm>> -> memref<4096xi32, #tpu.memory_space<hbm>>
    tpu.wait_dma2 semaphore(%arg15 : memref<!tpu.dma_semaphore, #tpu.memory_space<semaphore_mem>>) src(%dma_wait3A_32 : memref<4096xi32, #tpu.memory_space<hbm>>) dst(%arg12 : memref<4096xi32, #tpu.memory_space<vmem>>)
    %dma_start3A_33 = arith.constant 8192 : i32
    %dma_start3A_34 = tpu.memref_slice %arg2[%dma_start3A_33] : memref<16384xi32, #tpu.memory_space<hbm>> -> memref<4096xi32, #tpu.memory_space<hbm>>
    %dma_start3A_35 = arith.constant 8192 : i32
    %dma_start3A_36 = tpu.memref_slice %arg2[%dma_start3A_35] : memref<16384xi32, #tpu.memory_space<hbm>> -> memref<4096xi32, #tpu.memory_space<hbm>>
    tpu.enqueue_dma source(%dma_start3A_36 : memref<4096xi32, #tpu.memory_space<hbm>>) target(%arg11 : memref<4096xi32, #tpu.memory_space<vmem>>) target_semaphore(%arg14 : memref<!tpu.dma_semaphore, #tpu.memory_space<semaphore_mem>>)
    %parallel_loop3A_37 = arith.constant 0 : i32
    %parallel_loop3A_38 = arith.constant 256 : i32
    %parallel_loop3A_39 = arith.constant 1 : i32
    scf.for %parallel_loop3A_342 = %parallel_loop3A_37 to %parallel_loop3A_38 step %parallel_loop3A_39  : i32 {
      %parallel_loop3A_343 = arith.constant 16 : i32
      %parallel_loop3A_344 = arith.muli %parallel_loop3A_342, %parallel_loop3A_343 : i32
      %parallel_loop3A_345 = arith.index_cast %parallel_loop3A_344 : i32 to index
      %parallel_loop3A_346 = tpu.vector_load %arg12[%parallel_loop3A_345] {strides = array<i32>} : memref<4096xi32, #tpu.memory_space<vmem>>, vector<16xi32>,
      %parallel_loop3A_347 = tpu.vector_load_idx %arg9[%parallel_loop3A_346] : memref<100000xf32, #tpu.memory_space<vmem>>[vector<16xi32>], vector<16xf32>,
      %parallel_loop3A_348 = arith.constant 16 : i32
      %parallel_loop3A_349 = arith.muli %parallel_loop3A_342, %parallel_loop3A_348 : i32
      %parallel_loop3A_350 = arith.constant 4096 : i32
      %parallel_loop3A_351 = arith.addi %parallel_loop3A_350, %parallel_loop3A_349 : i32
      %parallel_loop3A_352 = arith.index_cast %parallel_loop3A_351 : i32 to index
      %parallel_loop3A_353 = tpu.vector_load %arg10[%parallel_loop3A_352] {strides = array<i32>} : memref<16384xf32, #tpu.memory_space<vmem>>, vector<16xf32>,
      tpu.vector_store %arg10[%parallel_loop3A_352], %parallel_loop3A_347 {strides = array<i32>} : memref<16384xf32, #tpu.memory_space<vmem>>, vector<16xf32>,
    } {sc.loop_unroll_factor = 8 : i64, sc.parallel_access}
    %dma_wait3A_40 = arith.constant 8192 : i32
    %dma_wait3A_41 = tpu.memref_slice %arg2[%dma_wait3A_40] : memref<16384xi32, #tpu.memory_space<hbm>> -> memref<4096xi32, #tpu.memory_space<hbm>>
    %dma_wait3A_42 = arith.constant 8192 : i32
    %dma_wait3A_43 = tpu.memref_slice %arg2[%dma_wait3A_42] : memref<16384xi32, #tpu.memory_space<hbm>> -> memref<4096xi32, #tpu.memory_space<hbm>>
    tpu.wait_dma2 semaphore(%arg14 : memref<!tpu.dma_semaphore, #tpu.memory_space<semaphore_mem>>) src(%dma_wait3A_43 : memref<4096xi32, #tpu.memory_space<hbm>>) dst(%arg11 : memref<4096xi32, #tpu.memory_space<vmem>>)
    %dma_start3A_44 = arith.constant 12288 : i32
    %dma_start3A_45 = tpu.memref_slice %arg2[%dma_start3A_44] : memref<16384xi32, #tpu.memory_space<hbm>> -> memref<4096xi32, #tpu.memory_space<hbm>>
    %dma_start3A_46 = arith.constant 12288 : i32
    %dma_start3A_47 = tpu.memref_slice %arg2[%dma_start3A_46] : memref<16384xi32, #tpu.memory_space<hbm>> -> memref<4096xi32, #tpu.memory_space<hbm>>
    tpu.enqueue_dma source(%dma_start3A_47 : memref<4096xi32, #tpu.memory_space<hbm>>) target(%arg12 : memref<4096xi32, #tpu.memory_space<vmem>>) target_semaphore(%arg15 : memref<!tpu.dma_semaphore, #tpu.memory_space<semaphore_mem>>)
    %parallel_loop3A_48 = arith.constant 0 : i32
    %parallel_loop3A_49 = arith.constant 256 : i32
    %parallel_loop3A_50 = arith.constant 1 : i32
    scf.for %parallel_loop3A_342 = %parallel_loop3A_48 to %parallel_loop3A_49 step %parallel_loop3A_50  : i32 {
      %parallel_loop3A_343 = arith.constant 16 : i32
      %parallel_loop3A_344 = arith.muli %parallel_loop3A_342, %parallel_loop3A_343 : i32
      %parallel_loop3A_345 = arith.index_cast %parallel_loop3A_344 : i32 to index
      %parallel_loop3A_346 = tpu.vector_load %arg11[%parallel_loop3A_345] {strides = array<i32>} : memref<4096xi32, #tpu.memory_space<vmem>>, vector<16xi32>,
      %parallel_loop3A_347 = tpu.vector_load_idx %arg9[%parallel_loop3A_346] : memref<100000xf32, #tpu.memory_space<vmem>>[vector<16xi32>], vector<16xf32>,
      %parallel_loop3A_348 = arith.constant 16 : i32
      %parallel_loop3A_349 = arith.muli %parallel_loop3A_342, %parallel_loop3A_348 : i32
      %parallel_loop3A_350 = arith.constant 8192 : i32
      %parallel_loop3A_351 = arith.addi %parallel_loop3A_350, %parallel_loop3A_349 : i32
      %parallel_loop3A_352 = arith.index_cast %parallel_loop3A_351 : i32 to index
      %parallel_loop3A_353 = tpu.vector_load %arg10[%parallel_loop3A_352] {strides = array<i32>} : memref<16384xf32, #tpu.memory_space<vmem>>, vector<16xf32>,
      tpu.vector_store %arg10[%parallel_loop3A_352], %parallel_loop3A_347 {strides = array<i32>} : memref<16384xf32, #tpu.memory_space<vmem>>, vector<16xf32>,
    } {sc.loop_unroll_factor = 8 : i64, sc.parallel_access}
    %dma_wait3A_51 = arith.constant 12288 : i32
    %dma_wait3A_52 = tpu.memref_slice %arg2[%dma_wait3A_51] : memref<16384xi32, #tpu.memory_space<hbm>> -> memref<4096xi32, #tpu.memory_space<hbm>>
    %dma_wait3A_53 = arith.constant 12288 : i32
    %dma_wait3A_54 = tpu.memref_slice %arg2[%dma_wait3A_53] : memref<16384xi32, #tpu.memory_space<hbm>> -> memref<4096xi32, #tpu.memory_space<hbm>>
    tpu.wait_dma2 semaphore(%arg15 : memref<!tpu.dma_semaphore, #tpu.memory_space<semaphore_mem>>) src(%dma_wait3A_54 : memref<4096xi32, #tpu.memory_space<hbm>>) dst(%arg12 : memref<4096xi32, #tpu.memory_space<vmem>>)
    %parallel_loop3A_55 = arith.constant 0 : i32
    %parallel_loop3A_56 = arith.constant 256 : i32
    %parallel_loop3A_57 = arith.constant 1 : i32
    scf.for %parallel_loop3A_342 = %parallel_loop3A_55 to %parallel_loop3A_56 step %parallel_loop3A_57  : i32 {
      %parallel_loop3A_343 = arith.constant 16 : i32
      %parallel_loop3A_344 = arith.muli %parallel_loop3A_342, %parallel_loop3A_343 : i32
      %parallel_loop3A_345 = arith.index_cast %parallel_loop3A_344 : i32 to index
      %parallel_loop3A_346 = tpu.vector_load %arg12[%parallel_loop3A_345] {strides = array<i32>} : memref<4096xi32, #tpu.memory_space<vmem>>, vector<16xi32>,
      %parallel_loop3A_347 = tpu.vector_load_idx %arg9[%parallel_loop3A_346] : memref<100000xf32, #tpu.memory_space<vmem>>[vector<16xi32>], vector<16xf32>,
      %parallel_loop3A_348 = arith.constant 16 : i32
      %parallel_loop3A_349 = arith.muli %parallel_loop3A_342, %parallel_loop3A_348 : i32
      %parallel_loop3A_350 = arith.constant 12288 : i32
      %parallel_loop3A_351 = arith.addi %parallel_loop3A_350, %parallel_loop3A_349 : i32
      %parallel_loop3A_352 = arith.index_cast %parallel_loop3A_351 : i32 to index
      %parallel_loop3A_353 = tpu.vector_load %arg10[%parallel_loop3A_352] {strides = array<i32>} : memref<16384xf32, #tpu.memory_space<vmem>>, vector<16xf32>,
      tpu.vector_store %arg10[%parallel_loop3A_352], %parallel_loop3A_347 {strides = array<i32>} : memref<16384xf32, #tpu.memory_space<vmem>>, vector<16xf32>,
    } {sc.loop_unroll_factor = 8 : i64, sc.parallel_access}
    %dma_start3A_58 = arith.constant 0 : i32
    %dma_start3A_59 = tpu.memref_slice %arg6[%add3A_4, %dma_start3A_58] : memref<64x100000xf32, #tpu.memory_space<hbm>> -> memref<1x100000xf32, #tpu.memory_space<hbm>>
    %dma_start3A_60 = tpu.memref_squeeze %dma_start3A_59 : memref<1x100000xf32, #tpu.memory_space<hbm>> -> memref<100000xf32, #tpu.memory_space<hbm>>
    %dma_start3A_61 = arith.constant 0 : i32
    %dma_start3A_62 = tpu.memref_slice %arg6[%add3A_4, %dma_start3A_61] : memref<64x100000xf32, #tpu.memory_space<hbm>> -> memref<1x100000xf32, #tpu.memory_space<hbm>>
    %dma_start3A_63 = tpu.memref_squeeze %dma_start3A_62 : memref<1x100000xf32, #tpu.memory_space<hbm>> -> memref<100000xf32, #tpu.memory_space<hbm>>
    tpu.enqueue_dma source(%dma_start3A_63 : memref<100000xf32, #tpu.memory_space<hbm>>) target(%arg9 : memref<100000xf32, #tpu.memory_space<vmem>>) target_semaphore(%arg13 : memref<!tpu.dma_semaphore, #tpu.memory_space<semaphore_mem>>)
    %dma_start3A_64 = arith.constant 0 : i32
    %dma_start3A_65 = tpu.memref_slice %arg3[%dma_start3A_64] : memref<16384xi32, #tpu.memory_space<hbm>> -> memref<4096xi32, #tpu.memory_space<hbm>>
    %dma_start3A_66 = arith.constant 0 : i32
    %dma_start3A_67 = tpu.memref_slice %arg3[%dma_start3A_66] : memref<16384xi32, #tpu.memory_space<hbm>> -> memref<4096xi32, #tpu.memory_space<hbm>>
    tpu.enqueue_dma source(%dma_start3A_67 : memref<4096xi32, #tpu.memory_space<hbm>>) target(%arg11 : memref<4096xi32, #tpu.memory_space<vmem>>) target_semaphore(%arg14 : memref<!tpu.dma_semaphore, #tpu.memory_space<semaphore_mem>>)
    %dma_wait3A_68 = arith.constant 0 : i32
    %dma_wait3A_69 = tpu.memref_slice %arg6[%add3A_4, %dma_wait3A_68] : memref<64x100000xf32, #tpu.memory_space<hbm>> -> memref<1x100000xf32, #tpu.memory_space<hbm>>
    %dma_wait3A_70 = tpu.memref_squeeze %dma_wait3A_69 : memref<1x100000xf32, #tpu.memory_space<hbm>> -> memref<100000xf32, #tpu.memory_space<hbm>>
    %dma_wait3A_71 = arith.constant 0 : i32
    %dma_wait3A_72 = tpu.memref_slice %arg6[%add3A_4, %dma_wait3A_71] : memref<64x100000xf32, #tpu.memory_space<hbm>> -> memref<1x100000xf32, #tpu.memory_space<hbm>>
    %dma_wait3A_73 = tpu.memref_squeeze %dma_wait3A_72 : memref<1x100000xf32, #tpu.memory_space<hbm>> -> memref<100000xf32, #tpu.memory_space<hbm>>
    tpu.wait_dma2 semaphore(%arg13 : memref<!tpu.dma_semaphore, #tpu.memory_space<semaphore_mem>>) src(%dma_wait3A_73 : memref<100000xf32, #tpu.memory_space<hbm>>) dst(%arg9 : memref<100000xf32, #tpu.memory_space<vmem>>)
    %dma_wait3A_74 = arith.constant 0 : i32
    %dma_wait3A_75 = tpu.memref_slice %arg3[%dma_wait3A_74] : memref<16384xi32, #tpu.memory_space<hbm>> -> memref<4096xi32, #tpu.memory_space<hbm>>
    %dma_wait3A_76 = arith.constant 0 : i32
    %dma_wait3A_77 = tpu.memref_slice %arg3[%dma_wait3A_76] : memref<16384xi32, #tpu.memory_space<hbm>> -> memref<4096xi32, #tpu.memory_space<hbm>>
    tpu.wait_dma2 semaphore(%arg14 : memref<!tpu.dma_semaphore, #tpu.memory_space<semaphore_mem>>) src(%dma_wait3A_77 : memref<4096xi32, #tpu.memory_space<hbm>>) dst(%arg11 : memref<4096xi32, #tpu.memory_space<vmem>>)
    %dma_start3A_78 = arith.constant 4096 : i32
    %dma_start3A_79 = tpu.memref_slice %arg3[%dma_start3A_78] : memref<16384xi32, #tpu.memory_space<hbm>> -> memref<4096xi32, #tpu.memory_space<hbm>>
    %dma_start3A_80 = arith.constant 4096 : i32
    %dma_start3A_81 = tpu.memref_slice %arg3[%dma_start3A_80] : memref<16384xi32, #tpu.memory_space<hbm>> -> memref<4096xi32, #tpu.memory_space<hbm>>
    tpu.enqueue_dma source(%dma_start3A_81 : memref<4096xi32, #tpu.memory_space<hbm>>) target(%arg12 : memref<4096xi32, #tpu.memory_space<vmem>>) target_semaphore(%arg15 : memref<!tpu.dma_semaphore, #tpu.memory_space<semaphore_mem>>)
    %parallel_loop3A_82 = arith.constant 0 : i32
    %parallel_loop3A_83 = arith.constant 256 : i32
    %parallel_loop3A_84 = arith.constant 1 : i32
    scf.for %parallel_loop3A_342 = %parallel_loop3A_82 to %parallel_loop3A_83 step %parallel_loop3A_84  : i32 {
      %parallel_loop3A_343 = arith.constant 16 : i32
      %parallel_loop3A_344 = arith.muli %parallel_loop3A_342, %parallel_loop3A_343 : i32
      %parallel_loop3A_345 = arith.index_cast %parallel_loop3A_344 : i32 to index
      %parallel_loop3A_346 = tpu.vector_load %arg11[%parallel_loop3A_345] {strides = array<i32>} : memref<4096xi32, #tpu.memory_space<vmem>>, vector<16xi32>,
      %parallel_loop3A_347 = tpu.vector_load_idx %arg9[%parallel_loop3A_346] : memref<100000xf32, #tpu.memory_space<vmem>>[vector<16xi32>], vector<16xf32>,
      %parallel_loop3A_348 = arith.constant 16 : i32
      %parallel_loop3A_349 = arith.muli %parallel_loop3A_342, %parallel_loop3A_348 : i32
      %parallel_loop3A_350 = arith.constant 0 : i32
      %parallel_loop3A_351 = arith.addi %parallel_loop3A_350, %parallel_loop3A_349 : i32
      %parallel_loop3A_352 = arith.index_cast %parallel_loop3A_351 : i32 to index
      %parallel_loop3A_353 = tpu.vector_load %arg10[%parallel_loop3A_352] {strides = array<i32>} : memref<16384xf32, #tpu.memory_space<vmem>>, vector<16xf32>,
      %parallel_loop3A_354 = arith.mulf %parallel_loop3A_353, %parallel_loop3A_347 : vector<16xf32>
      %parallel_loop3A_355 = arith.index_cast %parallel_loop3A_351 : i32 to index
      %parallel_loop3A_356 = tpu.vector_load %arg10[%parallel_loop3A_355] {strides = array<i32>} : memref<16384xf32, #tpu.memory_space<vmem>>, vector<16xf32>,
      tpu.vector_store %arg10[%parallel_loop3A_355], %parallel_loop3A_354 {strides = array<i32>} : memref<16384xf32, #tpu.memory_space<vmem>>, vector<16xf32>,
    } {sc.loop_unroll_factor = 8 : i64, sc.parallel_access}
    %dma_wait3A_85 = arith.constant 4096 : i32
    %dma_wait3A_86 = tpu.memref_slice %arg3[%dma_wait3A_85] : memref<16384xi32, #tpu.memory_space<hbm>> -> memref<4096xi32, #tpu.memory_space<hbm>>
    %dma_wait3A_87 = arith.constant 4096 : i32
    %dma_wait3A_88 = tpu.memref_slice %arg3[%dma_wait3A_87] : memref<16384xi32, #tpu.memory_space<hbm>> -> memref<4096xi32, #tpu.memory_space<hbm>>
    tpu.wait_dma2 semaphore(%arg15 : memref<!tpu.dma_semaphore, #tpu.memory_space<semaphore_mem>>) src(%dma_wait3A_88 : memref<4096xi32, #tpu.memory_space<hbm>>) dst(%arg12 : memref<4096xi32, #tpu.memory_space<vmem>>)
    %dma_start3A_89 = arith.constant 8192 : i32
    %dma_start3A_90 = tpu.memref_slice %arg3[%dma_start3A_89] : memref<16384xi32, #tpu.memory_space<hbm>> -> memref<4096xi32, #tpu.memory_space<hbm>>
    %dma_start3A_91 = arith.constant 8192 : i32
    %dma_start3A_92 = tpu.memref_slice %arg3[%dma_start3A_91] : memref<16384xi32, #tpu.memory_space<hbm>> -> memref<4096xi32, #tpu.memory_space<hbm>>
    tpu.enqueue_dma source(%dma_start3A_92 : memref<4096xi32, #tpu.memory_space<hbm>>) target(%arg11 : memref<4096xi32, #tpu.memory_space<vmem>>) target_semaphore(%arg14 : memref<!tpu.dma_semaphore, #tpu.memory_space<semaphore_mem>>)
    %parallel_loop3A_93 = arith.constant 0 : i32
    %parallel_loop3A_94 = arith.constant 256 : i32
    %parallel_loop3A_95 = arith.constant 1 : i32
    scf.for %parallel_loop3A_342 = %parallel_loop3A_93 to %parallel_loop3A_94 step %parallel_loop3A_95  : i32 {
      %parallel_loop3A_343 = arith.constant 16 : i32
      %parallel_loop3A_344 = arith.muli %parallel_loop3A_342, %parallel_loop3A_343 : i32
      %parallel_loop3A_345 = arith.index_cast %parallel_loop3A_344 : i32 to index
      %parallel_loop3A_346 = tpu.vector_load %arg12[%parallel_loop3A_345] {strides = array<i32>} : memref<4096xi32, #tpu.memory_space<vmem>>, vector<16xi32>,
      %parallel_loop3A_347 = tpu.vector_load_idx %arg9[%parallel_loop3A_346] : memref<100000xf32, #tpu.memory_space<vmem>>[vector<16xi32>], vector<16xf32>,
      %parallel_loop3A_348 = arith.constant 16 : i32
      %parallel_loop3A_349 = arith.muli %parallel_loop3A_342, %parallel_loop3A_348 : i32
      %parallel_loop3A_350 = arith.constant 4096 : i32
      %parallel_loop3A_351 = arith.addi %parallel_loop3A_350, %parallel_loop3A_349 : i32
      %parallel_loop3A_352 = arith.index_cast %parallel_loop3A_351 : i32 to index
      %parallel_loop3A_353 = tpu.vector_load %arg10[%parallel_loop3A_352] {strides = array<i32>} : memref<16384xf32, #tpu.memory_space<vmem>>, vector<16xf32>,
      %parallel_loop3A_354 = arith.mulf %parallel_loop3A_353, %parallel_loop3A_347 : vector<16xf32>
      %parallel_loop3A_355 = arith.index_cast %parallel_loop3A_351 : i32 to index
      %parallel_loop3A_356 = tpu.vector_load %arg10[%parallel_loop3A_355] {strides = array<i32>} : memref<16384xf32, #tpu.memory_space<vmem>>, vector<16xf32>,
      tpu.vector_store %arg10[%parallel_loop3A_355], %parallel_loop3A_354 {strides = array<i32>} : memref<16384xf32, #tpu.memory_space<vmem>>, vector<16xf32>,
    } {sc.loop_unroll_factor = 8 : i64, sc.parallel_access}
    %dma_wait3A_96 = arith.constant 8192 : i32
    %dma_wait3A_97 = tpu.memref_slice %arg3[%dma_wait3A_96] : memref<16384xi32, #tpu.memory_space<hbm>> -> memref<4096xi32, #tpu.memory_space<hbm>>
    %dma_wait3A_98 = arith.constant 8192 : i32
    %dma_wait3A_99 = tpu.memref_slice %arg3[%dma_wait3A_98] : memref<16384xi32, #tpu.memory_space<hbm>> -> memref<4096xi32, #tpu.memory_space<hbm>>
    tpu.wait_dma2 semaphore(%arg14 : memref<!tpu.dma_semaphore, #tpu.memory_space<semaphore_mem>>) src(%dma_wait3A_99 : memref<4096xi32, #tpu.memory_space<hbm>>) dst(%arg11 : memref<4096xi32, #tpu.memory_space<vmem>>)
    %dma_start3A_100 = arith.constant 12288 : i32
    %dma_start3A_101 = tpu.memref_slice %arg3[%dma_start3A_100] : memref<16384xi32, #tpu.memory_space<hbm>> -> memref<4096xi32, #tpu.memory_space<hbm>>
    %dma_start3A_102 = arith.constant 12288 : i32
    %dma_start3A_103 = tpu.memref_slice %arg3[%dma_start3A_102] : memref<16384xi32, #tpu.memory_space<hbm>> -> memref<4096xi32, #tpu.memory_space<hbm>>
    tpu.enqueue_dma source(%dma_start3A_103 : memref<4096xi32, #tpu.memory_space<hbm>>) target(%arg12 : memref<4096xi32, #tpu.memory_space<vmem>>) target_semaphore(%arg15 : memref<!tpu.dma_semaphore, #tpu.memory_space<semaphore_mem>>)
    %parallel_loop3A_104 = arith.constant 0 : i32
    %parallel_loop3A_105 = arith.constant 256 : i32
    %parallel_loop3A_106 = arith.constant 1 : i32
    scf.for %parallel_loop3A_342 = %parallel_loop3A_104 to %parallel_loop3A_105 step %parallel_loop3A_106  : i32 {
      %parallel_loop3A_343 = arith.constant 16 : i32
      %parallel_loop3A_344 = arith.muli %parallel_loop3A_342, %parallel_loop3A_343 : i32
      %parallel_loop3A_345 = arith.index_cast %parallel_loop3A_344 : i32 to index
      %parallel_loop3A_346 = tpu.vector_load %arg11[%parallel_loop3A_345] {strides = array<i32>} : memref<4096xi32, #tpu.memory_space<vmem>>, vector<16xi32>,
      %parallel_loop3A_347 = tpu.vector_load_idx %arg9[%parallel_loop3A_346] : memref<100000xf32, #tpu.memory_space<vmem>>[vector<16xi32>], vector<16xf32>,
      %parallel_loop3A_348 = arith.constant 16 : i32
      %parallel_loop3A_349 = arith.muli %parallel_loop3A_342, %parallel_loop3A_348 : i32
      %parallel_loop3A_350 = arith.constant 8192 : i32
      %parallel_loop3A_351 = arith.addi %parallel_loop3A_350, %parallel_loop3A_349 : i32
      %parallel_loop3A_352 = arith.index_cast %parallel_loop3A_351 : i32 to index
      %parallel_loop3A_353 = tpu.vector_load %arg10[%parallel_loop3A_352] {strides = array<i32>} : memref<16384xf32, #tpu.memory_space<vmem>>, vector<16xf32>,
      %parallel_loop3A_354 = arith.mulf %parallel_loop3A_353, %parallel_loop3A_347 : vector<16xf32>
      %parallel_loop3A_355 = arith.index_cast %parallel_loop3A_351 : i32 to index
      %parallel_loop3A_356 = tpu.vector_load %arg10[%parallel_loop3A_355] {strides = array<i32>} : memref<16384xf32, #tpu.memory_space<vmem>>, vector<16xf32>,
      tpu.vector_store %arg10[%parallel_loop3A_355], %parallel_loop3A_354 {strides = array<i32>} : memref<16384xf32, #tpu.memory_space<vmem>>, vector<16xf32>,
    } {sc.loop_unroll_factor = 8 : i64, sc.parallel_access}
    %dma_wait3A_107 = arith.constant 12288 : i32
    %dma_wait3A_108 = tpu.memref_slice %arg3[%dma_wait3A_107] : memref<16384xi32, #tpu.memory_space<hbm>> -> memref<4096xi32, #tpu.memory_space<hbm>>
    %dma_wait3A_109 = arith.constant 12288 : i32
    %dma_wait3A_110 = tpu.memref_slice %arg3[%dma_wait3A_109] : memref<16384xi32, #tpu.memory_space<hbm>> -> memref<4096xi32, #tpu.memory_space<hbm>>
    tpu.wait_dma2 semaphore(%arg15 : memref<!tpu.dma_semaphore, #tpu.memory_space<semaphore_mem>>) src(%dma_wait3A_110 : memref<4096xi32, #tpu.memory_space<hbm>>) dst(%arg12 : memref<4096xi32, #tpu.memory_space<vmem>>)
    %parallel_loop3A_111 = arith.constant 0 : i32
    %parallel_loop3A_112 = arith.constant 256 : i32
    %parallel_loop3A_113 = arith.constant 1 : i32
    scf.for %parallel_loop3A_342 = %parallel_loop3A_111 to %parallel_loop3A_112 step %parallel_loop3A_113  : i32 {
      %parallel_loop3A_343 = arith.constant 16 : i32
      %parallel_loop3A_344 = arith.muli %parallel_loop3A_342, %parallel_loop3A_343 : i32
      %parallel_loop3A_345 = arith.index_cast %parallel_loop3A_344 : i32 to index
      %parallel_loop3A_346 = tpu.vector_load %arg12[%parallel_loop3A_345] {strides = array<i32>} : memref<4096xi32, #tpu.memory_space<vmem>>, vector<16xi32>,
      %parallel_loop3A_347 = tpu.vector_load_idx %arg9[%parallel_loop3A_346] : memref<100000xf32, #tpu.memory_space<vmem>>[vector<16xi32>], vector<16xf32>,
      %parallel_loop3A_348 = arith.constant 16 : i32
      %parallel_loop3A_349 = arith.muli %parallel_loop3A_342, %parallel_loop3A_348 : i32
      %parallel_loop3A_350 = arith.constant 12288 : i32
      %parallel_loop3A_351 = arith.addi %parallel_loop3A_350, %parallel_loop3A_349 : i32
      %parallel_loop3A_352 = arith.index_cast %parallel_loop3A_351 : i32 to index
      %parallel_loop3A_353 = tpu.vector_load %arg10[%parallel_loop3A_352] {strides = array<i32>} : memref<16384xf32, #tpu.memory_space<vmem>>, vector<16xf32>,
      %parallel_loop3A_354 = arith.mulf %parallel_loop3A_353, %parallel_loop3A_347 : vector<16xf32>
      %parallel_loop3A_355 = arith.index_cast %parallel_loop3A_351 : i32 to index
      %parallel_loop3A_356 = tpu.vector_load %arg10[%parallel_loop3A_355] {strides = array<i32>} : memref<16384xf32, #tpu.memory_space<vmem>>, vector<16xf32>,
      tpu.vector_store %arg10[%parallel_loop3A_355], %parallel_loop3A_354 {strides = array<i32>} : memref<16384xf32, #tpu.memory_space<vmem>>, vector<16xf32>,
    } {sc.loop_unroll_factor = 8 : i64, sc.parallel_access}
    %dma_start3A_114 = arith.constant 0 : i32
    %dma_start3A_115 = tpu.memref_slice %arg7[%add3A_4, %dma_start3A_114] : memref<64x100000xf32, #tpu.memory_space<hbm>> -> memref<1x100000xf32, #tpu.memory_space<hbm>>
    %dma_start3A_116 = tpu.memref_squeeze %dma_start3A_115 : memref<1x100000xf32, #tpu.memory_space<hbm>> -> memref<100000xf32, #tpu.memory_space<hbm>>
    %dma_start3A_117 = arith.constant 0 : i32
    %dma_start3A_118 = tpu.memref_slice %arg7[%add3A_4, %dma_start3A_117] : memref<64x100000xf32, #tpu.memory_space<hbm>> -> memref<1x100000xf32, #tpu.memory_space<hbm>>
    %dma_start3A_119 = tpu.memref_squeeze %dma_start3A_118 : memref<1x100000xf32, #tpu.memory_space<hbm>> -> memref<100000xf32, #tpu.memory_space<hbm>>
    tpu.enqueue_dma source(%dma_start3A_119 : memref<100000xf32, #tpu.memory_space<hbm>>) target(%arg9 : memref<100000xf32, #tpu.memory_space<vmem>>) target_semaphore(%arg13 : memref<!tpu.dma_semaphore, #tpu.memory_space<semaphore_mem>>)
    %dma_start3A_120 = arith.constant 0 : i32
    %dma_start3A_121 = tpu.memref_slice %arg4[%dma_start3A_120] : memref<16384xi32, #tpu.memory_space<hbm>> -> memref<4096xi32, #tpu.memory_space<hbm>>
    %dma_start3A_122 = arith.constant 0 : i32
    %dma_start3A_123 = tpu.memref_slice %arg4[%dma_start3A_122] : memref<16384xi32, #tpu.memory_space<hbm>> -> memref<4096xi32, #tpu.memory_space<hbm>>
    tpu.enqueue_dma source(%dma_start3A_123 : memref<4096xi32, #tpu.memory_space<hbm>>) target(%arg11 : memref<4096xi32, #tpu.memory_space<vmem>>) target_semaphore(%arg14 : memref<!tpu.dma_semaphore, #tpu.memory_space<semaphore_mem>>)
    %dma_wait3A_124 = arith.constant 0 : i32
    %dma_wait3A_125 = tpu.memref_slice %arg7[%add3A_4, %dma_wait3A_124] : memref<64x100000xf32, #tpu.memory_space<hbm>> -> memref<1x100000xf32, #tpu.memory_space<hbm>>
    %dma_wait3A_126 = tpu.memref_squeeze %dma_wait3A_125 : memref<1x100000xf32, #tpu.memory_space<hbm>> -> memref<100000xf32, #tpu.memory_space<hbm>>
    %dma_wait3A_127 = arith.constant 0 : i32
    %dma_wait3A_128 = tpu.memref_slice %arg7[%add3A_4, %dma_wait3A_127] : memref<64x100000xf32, #tpu.memory_space<hbm>> -> memref<1x100000xf32, #tpu.memory_space<hbm>>
    %dma_wait3A_129 = tpu.memref_squeeze %dma_wait3A_128 : memref<1x100000xf32, #tpu.memory_space<hbm>> -> memref<100000xf32, #tpu.memory_space<hbm>>
    tpu.wait_dma2 semaphore(%arg13 : memref<!tpu.dma_semaphore, #tpu.memory_space<semaphore_mem>>) src(%dma_wait3A_129 : memref<100000xf32, #tpu.memory_space<hbm>>) dst(%arg9 : memref<100000xf32, #tpu.memory_space<vmem>>)
    %dma_wait3A_130 = arith.constant 0 : i32
    %dma_wait3A_131 = tpu.memref_slice %arg4[%dma_wait3A_130] : memref<16384xi32, #tpu.memory_space<hbm>> -> memref<4096xi32, #tpu.memory_space<hbm>>
    %dma_wait3A_132 = arith.constant 0 : i32
    %dma_wait3A_133 = tpu.memref_slice %arg4[%dma_wait3A_132] : memref<16384xi32, #tpu.memory_space<hbm>> -> memref<4096xi32, #tpu.memory_space<hbm>>
    tpu.wait_dma2 semaphore(%arg14 : memref<!tpu.dma_semaphore, #tpu.memory_space<semaphore_mem>>) src(%dma_wait3A_133 : memref<4096xi32, #tpu.memory_space<hbm>>) dst(%arg11 : memref<4096xi32, #tpu.memory_space<vmem>>)
    %dma_start3A_134 = arith.constant 4096 : i32
    %dma_start3A_135 = tpu.memref_slice %arg4[%dma_start3A_134] : memref<16384xi32, #tpu.memory_space<hbm>> -> memref<4096xi32, #tpu.memory_space<hbm>>
    %dma_start3A_136 = arith.constant 4096 : i32
    %dma_start3A_137 = tpu.memref_slice %arg4[%dma_start3A_136] : memref<16384xi32, #tpu.memory_space<hbm>> -> memref<4096xi32, #tpu.memory_space<hbm>>
    tpu.enqueue_dma source(%dma_start3A_137 : memref<4096xi32, #tpu.memory_space<hbm>>) target(%arg12 : memref<4096xi32, #tpu.memory_space<vmem>>) target_semaphore(%arg15 : memref<!tpu.dma_semaphore, #tpu.memory_space<semaphore_mem>>)
    %parallel_loop3A_138 = arith.constant 0 : i32
    %parallel_loop3A_139 = arith.constant 256 : i32
    %parallel_loop3A_140 = arith.constant 1 : i32
    scf.for %parallel_loop3A_342 = %parallel_loop3A_138 to %parallel_loop3A_139 step %parallel_loop3A_140  : i32 {
      %parallel_loop3A_343 = arith.constant 16 : i32
      %parallel_loop3A_344 = arith.muli %parallel_loop3A_342, %parallel_loop3A_343 : i32
      %parallel_loop3A_345 = arith.index_cast %parallel_loop3A_344 : i32 to index
      %parallel_loop3A_346 = tpu.vector_load %arg11[%parallel_loop3A_345] {strides = array<i32>} : memref<4096xi32, #tpu.memory_space<vmem>>, vector<16xi32>,
      %parallel_loop3A_347 = tpu.vector_load_idx %arg9[%parallel_loop3A_346] : memref<100000xf32, #tpu.memory_space<vmem>>[vector<16xi32>], vector<16xf32>,
      %parallel_loop3A_348 = arith.constant 16 : i32
      %parallel_loop3A_349 = arith.muli %parallel_loop3A_342, %parallel_loop3A_348 : i32
      %parallel_loop3A_350 = arith.constant 0 : i32
      %parallel_loop3A_351 = arith.addi %parallel_loop3A_350, %parallel_loop3A_349 : i32
      %parallel_loop3A_352 = arith.index_cast %parallel_loop3A_351 : i32 to index
      %parallel_loop3A_353 = tpu.vector_load %arg10[%parallel_loop3A_352] {strides = array<i32>} : memref<16384xf32, #tpu.memory_space<vmem>>, vector<16xf32>,
      %parallel_loop3A_354 = arith.mulf %parallel_loop3A_353, %parallel_loop3A_347 : vector<16xf32>
      %parallel_loop3A_355 = arith.index_cast %parallel_loop3A_351 : i32 to index
      %parallel_loop3A_356 = tpu.vector_load %arg10[%parallel_loop3A_355] {strides = array<i32>} : memref<16384xf32, #tpu.memory_space<vmem>>, vector<16xf32>,
      tpu.vector_store %arg10[%parallel_loop3A_355], %parallel_loop3A_354 {strides = array<i32>} : memref<16384xf32, #tpu.memory_space<vmem>>, vector<16xf32>,
    } {sc.loop_unroll_factor = 8 : i64, sc.parallel_access}
    %dma_wait3A_141 = arith.constant 4096 : i32
    %dma_wait3A_142 = tpu.memref_slice %arg4[%dma_wait3A_141] : memref<16384xi32, #tpu.memory_space<hbm>> -> memref<4096xi32, #tpu.memory_space<hbm>>
    %dma_wait3A_143 = arith.constant 4096 : i32
    %dma_wait3A_144 = tpu.memref_slice %arg4[%dma_wait3A_143] : memref<16384xi32, #tpu.memory_space<hbm>> -> memref<4096xi32, #tpu.memory_space<hbm>>
    tpu.wait_dma2 semaphore(%arg15 : memref<!tpu.dma_semaphore, #tpu.memory_space<semaphore_mem>>) src(%dma_wait3A_144 : memref<4096xi32, #tpu.memory_space<hbm>>) dst(%arg12 : memref<4096xi32, #tpu.memory_space<vmem>>)
    %dma_start3A_145 = arith.constant 8192 : i32
    %dma_start3A_146 = tpu.memref_slice %arg4[%dma_start3A_145] : memref<16384xi32, #tpu.memory_space<hbm>> -> memref<4096xi32, #tpu.memory_space<hbm>>
    %dma_start3A_147 = arith.constant 8192 : i32
    %dma_start3A_148 = tpu.memref_slice %arg4[%dma_start3A_147] : memref<16384xi32, #tpu.memory_space<hbm>> -> memref<4096xi32, #tpu.memory_space<hbm>>
    tpu.enqueue_dma source(%dma_start3A_148 : memref<4096xi32, #tpu.memory_space<hbm>>) target(%arg11 : memref<4096xi32, #tpu.memory_space<vmem>>) target_semaphore(%arg14 : memref<!tpu.dma_semaphore, #tpu.memory_space<semaphore_mem>>)
    %parallel_loop3A_149 = arith.constant 0 : i32
    %parallel_loop3A_150 = arith.constant 256 : i32
    %parallel_loop3A_151 = arith.constant 1 : i32
    scf.for %parallel_loop3A_342 = %parallel_loop3A_149 to %parallel_loop3A_150 step %parallel_loop3A_151  : i32 {
      %parallel_loop3A_343 = arith.constant 16 : i32
      %parallel_loop3A_344 = arith.muli %parallel_loop3A_342, %parallel_loop3A_343 : i32
      %parallel_loop3A_345 = arith.index_cast %parallel_loop3A_344 : i32 to index
      %parallel_loop3A_346 = tpu.vector_load %arg12[%parallel_loop3A_345] {strides = array<i32>} : memref<4096xi32, #tpu.memory_space<vmem>>, vector<16xi32>,
      %parallel_loop3A_347 = tpu.vector_load_idx %arg9[%parallel_loop3A_346] : memref<100000xf32, #tpu.memory_space<vmem>>[vector<16xi32>], vector<16xf32>,
      %parallel_loop3A_348 = arith.constant 16 : i32
      %parallel_loop3A_349 = arith.muli %parallel_loop3A_342, %parallel_loop3A_348 : i32
      %parallel_loop3A_350 = arith.constant 4096 : i32
      %parallel_loop3A_351 = arith.addi %parallel_loop3A_350, %parallel_loop3A_349 : i32
      %parallel_loop3A_352 = arith.index_cast %parallel_loop3A_351 : i32 to index
      %parallel_loop3A_353 = tpu.vector_load %arg10[%parallel_loop3A_352] {strides = array<i32>} : memref<16384xf32, #tpu.memory_space<vmem>>, vector<16xf32>,
      %parallel_loop3A_354 = arith.mulf %parallel_loop3A_353, %parallel_loop3A_347 : vector<16xf32>
      %parallel_loop3A_355 = arith.index_cast %parallel_loop3A_351 : i32 to index
      %parallel_loop3A_356 = tpu.vector_load %arg10[%parallel_loop3A_355] {strides = array<i32>} : memref<16384xf32, #tpu.memory_space<vmem>>, vector<16xf32>,
      tpu.vector_store %arg10[%parallel_loop3A_355], %parallel_loop3A_354 {strides = array<i32>} : memref<16384xf32, #tpu.memory_space<vmem>>, vector<16xf32>,
    } {sc.loop_unroll_factor = 8 : i64, sc.parallel_access}
    %dma_wait3A_152 = arith.constant 8192 : i32
    %dma_wait3A_153 = tpu.memref_slice %arg4[%dma_wait3A_152] : memref<16384xi32, #tpu.memory_space<hbm>> -> memref<4096xi32, #tpu.memory_space<hbm>>
    %dma_wait3A_154 = arith.constant 8192 : i32
    %dma_wait3A_155 = tpu.memref_slice %arg4[%dma_wait3A_154] : memref<16384xi32, #tpu.memory_space<hbm>> -> memref<4096xi32, #tpu.memory_space<hbm>>
    tpu.wait_dma2 semaphore(%arg14 : memref<!tpu.dma_semaphore, #tpu.memory_space<semaphore_mem>>) src(%dma_wait3A_155 : memref<4096xi32, #tpu.memory_space<hbm>>) dst(%arg11 : memref<4096xi32, #tpu.memory_space<vmem>>)
    %dma_start3A_156 = arith.constant 12288 : i32
    %dma_start3A_157 = tpu.memref_slice %arg4[%dma_start3A_156] : memref<16384xi32, #tpu.memory_space<hbm>> -> memref<4096xi32, #tpu.memory_space<hbm>>
    %dma_start3A_158 = arith.constant 12288 : i32
    %dma_start3A_159 = tpu.memref_slice %arg4[%dma_start3A_158] : memref<16384xi32, #tpu.memory_space<hbm>> -> memref<4096xi32, #tpu.memory_space<hbm>>
    tpu.enqueue_dma source(%dma_start3A_159 : memref<4096xi32, #tpu.memory_space<hbm>>) target(%arg12 : memref<4096xi32, #tpu.memory_space<vmem>>) target_semaphore(%arg15 : memref<!tpu.dma_semaphore, #tpu.memory_space<semaphore_mem>>)
    %parallel_loop3A_160 = arith.constant 0 : i32
    %parallel_loop3A_161 = arith.constant 256 : i32
    %parallel_loop3A_162 = arith.constant 1 : i32
    scf.for %parallel_loop3A_342 = %parallel_loop3A_160 to %parallel_loop3A_161 step %parallel_loop3A_162  : i32 {
      %parallel_loop3A_343 = arith.constant 16 : i32
      %parallel_loop3A_344 = arith.muli %parallel_loop3A_342, %parallel_loop3A_343 : i32
      %parallel_loop3A_345 = arith.index_cast %parallel_loop3A_344 : i32 to index
      %parallel_loop3A_346 = tpu.vector_load %arg11[%parallel_loop3A_345] {strides = array<i32>} : memref<4096xi32, #tpu.memory_space<vmem>>, vector<16xi32>,
      %parallel_loop3A_347 = tpu.vector_load_idx %arg9[%parallel_loop3A_346] : memref<100000xf32, #tpu.memory_space<vmem>>[vector<16xi32>], vector<16xf32>,
      %parallel_loop3A_348 = arith.constant 16 : i32
      %parallel_loop3A_349 = arith.muli %parallel_loop3A_342, %parallel_loop3A_348 : i32
      %parallel_loop3A_350 = arith.constant 8192 : i32
      %parallel_loop3A_351 = arith.addi %parallel_loop3A_350, %parallel_loop3A_349 : i32
      %parallel_loop3A_352 = arith.index_cast %parallel_loop3A_351 : i32 to index
      %parallel_loop3A_353 = tpu.vector_load %arg10[%parallel_loop3A_352] {strides = array<i32>} : memref<16384xf32, #tpu.memory_space<vmem>>, vector<16xf32>,
      %parallel_loop3A_354 = arith.mulf %parallel_loop3A_353, %parallel_loop3A_347 : vector<16xf32>
      %parallel_loop3A_355 = arith.index_cast %parallel_loop3A_351 : i32 to index
      %parallel_loop3A_356 = tpu.vector_load %arg10[%parallel_loop3A_355] {strides = array<i32>} : memref<16384xf32, #tpu.memory_space<vmem>>, vector<16xf32>,
      tpu.vector_store %arg10[%parallel_loop3A_355], %parallel_loop3A_354 {strides = array<i32>} : memref<16384xf32, #tpu.memory_space<vmem>>, vector<16xf32>,
    } {sc.loop_unroll_factor = 8 : i64, sc.parallel_access}
    %dma_wait3A_163 = arith.constant 12288 : i32
    %dma_wait3A_164 = tpu.memref_slice %arg4[%dma_wait3A_163] : memref<16384xi32, #tpu.memory_space<hbm>> -> memref<4096xi32, #tpu.memory_space<hbm>>
    %dma_wait3A_165 = arith.constant 12288 : i32
    %dma_wait3A_166 = tpu.memref_slice %arg4[%dma_wait3A_165] : memref<16384xi32, #tpu.memory_space<hbm>> -> memref<4096xi32, #tpu.memory_space<hbm>>
    tpu.wait_dma2 semaphore(%arg15 : memref<!tpu.dma_semaphore, #tpu.memory_space<semaphore_mem>>) src(%dma_wait3A_166 : memref<4096xi32, #tpu.memory_space<hbm>>) dst(%arg12 : memref<4096xi32, #tpu.memory_space<vmem>>)
    %parallel_loop3A_167 = arith.constant 0 : i32
    %parallel_loop3A_168 = arith.constant 256 : i32
    %parallel_loop3A_169 = arith.constant 1 : i32
    scf.for %parallel_loop3A_342 = %parallel_loop3A_167 to %parallel_loop3A_168 step %parallel_loop3A_169  : i32 {
      %parallel_loop3A_343 = arith.constant 16 : i32
      %parallel_loop3A_344 = arith.muli %parallel_loop3A_342, %parallel_loop3A_343 : i32
      %parallel_loop3A_345 = arith.index_cast %parallel_loop3A_344 : i32 to index
      %parallel_loop3A_346 = tpu.vector_load %arg12[%parallel_loop3A_345] {strides = array<i32>} : memref<4096xi32, #tpu.memory_space<vmem>>, vector<16xi32>,
      %parallel_loop3A_347 = tpu.vector_load_idx %arg9[%parallel_loop3A_346] : memref<100000xf32, #tpu.memory_space<vmem>>[vector<16xi32>], vector<16xf32>,
      %parallel_loop3A_348 = arith.constant 16 : i32
      %parallel_loop3A_349 = arith.muli %parallel_loop3A_342, %parallel_loop3A_348 : i32
      %parallel_loop3A_350 = arith.constant 12288 : i32
      %parallel_loop3A_351 = arith.addi %parallel_loop3A_350, %parallel_loop3A_349 : i32
      %parallel_loop3A_352 = arith.index_cast %parallel_loop3A_351 : i32 to index
      %parallel_loop3A_353 = tpu.vector_load %arg10[%parallel_loop3A_352] {strides = array<i32>} : memref<16384xf32, #tpu.memory_space<vmem>>, vector<16xf32>,
      %parallel_loop3A_354 = arith.mulf %parallel_loop3A_353, %parallel_loop3A_347 : vector<16xf32>
      %parallel_loop3A_355 = arith.index_cast %parallel_loop3A_351 : i32 to index
      %parallel_loop3A_356 = tpu.vector_load %arg10[%parallel_loop3A_355] {strides = array<i32>} : memref<16384xf32, #tpu.memory_space<vmem>>, vector<16xf32>,
      tpu.vector_store %arg10[%parallel_loop3A_355], %parallel_loop3A_354 {strides = array<i32>} : memref<16384xf32, #tpu.memory_space<vmem>>, vector<16xf32>,
    } {sc.loop_unroll_factor = 8 : i64, sc.parallel_access}
    "tpu.region"() ({
      %run_scoped3A = tpu.sem_alloc : memref<!tpu.dma_semaphore, #tpu.memory_space<semaphore_mem>>
      %dma_start3A_342 = arith.constant 0 : i32
      %dma_start3A_343 = tpu.memref_slice %arg8[%add3A_4, %dma_start3A_342] : memref<64x16384xf32, #tpu.memory_space<hbm>> -> memref<1x16384xf32, #tpu.memory_space<hbm>>
      %dma_start3A_344 = tpu.memref_squeeze %dma_start3A_343 : memref<1x16384xf32, #tpu.memory_space<hbm>> -> memref<16384xf32, #tpu.memory_space<hbm>>
      %dma_start3A_345 = arith.constant 0 : i32
      %dma_start3A_346 = tpu.memref_slice %arg8[%add3A_4, %dma_start3A_345] : memref<64x16384xf32, #tpu.memory_space<hbm>> -> memref<1x16384xf32, #tpu.memory_space<hbm>>
      %dma_start3A_347 = tpu.memref_squeeze %dma_start3A_346 : memref<1x16384xf32, #tpu.memory_space<hbm>> -> memref<16384xf32, #tpu.memory_space<hbm>>
      tpu.enqueue_dma source(%arg10 : memref<16384xf32, #tpu.memory_space<vmem>>) target(%dma_start3A_347 : memref<16384xf32, #tpu.memory_space<hbm>>) target_semaphore(%run_scoped3A : memref<!tpu.dma_semaphore, #tpu.memory_space<semaphore_mem>>)
      %dma_wait3A_348 = arith.constant 0 : i32
      %dma_wait3A_349 = tpu.memref_slice %arg8[%add3A_4, %dma_wait3A_348] : memref<64x16384xf32, #tpu.memory_space<hbm>> -> memref<1x16384xf32, #tpu.memory_space<hbm>>
      %dma_wait3A_350 = tpu.memref_squeeze %dma_wait3A_349 : memref<1x16384xf32, #tpu.memory_space<hbm>> -> memref<16384xf32, #tpu.memory_space<hbm>>
      %dma_wait3A_351 = arith.constant 0 : i32
      %dma_wait3A_352 = tpu.memref_slice %arg8[%add3A_4, %dma_wait3A_351] : memref<64x16384xf32, #tpu.memory_space<hbm>> -> memref<1x16384xf32, #tpu.memory_space<hbm>>
      %dma_wait3A_353 = tpu.memref_squeeze %dma_wait3A_352 : memref<1x16384xf32, #tpu.memory_space<hbm>> -> memref<16384xf32, #tpu.memory_space<hbm>>
      tpu.wait_dma2 semaphore(%run_scoped3A : memref<!tpu.dma_semaphore, #tpu.memory_space<semaphore_mem>>) src(%arg10 : memref<16384xf32, #tpu.memory_space<vmem>>) dst(%dma_wait3A_353 : memref<16384xf32, #tpu.memory_space<hbm>>)
      tpu.yield
    }) : () -> ()
    %mul3A_170 = arith.constant 2 : i32
    %mul3A_171 = arith.muli %add3A, %mul3A_170 : i32
    %add3A_172 = arith.constant 1 : i32
    %add3A_173 = arith.addi %mul3A_171, %add3A_172 : i32
    %dma_start3A_174 = arith.constant 0 : i32
    %dma_start3A_175 = tpu.memref_slice %arg5[%add3A_173, %dma_start3A_174] : memref<64x100000xf32, #tpu.memory_space<hbm>> -> memref<1x100000xf32, #tpu.memory_space<hbm>>
    %dma_start3A_176 = tpu.memref_squeeze %dma_start3A_175 : memref<1x100000xf32, #tpu.memory_space<hbm>> -> memref<100000xf32, #tpu.memory_space<hbm>>
    %dma_start3A_177 = arith.constant 0 : i32
    %dma_start3A_178 = tpu.memref_slice %arg5[%add3A_173, %dma_start3A_177] : memref<64x100000xf32, #tpu.memory_space<hbm>> -> memref<1x100000xf32, #tpu.memory_space<hbm>>
    %dma_start3A_179 = tpu.memref_squeeze %dma_start3A_178 : memref<1x100000xf32, #tpu.memory_space<hbm>> -> memref<100000xf32, #tpu.memory_space<hbm>>
    tpu.enqueue_dma source(%dma_start3A_179 : memref<100000xf32, #tpu.memory_space<hbm>>) target(%arg9 : memref<100000xf32, #tpu.memory_space<vmem>>) target_semaphore(%arg13 : memref<!tpu.dma_semaphore, #tpu.memory_space<semaphore_mem>>)
    %dma_start3A_180 = arith.constant 0 : i32
    %dma_start3A_181 = tpu.memref_slice %arg2[%dma_start3A_180] : memref<16384xi32, #tpu.memory_space<hbm>> -> memref<4096xi32, #tpu.memory_space<hbm>>
    %dma_start3A_182 = arith.constant 0 : i32
    %dma_start3A_183 = tpu.memref_slice %arg2[%dma_start3A_182] : memref<16384xi32, #tpu.memory_space<hbm>> -> memref<4096xi32, #tpu.memory_space<hbm>>
    tpu.enqueue_dma source(%dma_start3A_183 : memref<4096xi32, #tpu.memory_space<hbm>>) target(%arg11 : memref<4096xi32, #tpu.memory_space<vmem>>) target_semaphore(%arg14 : memref<!tpu.dma_semaphore, #tpu.memory_space<semaphore_mem>>)
    %dma_wait3A_184 = arith.constant 0 : i32
    %dma_wait3A_185 = tpu.memref_slice %arg5[%add3A_173, %dma_wait3A_184] : memref<64x100000xf32, #tpu.memory_space<hbm>> -> memref<1x100000xf32, #tpu.memory_space<hbm>>
    %dma_wait3A_186 = tpu.memref_squeeze %dma_wait3A_185 : memref<1x100000xf32, #tpu.memory_space<hbm>> -> memref<100000xf32, #tpu.memory_space<hbm>>
    %dma_wait3A_187 = arith.constant 0 : i32
    %dma_wait3A_188 = tpu.memref_slice %arg5[%add3A_173, %dma_wait3A_187] : memref<64x100000xf32, #tpu.memory_space<hbm>> -> memref<1x100000xf32, #tpu.memory_space<hbm>>
    %dma_wait3A_189 = tpu.memref_squeeze %dma_wait3A_188 : memref<1x100000xf32, #tpu.memory_space<hbm>> -> memref<100000xf32, #tpu.memory_space<hbm>>
    tpu.wait_dma2 semaphore(%arg13 : memref<!tpu.dma_semaphore, #tpu.memory_space<semaphore_mem>>) src(%dma_wait3A_189 : memref<100000xf32, #tpu.memory_space<hbm>>) dst(%arg9 : memref<100000xf32, #tpu.memory_space<vmem>>)
    %dma_wait3A_190 = arith.constant 0 : i32
    %dma_wait3A_191 = tpu.memref_slice %arg2[%dma_wait3A_190] : memref<16384xi32, #tpu.memory_space<hbm>> -> memref<4096xi32, #tpu.memory_space<hbm>>
    %dma_wait3A_192 = arith.constant 0 : i32
    %dma_wait3A_193 = tpu.memref_slice %arg2[%dma_wait3A_192] : memref<16384xi32, #tpu.memory_space<hbm>> -> memref<4096xi32, #tpu.memory_space<hbm>>
    tpu.wait_dma2 semaphore(%arg14 : memref<!tpu.dma_semaphore, #tpu.memory_space<semaphore_mem>>) src(%dma_wait3A_193 : memref<4096xi32, #tpu.memory_space<hbm>>) dst(%arg11 : memref<4096xi32, #tpu.memory_space<vmem>>)
    %dma_start3A_194 = arith.constant 4096 : i32
    %dma_start3A_195 = tpu.memref_slice %arg2[%dma_start3A_194] : memref<16384xi32, #tpu.memory_space<hbm>> -> memref<4096xi32, #tpu.memory_space<hbm>>
    %dma_start3A_196 = arith.constant 4096 : i32
    %dma_start3A_197 = tpu.memref_slice %arg2[%dma_start3A_196] : memref<16384xi32, #tpu.memory_space<hbm>> -> memref<4096xi32, #tpu.memory_space<hbm>>
    tpu.enqueue_dma source(%dma_start3A_197 : memref<4096xi32, #tpu.memory_space<hbm>>) target(%arg12 : memref<4096xi32, #tpu.memory_space<vmem>>) target_semaphore(%arg15 : memref<!tpu.dma_semaphore, #tpu.memory_space<semaphore_mem>>)
    %parallel_loop3A_198 = arith.constant 0 : i32
    %parallel_loop3A_199 = arith.constant 256 : i32
    %parallel_loop3A_200 = arith.constant 1 : i32
    scf.for %parallel_loop3A_342 = %parallel_loop3A_198 to %parallel_loop3A_199 step %parallel_loop3A_200  : i32 {
      %parallel_loop3A_343 = arith.constant 16 : i32
      %parallel_loop3A_344 = arith.muli %parallel_loop3A_342, %parallel_loop3A_343 : i32
      %parallel_loop3A_345 = arith.index_cast %parallel_loop3A_344 : i32 to index
      %parallel_loop3A_346 = tpu.vector_load %arg11[%parallel_loop3A_345] {strides = array<i32>} : memref<4096xi32, #tpu.memory_space<vmem>>, vector<16xi32>,
      %parallel_loop3A_347 = tpu.vector_load_idx %arg9[%parallel_loop3A_346] : memref<100000xf32, #tpu.memory_space<vmem>>[vector<16xi32>], vector<16xf32>,
      %parallel_loop3A_348 = arith.constant 16 : i32
      %parallel_loop3A_349 = arith.muli %parallel_loop3A_342, %parallel_loop3A_348 : i32
      %parallel_loop3A_350 = arith.constant 0 : i32
      %parallel_loop3A_351 = arith.addi %parallel_loop3A_350, %parallel_loop3A_349 : i32
      %parallel_loop3A_352 = arith.index_cast %parallel_loop3A_351 : i32 to index
      %parallel_loop3A_353 = tpu.vector_load %arg10[%parallel_loop3A_352] {strides = array<i32>} : memref<16384xf32, #tpu.memory_space<vmem>>, vector<16xf32>,
      tpu.vector_store %arg10[%parallel_loop3A_352], %parallel_loop3A_347 {strides = array<i32>} : memref<16384xf32, #tpu.memory_space<vmem>>, vector<16xf32>,
    } {sc.loop_unroll_factor = 8 : i64, sc.parallel_access}
    %dma_wait3A_201 = arith.constant 4096 : i32
    %dma_wait3A_202 = tpu.memref_slice %arg2[%dma_wait3A_201] : memref<16384xi32, #tpu.memory_space<hbm>> -> memref<4096xi32, #tpu.memory_space<hbm>>
    %dma_wait3A_203 = arith.constant 4096 : i32
    %dma_wait3A_204 = tpu.memref_slice %arg2[%dma_wait3A_203] : memref<16384xi32, #tpu.memory_space<hbm>> -> memref<4096xi32, #tpu.memory_space<hbm>>
    tpu.wait_dma2 semaphore(%arg15 : memref<!tpu.dma_semaphore, #tpu.memory_space<semaphore_mem>>) src(%dma_wait3A_204 : memref<4096xi32, #tpu.memory_space<hbm>>) dst(%arg12 : memref<4096xi32, #tpu.memory_space<vmem>>)
    %dma_start3A_205 = arith.constant 8192 : i32
    %dma_start3A_206 = tpu.memref_slice %arg2[%dma_start3A_205] : memref<16384xi32, #tpu.memory_space<hbm>> -> memref<4096xi32, #tpu.memory_space<hbm>>
    %dma_start3A_207 = arith.constant 8192 : i32
    %dma_start3A_208 = tpu.memref_slice %arg2[%dma_start3A_207] : memref<16384xi32, #tpu.memory_space<hbm>> -> memref<4096xi32, #tpu.memory_space<hbm>>
    tpu.enqueue_dma source(%dma_start3A_208 : memref<4096xi32, #tpu.memory_space<hbm>>) target(%arg11 : memref<4096xi32, #tpu.memory_space<vmem>>) target_semaphore(%arg14 : memref<!tpu.dma_semaphore, #tpu.memory_space<semaphore_mem>>)
    %parallel_loop3A_209 = arith.constant 0 : i32
    %parallel_loop3A_210 = arith.constant 256 : i32
    %parallel_loop3A_211 = arith.constant 1 : i32
    scf.for %parallel_loop3A_342 = %parallel_loop3A_209 to %parallel_loop3A_210 step %parallel_loop3A_211  : i32 {
      %parallel_loop3A_343 = arith.constant 16 : i32
      %parallel_loop3A_344 = arith.muli %parallel_loop3A_342, %parallel_loop3A_343 : i32
      %parallel_loop3A_345 = arith.index_cast %parallel_loop3A_344 : i32 to index
      %parallel_loop3A_346 = tpu.vector_load %arg12[%parallel_loop3A_345] {strides = array<i32>} : memref<4096xi32, #tpu.memory_space<vmem>>, vector<16xi32>,
      %parallel_loop3A_347 = tpu.vector_load_idx %arg9[%parallel_loop3A_346] : memref<100000xf32, #tpu.memory_space<vmem>>[vector<16xi32>], vector<16xf32>,
      %parallel_loop3A_348 = arith.constant 16 : i32
      %parallel_loop3A_349 = arith.muli %parallel_loop3A_342, %parallel_loop3A_348 : i32
      %parallel_loop3A_350 = arith.constant 4096 : i32
      %parallel_loop3A_351 = arith.addi %parallel_loop3A_350, %parallel_loop3A_349 : i32
      %parallel_loop3A_352 = arith.index_cast %parallel_loop3A_351 : i32 to index
      %parallel_loop3A_353 = tpu.vector_load %arg10[%parallel_loop3A_352] {strides = array<i32>} : memref<16384xf32, #tpu.memory_space<vmem>>, vector<16xf32>,
      tpu.vector_store %arg10[%parallel_loop3A_352], %parallel_loop3A_347 {strides = array<i32>} : memref<16384xf32, #tpu.memory_space<vmem>>, vector<16xf32>,
    } {sc.loop_unroll_factor = 8 : i64, sc.parallel_access}
    %dma_wait3A_212 = arith.constant 8192 : i32
    %dma_wait3A_213 = tpu.memref_slice %arg2[%dma_wait3A_212] : memref<16384xi32, #tpu.memory_space<hbm>> -> memref<4096xi32, #tpu.memory_space<hbm>>
    %dma_wait3A_214 = arith.constant 8192 : i32
    %dma_wait3A_215 = tpu.memref_slice %arg2[%dma_wait3A_214] : memref<16384xi32, #tpu.memory_space<hbm>> -> memref<4096xi32, #tpu.memory_space<hbm>>
    tpu.wait_dma2 semaphore(%arg14 : memref<!tpu.dma_semaphore, #tpu.memory_space<semaphore_mem>>) src(%dma_wait3A_215 : memref<4096xi32, #tpu.memory_space<hbm>>) dst(%arg11 : memref<4096xi32, #tpu.memory_space<vmem>>)
    %dma_start3A_216 = arith.constant 12288 : i32
    %dma_start3A_217 = tpu.memref_slice %arg2[%dma_start3A_216] : memref<16384xi32, #tpu.memory_space<hbm>> -> memref<4096xi32, #tpu.memory_space<hbm>>
    %dma_start3A_218 = arith.constant 12288 : i32
    %dma_start3A_219 = tpu.memref_slice %arg2[%dma_start3A_218] : memref<16384xi32, #tpu.memory_space<hbm>> -> memref<4096xi32, #tpu.memory_space<hbm>>
    tpu.enqueue_dma source(%dma_start3A_219 : memref<4096xi32, #tpu.memory_space<hbm>>) target(%arg12 : memref<4096xi32, #tpu.memory_space<vmem>>) target_semaphore(%arg15 : memref<!tpu.dma_semaphore, #tpu.memory_space<semaphore_mem>>)
    %parallel_loop3A_220 = arith.constant 0 : i32
    %parallel_loop3A_221 = arith.constant 256 : i32
    %parallel_loop3A_222 = arith.constant 1 : i32
    scf.for %parallel_loop3A_342 = %parallel_loop3A_220 to %parallel_loop3A_221 step %parallel_loop3A_222  : i32 {
      %parallel_loop3A_343 = arith.constant 16 : i32
      %parallel_loop3A_344 = arith.muli %parallel_loop3A_342, %parallel_loop3A_343 : i32
      %parallel_loop3A_345 = arith.index_cast %parallel_loop3A_344 : i32 to index
      %parallel_loop3A_346 = tpu.vector_load %arg11[%parallel_loop3A_345] {strides = array<i32>} : memref<4096xi32, #tpu.memory_space<vmem>>, vector<16xi32>,
      %parallel_loop3A_347 = tpu.vector_load_idx %arg9[%parallel_loop3A_346] : memref<100000xf32, #tpu.memory_space<vmem>>[vector<16xi32>], vector<16xf32>,
      %parallel_loop3A_348 = arith.constant 16 : i32
      %parallel_loop3A_349 = arith.muli %parallel_loop3A_342, %parallel_loop3A_348 : i32
      %parallel_loop3A_350 = arith.constant 8192 : i32
      %parallel_loop3A_351 = arith.addi %parallel_loop3A_350, %parallel_loop3A_349 : i32
      %parallel_loop3A_352 = arith.index_cast %parallel_loop3A_351 : i32 to index
      %parallel_loop3A_353 = tpu.vector_load %arg10[%parallel_loop3A_352] {strides = array<i32>} : memref<16384xf32, #tpu.memory_space<vmem>>, vector<16xf32>,
      tpu.vector_store %arg10[%parallel_loop3A_352], %parallel_loop3A_347 {strides = array<i32>} : memref<16384xf32, #tpu.memory_space<vmem>>, vector<16xf32>,
    } {sc.loop_unroll_factor = 8 : i64, sc.parallel_access}
    %dma_wait3A_223 = arith.constant 12288 : i32
    %dma_wait3A_224 = tpu.memref_slice %arg2[%dma_wait3A_223] : memref<16384xi32, #tpu.memory_space<hbm>> -> memref<4096xi32, #tpu.memory_space<hbm>>
    %dma_wait3A_225 = arith.constant 12288 : i32
    %dma_wait3A_226 = tpu.memref_slice %arg2[%dma_wait3A_225] : memref<16384xi32, #tpu.memory_space<hbm>> -> memref<4096xi32, #tpu.memory_space<hbm>>
    tpu.wait_dma2 semaphore(%arg15 : memref<!tpu.dma_semaphore, #tpu.memory_space<semaphore_mem>>) src(%dma_wait3A_226 : memref<4096xi32, #tpu.memory_space<hbm>>) dst(%arg12 : memref<4096xi32, #tpu.memory_space<vmem>>)
    %parallel_loop3A_227 = arith.constant 0 : i32
    %parallel_loop3A_228 = arith.constant 256 : i32
    %parallel_loop3A_229 = arith.constant 1 : i32
    scf.for %parallel_loop3A_342 = %parallel_loop3A_227 to %parallel_loop3A_228 step %parallel_loop3A_229  : i32 {
      %parallel_loop3A_343 = arith.constant 16 : i32
      %parallel_loop3A_344 = arith.muli %parallel_loop3A_342, %parallel_loop3A_343 : i32
      %parallel_loop3A_345 = arith.index_cast %parallel_loop3A_344 : i32 to index
      %parallel_loop3A_346 = tpu.vector_load %arg12[%parallel_loop3A_345] {strides = array<i32>} : memref<4096xi32, #tpu.memory_space<vmem>>, vector<16xi32>,
      %parallel_loop3A_347 = tpu.vector_load_idx %arg9[%parallel_loop3A_346] : memref<100000xf32, #tpu.memory_space<vmem>>[vector<16xi32>], vector<16xf32>,
      %parallel_loop3A_348 = arith.constant 16 : i32
      %parallel_loop3A_349 = arith.muli %parallel_loop3A_342, %parallel_loop3A_348 : i32
      %parallel_loop3A_350 = arith.constant 12288 : i32
      %parallel_loop3A_351 = arith.addi %parallel_loop3A_350, %parallel_loop3A_349 : i32
      %parallel_loop3A_352 = arith.index_cast %parallel_loop3A_351 : i32 to index
      %parallel_loop3A_353 = tpu.vector_load %arg10[%parallel_loop3A_352] {strides = array<i32>} : memref<16384xf32, #tpu.memory_space<vmem>>, vector<16xf32>,
      tpu.vector_store %arg10[%parallel_loop3A_352], %parallel_loop3A_347 {strides = array<i32>} : memref<16384xf32, #tpu.memory_space<vmem>>, vector<16xf32>,
    } {sc.loop_unroll_factor = 8 : i64, sc.parallel_access}
    %dma_start3A_230 = arith.constant 0 : i32
    %dma_start3A_231 = tpu.memref_slice %arg6[%add3A_173, %dma_start3A_230] : memref<64x100000xf32, #tpu.memory_space<hbm>> -> memref<1x100000xf32, #tpu.memory_space<hbm>>
    %dma_start3A_232 = tpu.memref_squeeze %dma_start3A_231 : memref<1x100000xf32, #tpu.memory_space<hbm>> -> memref<100000xf32, #tpu.memory_space<hbm>>
    %dma_start3A_233 = arith.constant 0 : i32
    %dma_start3A_234 = tpu.memref_slice %arg6[%add3A_173, %dma_start3A_233] : memref<64x100000xf32, #tpu.memory_space<hbm>> -> memref<1x100000xf32, #tpu.memory_space<hbm>>
    %dma_start3A_235 = tpu.memref_squeeze %dma_start3A_234 : memref<1x100000xf32, #tpu.memory_space<hbm>> -> memref<100000xf32, #tpu.memory_space<hbm>>
    tpu.enqueue_dma source(%dma_start3A_235 : memref<100000xf32, #tpu.memory_space<hbm>>) target(%arg9 : memref<100000xf32, #tpu.memory_space<vmem>>) target_semaphore(%arg13 : memref<!tpu.dma_semaphore, #tpu.memory_space<semaphore_mem>>)
    %dma_start3A_236 = arith.constant 0 : i32
    %dma_start3A_237 = tpu.memref_slice %arg3[%dma_start3A_236] : memref<16384xi32, #tpu.memory_space<hbm>> -> memref<4096xi32, #tpu.memory_space<hbm>>
    %dma_start3A_238 = arith.constant 0 : i32
    %dma_start3A_239 = tpu.memref_slice %arg3[%dma_start3A_238] : memref<16384xi32, #tpu.memory_space<hbm>> -> memref<4096xi32, #tpu.memory_space<hbm>>
    tpu.enqueue_dma source(%dma_start3A_239 : memref<4096xi32, #tpu.memory_space<hbm>>) target(%arg11 : memref<4096xi32, #tpu.memory_space<vmem>>) target_semaphore(%arg14 : memref<!tpu.dma_semaphore, #tpu.memory_space<semaphore_mem>>)
    %dma_wait3A_240 = arith.constant 0 : i32
    %dma_wait3A_241 = tpu.memref_slice %arg6[%add3A_173, %dma_wait3A_240] : memref<64x100000xf32, #tpu.memory_space<hbm>> -> memref<1x100000xf32, #tpu.memory_space<hbm>>
    %dma_wait3A_242 = tpu.memref_squeeze %dma_wait3A_241 : memref<1x100000xf32, #tpu.memory_space<hbm>> -> memref<100000xf32, #tpu.memory_space<hbm>>
    %dma_wait3A_243 = arith.constant 0 : i32
    %dma_wait3A_244 = tpu.memref_slice %arg6[%add3A_173, %dma_wait3A_243] : memref<64x100000xf32, #tpu.memory_space<hbm>> -> memref<1x100000xf32, #tpu.memory_space<hbm>>
    %dma_wait3A_245 = tpu.memref_squeeze %dma_wait3A_244 : memref<1x100000xf32, #tpu.memory_space<hbm>> -> memref<100000xf32, #tpu.memory_space<hbm>>
    tpu.wait_dma2 semaphore(%arg13 : memref<!tpu.dma_semaphore, #tpu.memory_space<semaphore_mem>>) src(%dma_wait3A_245 : memref<100000xf32, #tpu.memory_space<hbm>>) dst(%arg9 : memref<100000xf32, #tpu.memory_space<vmem>>)
    %dma_wait3A_246 = arith.constant 0 : i32
    %dma_wait3A_247 = tpu.memref_slice %arg3[%dma_wait3A_246] : memref<16384xi32, #tpu.memory_space<hbm>> -> memref<4096xi32, #tpu.memory_space<hbm>>
    %dma_wait3A_248 = arith.constant 0 : i32
    %dma_wait3A_249 = tpu.memref_slice %arg3[%dma_wait3A_248] : memref<16384xi32, #tpu.memory_space<hbm>> -> memref<4096xi32, #tpu.memory_space<hbm>>
    tpu.wait_dma2 semaphore(%arg14 : memref<!tpu.dma_semaphore, #tpu.memory_space<semaphore_mem>>) src(%dma_wait3A_249 : memref<4096xi32, #tpu.memory_space<hbm>>) dst(%arg11 : memref<4096xi32, #tpu.memory_space<vmem>>)
    %dma_start3A_250 = arith.constant 4096 : i32
    %dma_start3A_251 = tpu.memref_slice %arg3[%dma_start3A_250] : memref<16384xi32, #tpu.memory_space<hbm>> -> memref<4096xi32, #tpu.memory_space<hbm>>
    %dma_start3A_252 = arith.constant 4096 : i32
    %dma_start3A_253 = tpu.memref_slice %arg3[%dma_start3A_252] : memref<16384xi32, #tpu.memory_space<hbm>> -> memref<4096xi32, #tpu.memory_space<hbm>>
    tpu.enqueue_dma source(%dma_start3A_253 : memref<4096xi32, #tpu.memory_space<hbm>>) target(%arg12 : memref<4096xi32, #tpu.memory_space<vmem>>) target_semaphore(%arg15 : memref<!tpu.dma_semaphore, #tpu.memory_space<semaphore_mem>>)
    %parallel_loop3A_254 = arith.constant 0 : i32
    %parallel_loop3A_255 = arith.constant 256 : i32
    %parallel_loop3A_256 = arith.constant 1 : i32
    scf.for %parallel_loop3A_342 = %parallel_loop3A_254 to %parallel_loop3A_255 step %parallel_loop3A_256  : i32 {
      %parallel_loop3A_343 = arith.constant 16 : i32
      %parallel_loop3A_344 = arith.muli %parallel_loop3A_342, %parallel_loop3A_343 : i32
      %parallel_loop3A_345 = arith.index_cast %parallel_loop3A_344 : i32 to index
      %parallel_loop3A_346 = tpu.vector_load %arg11[%parallel_loop3A_345] {strides = array<i32>} : memref<4096xi32, #tpu.memory_space<vmem>>, vector<16xi32>,
      %parallel_loop3A_347 = tpu.vector_load_idx %arg9[%parallel_loop3A_346] : memref<100000xf32, #tpu.memory_space<vmem>>[vector<16xi32>], vector<16xf32>,
      %parallel_loop3A_348 = arith.constant 16 : i32
      %parallel_loop3A_349 = arith.muli %parallel_loop3A_342, %parallel_loop3A_348 : i32
      %parallel_loop3A_350 = arith.constant 0 : i32
      %parallel_loop3A_351 = arith.addi %parallel_loop3A_350, %parallel_loop3A_349 : i32
      %parallel_loop3A_352 = arith.index_cast %parallel_loop3A_351 : i32 to index
      %parallel_loop3A_353 = tpu.vector_load %arg10[%parallel_loop3A_352] {strides = array<i32>} : memref<16384xf32, #tpu.memory_space<vmem>>, vector<16xf32>,
      %parallel_loop3A_354 = arith.mulf %parallel_loop3A_353, %parallel_loop3A_347 : vector<16xf32>
      %parallel_loop3A_355 = arith.index_cast %parallel_loop3A_351 : i32 to index
      %parallel_loop3A_356 = tpu.vector_load %arg10[%parallel_loop3A_355] {strides = array<i32>} : memref<16384xf32, #tpu.memory_space<vmem>>, vector<16xf32>,
      tpu.vector_store %arg10[%parallel_loop3A_355], %parallel_loop3A_354 {strides = array<i32>} : memref<16384xf32, #tpu.memory_space<vmem>>, vector<16xf32>,
    } {sc.loop_unroll_factor = 8 : i64, sc.parallel_access}
    %dma_wait3A_257 = arith.constant 4096 : i32
    %dma_wait3A_258 = tpu.memref_slice %arg3[%dma_wait3A_257] : memref<16384xi32, #tpu.memory_space<hbm>> -> memref<4096xi32, #tpu.memory_space<hbm>>
    %dma_wait3A_259 = arith.constant 4096 : i32
    %dma_wait3A_260 = tpu.memref_slice %arg3[%dma_wait3A_259] : memref<16384xi32, #tpu.memory_space<hbm>> -> memref<4096xi32, #tpu.memory_space<hbm>>
    tpu.wait_dma2 semaphore(%arg15 : memref<!tpu.dma_semaphore, #tpu.memory_space<semaphore_mem>>) src(%dma_wait3A_260 : memref<4096xi32, #tpu.memory_space<hbm>>) dst(%arg12 : memref<4096xi32, #tpu.memory_space<vmem>>)
    %dma_start3A_261 = arith.constant 8192 : i32
    %dma_start3A_262 = tpu.memref_slice %arg3[%dma_start3A_261] : memref<16384xi32, #tpu.memory_space<hbm>> -> memref<4096xi32, #tpu.memory_space<hbm>>
    %dma_start3A_263 = arith.constant 8192 : i32
    %dma_start3A_264 = tpu.memref_slice %arg3[%dma_start3A_263] : memref<16384xi32, #tpu.memory_space<hbm>> -> memref<4096xi32, #tpu.memory_space<hbm>>
    tpu.enqueue_dma source(%dma_start3A_264 : memref<4096xi32, #tpu.memory_space<hbm>>) target(%arg11 : memref<4096xi32, #tpu.memory_space<vmem>>) target_semaphore(%arg14 : memref<!tpu.dma_semaphore, #tpu.memory_space<semaphore_mem>>)
    %parallel_loop3A_265 = arith.constant 0 : i32
    %parallel_loop3A_266 = arith.constant 256 : i32
    %parallel_loop3A_267 = arith.constant 1 : i32
    scf.for %parallel_loop3A_342 = %parallel_loop3A_265 to %parallel_loop3A_266 step %parallel_loop3A_267  : i32 {
      %parallel_loop3A_343 = arith.constant 16 : i32
      %parallel_loop3A_344 = arith.muli %parallel_loop3A_342, %parallel_loop3A_343 : i32
      %parallel_loop3A_345 = arith.index_cast %parallel_loop3A_344 : i32 to index
      %parallel_loop3A_346 = tpu.vector_load %arg12[%parallel_loop3A_345] {strides = array<i32>} : memref<4096xi32, #tpu.memory_space<vmem>>, vector<16xi32>,
      %parallel_loop3A_347 = tpu.vector_load_idx %arg9[%parallel_loop3A_346] : memref<100000xf32, #tpu.memory_space<vmem>>[vector<16xi32>], vector<16xf32>,
      %parallel_loop3A_348 = arith.constant 16 : i32
      %parallel_loop3A_349 = arith.muli %parallel_loop3A_342, %parallel_loop3A_348 : i32
      %parallel_loop3A_350 = arith.constant 4096 : i32
      %parallel_loop3A_351 = arith.addi %parallel_loop3A_350, %parallel_loop3A_349 : i32
      %parallel_loop3A_352 = arith.index_cast %parallel_loop3A_351 : i32 to index
      %parallel_loop3A_353 = tpu.vector_load %arg10[%parallel_loop3A_352] {strides = array<i32>} : memref<16384xf32, #tpu.memory_space<vmem>>, vector<16xf32>,
      %parallel_loop3A_354 = arith.mulf %parallel_loop3A_353, %parallel_loop3A_347 : vector<16xf32>
      %parallel_loop3A_355 = arith.index_cast %parallel_loop3A_351 : i32 to index
      %parallel_loop3A_356 = tpu.vector_load %arg10[%parallel_loop3A_355] {strides = array<i32>} : memref<16384xf32, #tpu.memory_space<vmem>>, vector<16xf32>,
      tpu.vector_store %arg10[%parallel_loop3A_355], %parallel_loop3A_354 {strides = array<i32>} : memref<16384xf32, #tpu.memory_space<vmem>>, vector<16xf32>,
    } {sc.loop_unroll_factor = 8 : i64, sc.parallel_access}
    %dma_wait3A_268 = arith.constant 8192 : i32
    %dma_wait3A_269 = tpu.memref_slice %arg3[%dma_wait3A_268] : memref<16384xi32, #tpu.memory_space<hbm>> -> memref<4096xi32, #tpu.memory_space<hbm>>
    %dma_wait3A_270 = arith.constant 8192 : i32
    %dma_wait3A_271 = tpu.memref_slice %arg3[%dma_wait3A_270] : memref<16384xi32, #tpu.memory_space<hbm>> -> memref<4096xi32, #tpu.memory_space<hbm>>
    tpu.wait_dma2 semaphore(%arg14 : memref<!tpu.dma_semaphore, #tpu.memory_space<semaphore_mem>>) src(%dma_wait3A_271 : memref<4096xi32, #tpu.memory_space<hbm>>) dst(%arg11 : memref<4096xi32, #tpu.memory_space<vmem>>)
    %dma_start3A_272 = arith.constant 12288 : i32
    %dma_start3A_273 = tpu.memref_slice %arg3[%dma_start3A_272] : memref<16384xi32, #tpu.memory_space<hbm>> -> memref<4096xi32, #tpu.memory_space<hbm>>
    %dma_start3A_274 = arith.constant 12288 : i32
    %dma_start3A_275 = tpu.memref_slice %arg3[%dma_start3A_274] : memref<16384xi32, #tpu.memory_space<hbm>> -> memref<4096xi32, #tpu.memory_space<hbm>>
    tpu.enqueue_dma source(%dma_start3A_275 : memref<4096xi32, #tpu.memory_space<hbm>>) target(%arg12 : memref<4096xi32, #tpu.memory_space<vmem>>) target_semaphore(%arg15 : memref<!tpu.dma_semaphore, #tpu.memory_space<semaphore_mem>>)
    %parallel_loop3A_276 = arith.constant 0 : i32
    %parallel_loop3A_277 = arith.constant 256 : i32
    %parallel_loop3A_278 = arith.constant 1 : i32
    scf.for %parallel_loop3A_342 = %parallel_loop3A_276 to %parallel_loop3A_277 step %parallel_loop3A_278  : i32 {
      %parallel_loop3A_343 = arith.constant 16 : i32
      %parallel_loop3A_344 = arith.muli %parallel_loop3A_342, %parallel_loop3A_343 : i32
      %parallel_loop3A_345 = arith.index_cast %parallel_loop3A_344 : i32 to index
      %parallel_loop3A_346 = tpu.vector_load %arg11[%parallel_loop3A_345] {strides = array<i32>} : memref<4096xi32, #tpu.memory_space<vmem>>, vector<16xi32>,
      %parallel_loop3A_347 = tpu.vector_load_idx %arg9[%parallel_loop3A_346] : memref<100000xf32, #tpu.memory_space<vmem>>[vector<16xi32>], vector<16xf32>,
      %parallel_loop3A_348 = arith.constant 16 : i32
      %parallel_loop3A_349 = arith.muli %parallel_loop3A_342, %parallel_loop3A_348 : i32
      %parallel_loop3A_350 = arith.constant 8192 : i32
      %parallel_loop3A_351 = arith.addi %parallel_loop3A_350, %parallel_loop3A_349 : i32
      %parallel_loop3A_352 = arith.index_cast %parallel_loop3A_351 : i32 to index
      %parallel_loop3A_353 = tpu.vector_load %arg10[%parallel_loop3A_352] {strides = array<i32>} : memref<16384xf32, #tpu.memory_space<vmem>>, vector<16xf32>,
      %parallel_loop3A_354 = arith.mulf %parallel_loop3A_353, %parallel_loop3A_347 : vector<16xf32>
      %parallel_loop3A_355 = arith.index_cast %parallel_loop3A_351 : i32 to index
      %parallel_loop3A_356 = tpu.vector_load %arg10[%parallel_loop3A_355] {strides = array<i32>} : memref<16384xf32, #tpu.memory_space<vmem>>, vector<16xf32>,
      tpu.vector_store %arg10[%parallel_loop3A_355], %parallel_loop3A_354 {strides = array<i32>} : memref<16384xf32, #tpu.memory_space<vmem>>, vector<16xf32>,
    } {sc.loop_unroll_factor = 8 : i64, sc.parallel_access}
    %dma_wait3A_279 = arith.constant 12288 : i32
    %dma_wait3A_280 = tpu.memref_slice %arg3[%dma_wait3A_279] : memref<16384xi32, #tpu.memory_space<hbm>> -> memref<4096xi32, #tpu.memory_space<hbm>>
    %dma_wait3A_281 = arith.constant 12288 : i32
    %dma_wait3A_282 = tpu.memref_slice %arg3[%dma_wait3A_281] : memref<16384xi32, #tpu.memory_space<hbm>> -> memref<4096xi32, #tpu.memory_space<hbm>>
    tpu.wait_dma2 semaphore(%arg15 : memref<!tpu.dma_semaphore, #tpu.memory_space<semaphore_mem>>) src(%dma_wait3A_282 : memref<4096xi32, #tpu.memory_space<hbm>>) dst(%arg12 : memref<4096xi32, #tpu.memory_space<vmem>>)
    %parallel_loop3A_283 = arith.constant 0 : i32
    %parallel_loop3A_284 = arith.constant 256 : i32
    %parallel_loop3A_285 = arith.constant 1 : i32
    scf.for %parallel_loop3A_342 = %parallel_loop3A_283 to %parallel_loop3A_284 step %parallel_loop3A_285  : i32 {
      %parallel_loop3A_343 = arith.constant 16 : i32
      %parallel_loop3A_344 = arith.muli %parallel_loop3A_342, %parallel_loop3A_343 : i32
      %parallel_loop3A_345 = arith.index_cast %parallel_loop3A_344 : i32 to index
      %parallel_loop3A_346 = tpu.vector_load %arg12[%parallel_loop3A_345] {strides = array<i32>} : memref<4096xi32, #tpu.memory_space<vmem>>, vector<16xi32>,
      %parallel_loop3A_347 = tpu.vector_load_idx %arg9[%parallel_loop3A_346] : memref<100000xf32, #tpu.memory_space<vmem>>[vector<16xi32>], vector<16xf32>,
      %parallel_loop3A_348 = arith.constant 16 : i32
      %parallel_loop3A_349 = arith.muli %parallel_loop3A_342, %parallel_loop3A_348 : i32
      %parallel_loop3A_350 = arith.constant 12288 : i32
      %parallel_loop3A_351 = arith.addi %parallel_loop3A_350, %parallel_loop3A_349 : i32
      %parallel_loop3A_352 = arith.index_cast %parallel_loop3A_351 : i32 to index
      %parallel_loop3A_353 = tpu.vector_load %arg10[%parallel_loop3A_352] {strides = array<i32>} : memref<16384xf32, #tpu.memory_space<vmem>>, vector<16xf32>,
      %parallel_loop3A_354 = arith.mulf %parallel_loop3A_353, %parallel_loop3A_347 : vector<16xf32>
      %parallel_loop3A_355 = arith.index_cast %parallel_loop3A_351 : i32 to index
      %parallel_loop3A_356 = tpu.vector_load %arg10[%parallel_loop3A_355] {strides = array<i32>} : memref<16384xf32, #tpu.memory_space<vmem>>, vector<16xf32>,
      tpu.vector_store %arg10[%parallel_loop3A_355], %parallel_loop3A_354 {strides = array<i32>} : memref<16384xf32, #tpu.memory_space<vmem>>, vector<16xf32>,
    } {sc.loop_unroll_factor = 8 : i64, sc.parallel_access}
    %dma_start3A_286 = arith.constant 0 : i32
    %dma_start3A_287 = tpu.memref_slice %arg7[%add3A_173, %dma_start3A_286] : memref<64x100000xf32, #tpu.memory_space<hbm>> -> memref<1x100000xf32, #tpu.memory_space<hbm>>
    %dma_start3A_288 = tpu.memref_squeeze %dma_start3A_287 : memref<1x100000xf32, #tpu.memory_space<hbm>> -> memref<100000xf32, #tpu.memory_space<hbm>>
    %dma_start3A_289 = arith.constant 0 : i32
    %dma_start3A_290 = tpu.memref_slice %arg7[%add3A_173, %dma_start3A_289] : memref<64x100000xf32, #tpu.memory_space<hbm>> -> memref<1x100000xf32, #tpu.memory_space<hbm>>
    %dma_start3A_291 = tpu.memref_squeeze %dma_start3A_290 : memref<1x100000xf32, #tpu.memory_space<hbm>> -> memref<100000xf32, #tpu.memory_space<hbm>>
    tpu.enqueue_dma source(%dma_start3A_291 : memref<100000xf32, #tpu.memory_space<hbm>>) target(%arg9 : memref<100000xf32, #tpu.memory_space<vmem>>) target_semaphore(%arg13 : memref<!tpu.dma_semaphore, #tpu.memory_space<semaphore_mem>>)
    %dma_start3A_292 = arith.constant 0 : i32
    %dma_start3A_293 = tpu.memref_slice %arg4[%dma_start3A_292] : memref<16384xi32, #tpu.memory_space<hbm>> -> memref<4096xi32, #tpu.memory_space<hbm>>
    %dma_start3A_294 = arith.constant 0 : i32
    %dma_start3A_295 = tpu.memref_slice %arg4[%dma_start3A_294] : memref<16384xi32, #tpu.memory_space<hbm>> -> memref<4096xi32, #tpu.memory_space<hbm>>
    tpu.enqueue_dma source(%dma_start3A_295 : memref<4096xi32, #tpu.memory_space<hbm>>) target(%arg11 : memref<4096xi32, #tpu.memory_space<vmem>>) target_semaphore(%arg14 : memref<!tpu.dma_semaphore, #tpu.memory_space<semaphore_mem>>)
    %dma_wait3A_296 = arith.constant 0 : i32
    %dma_wait3A_297 = tpu.memref_slice %arg7[%add3A_173, %dma_wait3A_296] : memref<64x100000xf32, #tpu.memory_space<hbm>> -> memref<1x100000xf32, #tpu.memory_space<hbm>>
    %dma_wait3A_298 = tpu.memref_squeeze %dma_wait3A_297 : memref<1x100000xf32, #tpu.memory_space<hbm>> -> memref<100000xf32, #tpu.memory_space<hbm>>
    %dma_wait3A_299 = arith.constant 0 : i32
    %dma_wait3A_300 = tpu.memref_slice %arg7[%add3A_173, %dma_wait3A_299] : memref<64x100000xf32, #tpu.memory_space<hbm>> -> memref<1x100000xf32, #tpu.memory_space<hbm>>
    %dma_wait3A_301 = tpu.memref_squeeze %dma_wait3A_300 : memref<1x100000xf32, #tpu.memory_space<hbm>> -> memref<100000xf32, #tpu.memory_space<hbm>>
    tpu.wait_dma2 semaphore(%arg13 : memref<!tpu.dma_semaphore, #tpu.memory_space<semaphore_mem>>) src(%dma_wait3A_301 : memref<100000xf32, #tpu.memory_space<hbm>>) dst(%arg9 : memref<100000xf32, #tpu.memory_space<vmem>>)
    %dma_wait3A_302 = arith.constant 0 : i32
    %dma_wait3A_303 = tpu.memref_slice %arg4[%dma_wait3A_302] : memref<16384xi32, #tpu.memory_space<hbm>> -> memref<4096xi32, #tpu.memory_space<hbm>>
    %dma_wait3A_304 = arith.constant 0 : i32
    %dma_wait3A_305 = tpu.memref_slice %arg4[%dma_wait3A_304] : memref<16384xi32, #tpu.memory_space<hbm>> -> memref<4096xi32, #tpu.memory_space<hbm>>
    tpu.wait_dma2 semaphore(%arg14 : memref<!tpu.dma_semaphore, #tpu.memory_space<semaphore_mem>>) src(%dma_wait3A_305 : memref<4096xi32, #tpu.memory_space<hbm>>) dst(%arg11 : memref<4096xi32, #tpu.memory_space<vmem>>)
    %dma_start3A_306 = arith.constant 4096 : i32
    %dma_start3A_307 = tpu.memref_slice %arg4[%dma_start3A_306] : memref<16384xi32, #tpu.memory_space<hbm>> -> memref<4096xi32, #tpu.memory_space<hbm>>
    %dma_start3A_308 = arith.constant 4096 : i32
    %dma_start3A_309 = tpu.memref_slice %arg4[%dma_start3A_308] : memref<16384xi32, #tpu.memory_space<hbm>> -> memref<4096xi32, #tpu.memory_space<hbm>>
    tpu.enqueue_dma source(%dma_start3A_309 : memref<4096xi32, #tpu.memory_space<hbm>>) target(%arg12 : memref<4096xi32, #tpu.memory_space<vmem>>) target_semaphore(%arg15 : memref<!tpu.dma_semaphore, #tpu.memory_space<semaphore_mem>>)
    %parallel_loop3A_310 = arith.constant 0 : i32
    %parallel_loop3A_311 = arith.constant 256 : i32
    %parallel_loop3A_312 = arith.constant 1 : i32
    scf.for %parallel_loop3A_342 = %parallel_loop3A_310 to %parallel_loop3A_311 step %parallel_loop3A_312  : i32 {
      %parallel_loop3A_343 = arith.constant 16 : i32
      %parallel_loop3A_344 = arith.muli %parallel_loop3A_342, %parallel_loop3A_343 : i32
      %parallel_loop3A_345 = arith.index_cast %parallel_loop3A_344 : i32 to index
      %parallel_loop3A_346 = tpu.vector_load %arg11[%parallel_loop3A_345] {strides = array<i32>} : memref<4096xi32, #tpu.memory_space<vmem>>, vector<16xi32>,
      %parallel_loop3A_347 = tpu.vector_load_idx %arg9[%parallel_loop3A_346] : memref<100000xf32, #tpu.memory_space<vmem>>[vector<16xi32>], vector<16xf32>,
      %parallel_loop3A_348 = arith.constant 16 : i32
      %parallel_loop3A_349 = arith.muli %parallel_loop3A_342, %parallel_loop3A_348 : i32
      %parallel_loop3A_350 = arith.constant 0 : i32
      %parallel_loop3A_351 = arith.addi %parallel_loop3A_350, %parallel_loop3A_349 : i32
      %parallel_loop3A_352 = arith.index_cast %parallel_loop3A_351 : i32 to index
      %parallel_loop3A_353 = tpu.vector_load %arg10[%parallel_loop3A_352] {strides = array<i32>} : memref<16384xf32, #tpu.memory_space<vmem>>, vector<16xf32>,
      %parallel_loop3A_354 = arith.mulf %parallel_loop3A_353, %parallel_loop3A_347 : vector<16xf32>
      %parallel_loop3A_355 = arith.index_cast %parallel_loop3A_351 : i32 to index
      %parallel_loop3A_356 = tpu.vector_load %arg10[%parallel_loop3A_355] {strides = array<i32>} : memref<16384xf32, #tpu.memory_space<vmem>>, vector<16xf32>,
      tpu.vector_store %arg10[%parallel_loop3A_355], %parallel_loop3A_354 {strides = array<i32>} : memref<16384xf32, #tpu.memory_space<vmem>>, vector<16xf32>,
    } {sc.loop_unroll_factor = 8 : i64, sc.parallel_access}
    %dma_wait3A_313 = arith.constant 4096 : i32
    %dma_wait3A_314 = tpu.memref_slice %arg4[%dma_wait3A_313] : memref<16384xi32, #tpu.memory_space<hbm>> -> memref<4096xi32, #tpu.memory_space<hbm>>
    %dma_wait3A_315 = arith.constant 4096 : i32
    %dma_wait3A_316 = tpu.memref_slice %arg4[%dma_wait3A_315] : memref<16384xi32, #tpu.memory_space<hbm>> -> memref<4096xi32, #tpu.memory_space<hbm>>
    tpu.wait_dma2 semaphore(%arg15 : memref<!tpu.dma_semaphore, #tpu.memory_space<semaphore_mem>>) src(%dma_wait3A_316 : memref<4096xi32, #tpu.memory_space<hbm>>) dst(%arg12 : memref<4096xi32, #tpu.memory_space<vmem>>)
    %dma_start3A_317 = arith.constant 8192 : i32
    %dma_start3A_318 = tpu.memref_slice %arg4[%dma_start3A_317] : memref<16384xi32, #tpu.memory_space<hbm>> -> memref<4096xi32, #tpu.memory_space<hbm>>
    %dma_start3A_319 = arith.constant 8192 : i32
    %dma_start3A_320 = tpu.memref_slice %arg4[%dma_start3A_319] : memref<16384xi32, #tpu.memory_space<hbm>> -> memref<4096xi32, #tpu.memory_space<hbm>>
    tpu.enqueue_dma source(%dma_start3A_320 : memref<4096xi32, #tpu.memory_space<hbm>>) target(%arg11 : memref<4096xi32, #tpu.memory_space<vmem>>) target_semaphore(%arg14 : memref<!tpu.dma_semaphore, #tpu.memory_space<semaphore_mem>>)
    %parallel_loop3A_321 = arith.constant 0 : i32
    %parallel_loop3A_322 = arith.constant 256 : i32
    %parallel_loop3A_323 = arith.constant 1 : i32
    scf.for %parallel_loop3A_342 = %parallel_loop3A_321 to %parallel_loop3A_322 step %parallel_loop3A_323  : i32 {
      %parallel_loop3A_343 = arith.constant 16 : i32
      %parallel_loop3A_344 = arith.muli %parallel_loop3A_342, %parallel_loop3A_343 : i32
      %parallel_loop3A_345 = arith.index_cast %parallel_loop3A_344 : i32 to index
      %parallel_loop3A_346 = tpu.vector_load %arg12[%parallel_loop3A_345] {strides = array<i32>} : memref<4096xi32, #tpu.memory_space<vmem>>, vector<16xi32>,
      %parallel_loop3A_347 = tpu.vector_load_idx %arg9[%parallel_loop3A_346] : memref<100000xf32, #tpu.memory_space<vmem>>[vector<16xi32>], vector<16xf32>,
      %parallel_loop3A_348 = arith.constant 16 : i32
      %parallel_loop3A_349 = arith.muli %parallel_loop3A_342, %parallel_loop3A_348 : i32
      %parallel_loop3A_350 = arith.constant 4096 : i32
      %parallel_loop3A_351 = arith.addi %parallel_loop3A_350, %parallel_loop3A_349 : i32
      %parallel_loop3A_352 = arith.index_cast %parallel_loop3A_351 : i32 to index
      %parallel_loop3A_353 = tpu.vector_load %arg10[%parallel_loop3A_352] {strides = array<i32>} : memref<16384xf32, #tpu.memory_space<vmem>>, vector<16xf32>,
      %parallel_loop3A_354 = arith.mulf %parallel_loop3A_353, %parallel_loop3A_347 : vector<16xf32>
      %parallel_loop3A_355 = arith.index_cast %parallel_loop3A_351 : i32 to index
      %parallel_loop3A_356 = tpu.vector_load %arg10[%parallel_loop3A_355] {strides = array<i32>} : memref<16384xf32, #tpu.memory_space<vmem>>, vector<16xf32>,
      tpu.vector_store %arg10[%parallel_loop3A_355], %parallel_loop3A_354 {strides = array<i32>} : memref<16384xf32, #tpu.memory_space<vmem>>, vector<16xf32>,
    } {sc.loop_unroll_factor = 8 : i64, sc.parallel_access}
    %dma_wait3A_324 = arith.constant 8192 : i32
    %dma_wait3A_325 = tpu.memref_slice %arg4[%dma_wait3A_324] : memref<16384xi32, #tpu.memory_space<hbm>> -> memref<4096xi32, #tpu.memory_space<hbm>>
    %dma_wait3A_326 = arith.constant 8192 : i32
    %dma_wait3A_327 = tpu.memref_slice %arg4[%dma_wait3A_326] : memref<16384xi32, #tpu.memory_space<hbm>> -> memref<4096xi32, #tpu.memory_space<hbm>>
    tpu.wait_dma2 semaphore(%arg14 : memref<!tpu.dma_semaphore, #tpu.memory_space<semaphore_mem>>) src(%dma_wait3A_327 : memref<4096xi32, #tpu.memory_space<hbm>>) dst(%arg11 : memref<4096xi32, #tpu.memory_space<vmem>>)
    %dma_start3A_328 = arith.constant 12288 : i32
    %dma_start3A_329 = tpu.memref_slice %arg4[%dma_start3A_328] : memref<16384xi32, #tpu.memory_space<hbm>> -> memref<4096xi32, #tpu.memory_space<hbm>>
    %dma_start3A_330 = arith.constant 12288 : i32
    %dma_start3A_331 = tpu.memref_slice %arg4[%dma_start3A_330] : memref<16384xi32, #tpu.memory_space<hbm>> -> memref<4096xi32, #tpu.memory_space<hbm>>
    tpu.enqueue_dma source(%dma_start3A_331 : memref<4096xi32, #tpu.memory_space<hbm>>) target(%arg12 : memref<4096xi32, #tpu.memory_space<vmem>>) target_semaphore(%arg15 : memref<!tpu.dma_semaphore, #tpu.memory_space<semaphore_mem>>)
    %parallel_loop3A_332 = arith.constant 0 : i32
    %parallel_loop3A_333 = arith.constant 256 : i32
    %parallel_loop3A_334 = arith.constant 1 : i32
    scf.for %parallel_loop3A_342 = %parallel_loop3A_332 to %parallel_loop3A_333 step %parallel_loop3A_334  : i32 {
      %parallel_loop3A_343 = arith.constant 16 : i32
      %parallel_loop3A_344 = arith.muli %parallel_loop3A_342, %parallel_loop3A_343 : i32
      %parallel_loop3A_345 = arith.index_cast %parallel_loop3A_344 : i32 to index
      %parallel_loop3A_346 = tpu.vector_load %arg11[%parallel_loop3A_345] {strides = array<i32>} : memref<4096xi32, #tpu.memory_space<vmem>>, vector<16xi32>,
      %parallel_loop3A_347 = tpu.vector_load_idx %arg9[%parallel_loop3A_346] : memref<100000xf32, #tpu.memory_space<vmem>>[vector<16xi32>], vector<16xf32>,
      %parallel_loop3A_348 = arith.constant 16 : i32
      %parallel_loop3A_349 = arith.muli %parallel_loop3A_342, %parallel_loop3A_348 : i32
      %parallel_loop3A_350 = arith.constant 8192 : i32
      %parallel_loop3A_351 = arith.addi %parallel_loop3A_350, %parallel_loop3A_349 : i32
      %parallel_loop3A_352 = arith.index_cast %parallel_loop3A_351 : i32 to index
      %parallel_loop3A_353 = tpu.vector_load %arg10[%parallel_loop3A_352] {strides = array<i32>} : memref<16384xf32, #tpu.memory_space<vmem>>, vector<16xf32>,
      %parallel_loop3A_354 = arith.mulf %parallel_loop3A_353, %parallel_loop3A_347 : vector<16xf32>
      %parallel_loop3A_355 = arith.index_cast %parallel_loop3A_351 : i32 to index
      %parallel_loop3A_356 = tpu.vector_load %arg10[%parallel_loop3A_355] {strides = array<i32>} : memref<16384xf32, #tpu.memory_space<vmem>>, vector<16xf32>,
      tpu.vector_store %arg10[%parallel_loop3A_355], %parallel_loop3A_354 {strides = array<i32>} : memref<16384xf32, #tpu.memory_space<vmem>>, vector<16xf32>,
    } {sc.loop_unroll_factor = 8 : i64, sc.parallel_access}
    %dma_wait3A_335 = arith.constant 12288 : i32
    %dma_wait3A_336 = tpu.memref_slice %arg4[%dma_wait3A_335] : memref<16384xi32, #tpu.memory_space<hbm>> -> memref<4096xi32, #tpu.memory_space<hbm>>
    %dma_wait3A_337 = arith.constant 12288 : i32
    %dma_wait3A_338 = tpu.memref_slice %arg4[%dma_wait3A_337] : memref<16384xi32, #tpu.memory_space<hbm>> -> memref<4096xi32, #tpu.memory_space<hbm>>
    tpu.wait_dma2 semaphore(%arg15 : memref<!tpu.dma_semaphore, #tpu.memory_space<semaphore_mem>>) src(%dma_wait3A_338 : memref<4096xi32, #tpu.memory_space<hbm>>) dst(%arg12 : memref<4096xi32, #tpu.memory_space<vmem>>)
    %parallel_loop3A_339 = arith.constant 0 : i32
    %parallel_loop3A_340 = arith.constant 256 : i32
    %parallel_loop3A_341 = arith.constant 1 : i32
    scf.for %parallel_loop3A_342 = %parallel_loop3A_339 to %parallel_loop3A_340 step %parallel_loop3A_341  : i32 {
      %parallel_loop3A_343 = arith.constant 16 : i32
      %parallel_loop3A_344 = arith.muli %parallel_loop3A_342, %parallel_loop3A_343 : i32
      %parallel_loop3A_345 = arith.index_cast %parallel_loop3A_344 : i32 to index
      %parallel_loop3A_346 = tpu.vector_load %arg12[%parallel_loop3A_345] {strides = array<i32>} : memref<4096xi32, #tpu.memory_space<vmem>>, vector<16xi32>,
      %parallel_loop3A_347 = tpu.vector_load_idx %arg9[%parallel_loop3A_346] : memref<100000xf32, #tpu.memory_space<vmem>>[vector<16xi32>], vector<16xf32>,
      %parallel_loop3A_348 = arith.constant 16 : i32
      %parallel_loop3A_349 = arith.muli %parallel_loop3A_342, %parallel_loop3A_348 : i32
      %parallel_loop3A_350 = arith.constant 12288 : i32
      %parallel_loop3A_351 = arith.addi %parallel_loop3A_350, %parallel_loop3A_349 : i32
      %parallel_loop3A_352 = arith.index_cast %parallel_loop3A_351 : i32 to index
      %parallel_loop3A_353 = tpu.vector_load %arg10[%parallel_loop3A_352] {strides = array<i32>} : memref<16384xf32, #tpu.memory_space<vmem>>, vector<16xf32>,
      %parallel_loop3A_354 = arith.mulf %parallel_loop3A_353, %parallel_loop3A_347 : vector<16xf32>
      %parallel_loop3A_355 = arith.index_cast %parallel_loop3A_351 : i32 to index
      %parallel_loop3A_356 = tpu.vector_load %arg10[%parallel_loop3A_355] {strides = array<i32>} : memref<16384xf32, #tpu.memory_space<vmem>>, vector<16xf32>,
      tpu.vector_store %arg10[%parallel_loop3A_355], %parallel_loop3A_354 {strides = array<i32>} : memref<16384xf32, #tpu.memory_space<vmem>>, vector<16xf32>,
    } {sc.loop_unroll_factor = 8 : i64, sc.parallel_access}
    "tpu.region"() ({
      %run_scoped3A = tpu.sem_alloc : memref<!tpu.dma_semaphore, #tpu.memory_space<semaphore_mem>>
      %dma_start3A_342 = arith.constant 0 : i32
      %dma_start3A_343 = tpu.memref_slice %arg8[%add3A_173, %dma_start3A_342] : memref<64x16384xf32, #tpu.memory_space<hbm>> -> memref<1x16384xf32, #tpu.memory_space<hbm>>
      %dma_start3A_344 = tpu.memref_squeeze %dma_start3A_343 : memref<1x16384xf32, #tpu.memory_space<hbm>> -> memref<16384xf32, #tpu.memory_space<hbm>>
      %dma_start3A_345 = arith.constant 0 : i32
      %dma_start3A_346 = tpu.memref_slice %arg8[%add3A_173, %dma_start3A_345] : memref<64x16384xf32, #tpu.memory_space<hbm>> -> memref<1x16384xf32, #tpu.memory_space<hbm>>
      %dma_start3A_347 = tpu.memref_squeeze %dma_start3A_346 : memref<1x16384xf32, #tpu.memory_space<hbm>> -> memref<16384xf32, #tpu.memory_space<hbm>>
      tpu.enqueue_dma source(%arg10 : memref<16384xf32, #tpu.memory_space<vmem>>) target(%dma_start3A_347 : memref<16384xf32, #tpu.memory_space<hbm>>) target_semaphore(%run_scoped3A : memref<!tpu.dma_semaphore, #tpu.memory_space<semaphore_mem>>)
      %dma_wait3A_348 = arith.constant 0 : i32
      %dma_wait3A_349 = tpu.memref_slice %arg8[%add3A_173, %dma_wait3A_348] : memref<64x16384xf32, #tpu.memory_space<hbm>> -> memref<1x16384xf32, #tpu.memory_space<hbm>>
      %dma_wait3A_350 = tpu.memref_squeeze %dma_wait3A_349 : memref<1x16384xf32, #tpu.memory_space<hbm>> -> memref<16384xf32, #tpu.memory_space<hbm>>
      %dma_wait3A_351 = arith.constant 0 : i32
      %dma_wait3A_352 = tpu.memref_slice %arg8[%add3A_173, %dma_wait3A_351] : memref<64x16384xf32, #tpu.memory_space<hbm>> -> memref<1x16384xf32, #tpu.memory_space<hbm>>
      %dma_wait3A_353 = tpu.memref_squeeze %dma_wait3A_352 : memref<1x16384xf32, #tpu.memory_space<hbm>> -> memref<16384xf32, #tpu.memory_space<hbm>>
      tpu.wait_dma2 semaphore(%run_scoped3A : memref<!tpu.dma_semaphore, #tpu.memory_space<semaphore_mem>>) src(%arg10 : memref<16384xf32, #tpu.memory_space<vmem>>) dst(%dma_wait3A_353 : memref<16384xf32, #tpu.memory_space<hbm>>)
      tpu.yield
    }) : () -> ()
    return
  }
}

</mosaic_0001>

<sc_bundles>
// kernel: _sc_gather_prod.3.cloned.1.call-start
scs
__scs_entry_jumppad:
0x0: {  	(pc) =	sbr.rel $0x88, $3  }
0x1: {  	(tag) =	ssettag $0x0;
	lr =	simm.s32 $0x1  }
0x2: {  	[smem:$0x3F9B] =	sst lr;
	_ =	strace $0xD0000000  }
0x3: {  	_ = 	snop  }
0x4: {  	_ = 	snop  }
0x5: {  	_ = 	snop  }
0x6: {  	_ = 	snop  }
0x7: {  	_ = 	snop  }
__scs_overlays_trampoline_lowered:
0x8: {  	[smem:$0x3FAA] =	sst s0  }
0x9: {  	[smem:$0x3FAB] =	sst s1  }
0xa: {  	[smem:$0x3FAC] =	sst s2  }
0xb: {  	[smem:$0x3FAD] =	sst s3  }
0xc: {  	[smem:$0x3FAE] =	sst s4  }
0xd: {  	[smem:$0x3FAF] =	sst s5  }
0xe: {  	[smem:$0x3FB0] =	sst s6  }
0xf: {  	[smem:$0x3FB1] =	sst s7  }
0x10: {  	[smem:$0x3FB2] =	sst s8  }
0x11: {  	[smem:$0x3FB3] =	sst s9;
	s0 =	simm.s32 @!p0 $0x0  }
0x12: {  	s1 =	sld [smem:$0x3F99];
	s0 =	simm.s32 @p0 $0x1  }
0x13: {  	[smem:$0x3FB4] =	sst s0;
	s0 =	simm.s32 @!p1 $0x0  }
0x14: {  	s2 =	sld [smem:$0x3F98];
	s0 =	simm.s32 @p1 $0x1  }
0x15: {  	[smem:$0x3FB5] =	sst s0;
	s0 =	simm.s32 @!p2 $0x0  }
0x16: {  	s3 =	sld [smem:$0x3FDB];
	s0 =	simm.s32 @p2 $0x1  }
0x17: {  	s4 =	simm.s32 $0x1BF5;
	[smem:$0x3FB7] =	sst s0  }
0x18: {  	s0 =	sld [smem:$0x3F9A];
	_ =	swait.ge [sflag:s4], $0x0  }
0x19: {  	s7 =	sld [smem:$0x3F9B]  }
0x1a: {  	s8 =	sadd.s32 $0xFFFFE003, lr  }
0x1b: {  	s9 =	sadd.s32 $0xFFFFFEF7, lr;
	s5 =	simm.s32 $0xFFFFFFFF;
	p2 =	slt.u32 s8, $0xFFFFF086  }
0x1c: {  	p1 =	slt.u32 s9, $0xF7A;
	s5 =	simm.s32 @!p2 $0x0  }
0x1d: {  	s5 =	simm.s32 @p1 $0x1;
	p0 =	seq.s32 s7, s2  }
0x1e: {  	s7 =	smul.u32 @!p0 $0xF7A, s2;
	p2 =	seq.s32 @!p0 s5, $0x0  }
0x1f: {  	s9 =	smul.u32 $0xF7A, s1;
	s8 =	simm.s32 @!p0 $0x1BF5;
	p2 =	por !p2, p0  }
0x20: {  	[sflag:s8] =	ssyncset.s32 @!p0 $0xFFFFF086;
	s6 =	sadd.s32 @!p0 s3, s7;
	s7 =	simm.s32 @!p0 $0x108  }
0x21: {  	s3 =	sadd.s32 s3, s9;
	s6 =	sadd.s32 @!p0 $0x88, s6;
	s7 =	simm.s32 @p2 $0x1082  }
0x22: {  	[simem:s7], [sflag:s8] =	dma.local @!p0 [hbm:s6], $0xF7A  }
0x23: {  	s9 =	sor.u32 $0xD0000000, s2;
	s6 =	simm.s32 $0x108;
	_ =	swait.ge @!p0 [sflag:s8], $0x0  }
0x24: {  	s3 =	sadd.s32 $0x88, s3;
	s6 =	simm.s32 @!p1 $0x1082;
	[sflag:s4] =	ssyncset.s32 $0xFFFFF086  }
0x25: {  	[simem:s6], [sflag:s4] =	dma.local [hbm:s3], $0xF7A  }
0x26: {  	[smem:$0x3F9B] =	sst s1;
	(tag) =	ssettag s2;
	_ =	strace s9  }
0x27: {  	s1 =	sld [smem:$0x3FAB]  }
0x28: {  	s2 =	sld [smem:$0x3FAC]  }
0x29: {  	s4 =	sld [smem:$0x3FAE]  }
0x2a: {  	p0 =	seq.s32 s5, $0x0;
	s5 =	sld [smem:$0x3FAF]  }
0x2b: {  	s6 =	sld [smem:$0x3FB0]  }
0x2c: {  	s7 =	sld [smem:$0x3FB1]  }
0x2d: {  	s3 =	simm.s32 $0x108;
	s8 =	sld [smem:$0x3FB2]  }
0x2e: {  	s3 =	simm.s32 @!p0 $0x1082;
	s9 =	sld [smem:$0x3FB3]  }
0x2f: {  	lr =	sadd.s32 s0, s3;
	s0 =	sld [smem:$0x3FAA]  }
0x30: {  	s3 =	sld [smem:$0x3FAD]  }
0x31: {  	[smem:$0x3FB6] =	sst s10  }
0x32: {  	s10 =	sld [smem:$0x3FB4];
	_ =	sdelay $0x3  }
0x33: {  	p0 =	seq.s32 s10, $0x1;
	s10 =	sld [smem:$0x3FB6];
	_ =	sdelay $0x3  }
0x34: {  	[smem:$0x3FB6] =	sst s10  }
0x35: {  	s10 =	sld [smem:$0x3FB5];
	_ =	sdelay $0x3  }
0x36: {  	p1 =	seq.s32 s10, $0x1;
	s10 =	sld [smem:$0x3FB6];
	_ =	sdelay $0x3  }
0x37: {  	[smem:$0x3FB6] =	sst s10  }
0x38: {  	s10 =	sld [smem:$0x3FB7]  }
0x39: {  	_ = 	snop;
	(pc) =	sbr.ind lr, $3  }
0x3a: {  	_ = 	snop  }
0x3b: {  	_ = 	snop  }
0x3c: {  	p2 =	seq.s32 s10, $0x1;
	s10 =	sld [smem:$0x3FB6]  }
0x3d: {  	_ =	shalt  }
0x3e: {  	_ =	shalt  }
0x3f: {  	_ =	shalt  }
0x40: {  	_ =	shalt  }
0x41: {  	_ =	shalt  }
0x42: {  	_ =	shalt  }
0x43: {  	_ =	shalt  }
0x44: {  	_ =	shalt  }
0x45: {  	_ =	shalt  }
0x46: {  	_ =	shalt  }
0x47: {  	_ =	shalt  }
0x48: {  	_ =	shalt  }
0x49: {  	_ =	shalt  }
0x4a: {  	_ =	shalt  }
0x4b: {  	_ =	shalt  }
0x4c: {  	_ =	shalt  }
0x4d: {  	_ =	shalt  }
0x4e: {  	_ =	shalt  }
0x4f: {  	_ =	shalt  }
0x50: {  	_ =	shalt  }
0x51: {  	_ =	shalt  }
0x52: {  	_ =	shalt  }
0x53: {  	_ =	shalt  }
0x54: {  	_ =	shalt  }
0x55: {  	_ =	shalt  }
0x56: {  	_ =	shalt  }
0x57: {  	_ =	shalt  }
0x58: {  	_ =	shalt  }
0x59: {  	_ =	shalt  }
0x5a: {  	_ =	shalt  }
0x5b: {  	_ =	shalt  }
0x5c: {  	_ =	shalt  }
0x5d: {  	_ =	shalt  }
0x5e: {  	_ =	shalt  }
0x5f: {  	_ =	shalt  }
0x60: {  	_ =	shalt  }
0x61: {  	_ =	shalt  }
0x62: {  	_ =	shalt  }
0x63: {  	_ =	shalt  }
0x64: {  	_ =	shalt  }
0x65: {  	_ =	shalt  }
0x66: {  	_ =	shalt  }
0x67: {  	_ =	shalt  }
0x68: {  	_ =	shalt  }
0x69: {  	_ =	shalt  }
0x6a: {  	_ =	shalt  }
0x6b: {  	_ =	shalt  }
0x6c: {  	_ =	shalt  }
0x6d: {  	_ =	shalt  }
0x6e: {  	_ =	shalt  }
0x6f: {  	_ =	shalt  }
0x70: {  	_ =	shalt  }
0x71: {  	_ =	shalt  }
0x72: {  	_ =	shalt  }
0x73: {  	_ =	shalt  }
0x74: {  	_ =	shalt  }
0x75: {  	_ =	shalt  }
0x76: {  	_ =	shalt  }
0x77: {  	_ =	shalt  }
0x78: {  	_ =	shalt  }
0x79: {  	_ =	shalt  }
0x7a: {  	_ =	shalt  }
0x7b: {  	_ =	shalt  }
0x7c: {  	_ =	shalt  }
0x7d: {  	_ =	shalt  }
0x7e: {  	_ =	shalt  }
0x7f: {  	_ =	shalt  }
0x80: {  	_ =	shalt  }
0x81: {  	_ =	shalt  }
0x82: {  	_ =	shalt  }
0x83: {  	_ =	shalt  }
0x84: {  	_ =	shalt  }
0x85: {  	_ =	shalt  }
0x86: {  	_ =	shalt  }
0x87: {  	_ =	shalt  }
.Lfunc_end0:
.L_simem_size_0:
called_computation_lowered:
.L_overlay_start_0:
0x88: {  	s2 =	sld [smem:$0x3FD9]  }
0x89: {  	s3 =	sld [smem:$0x3FFE];
	_ =	sdelay $0x1  }
0x8a: {  	s1 =	srdreg.scid  }
0x8b: {  	s0 =	sand.u32 $0x1, s1  }
0x8c: {  	s18 =	sshll.u32 s0, $0xA;
	s2 =	sadd.s32 s3, s2  }
0x8d: {  	s2 =	sadd.s32 s2, s18  }
0x8e: {  	[smem:$0x3FC2] =	sst s2  }
0x8f: {  	_ = 	snop  }
0x90: {  	s2 =	sld [smem:$0x3FC9]  }
0x91: {  	s19 =	sld [smem:$0x3FC8]  }
0x92: {  	s4 =	sld [smem:$0x3FC7]  }
0x93: {  	s5 =	sld [smem:$0x3FC6]  }
0x94: {  	s6 =	sld [smem:$0x3FC5]  }
0x95: {  	s7 =	sld [smem:$0x3FC4]  }
0x96: {  	s8 =	sld [smem:$0x3FD0];
	(tm) =	ssettm $0x1  }
0x97: {  	s9 =	sld [smem:$0x3FFB];
	_ =	sdelay $0x3  }
0x98: {  	_ =	strace s9  }
0x99: {  	s9 =	sld [smem:$0x3FFC];
	_ =	sdelay $0x3  }
0x9a: {  	_ =	strace s9  }
0x9b: {  	s9 =	sld [smem:$0x3FFD];
	_ =	sdelay $0x3  }
0x9c: {  	_ =	strace s9  }
0x9d: {  	_ =	strace $0x8FFFFFFF  }
0x9e: {  	s20 =	sld [smem:$0x3FDB];
	_ =	sdelay $0x1  }
0x9f: {  	s10 =	simm.s32 $_scs_section_size  }
0xa0: {  	s11 =	simm.s32 $_size__tile_overlayer_lowered;
	s12 =	simm.s32 $_tile_overlayer_lowered  }
0xa1: {  	s23 =	simm.s32 $0x1BFF;
	s22 =	sshll.u32 s12, $0x1;
	s9 =	sadd.s32 s10, s20  }
0xa2: {  	s13 =	simm.s32 $0x0;
	s21 =	sshll.u32 s11, $0x1;
	s11 =	sadd.s32 s22, s9  }
0xa3: {  	[timem:s13], [sflag:s23] =	dma.local [hbm:s11], s21  }
0xa4: {  	_ =	swait.ge [sflag:s23], s21  }
0xa5: {  	s10 =	ssub.s32 $0x0, s21;
	[sflag:s23] =	ssyncset.done $0x0  }
0xa6: {  	[sflag:s23] =	ssyncadd.s32 s10;
	_ =	sdelay $0x1  }
0xa7: {  	s24 =	simm.s32 $0x1B8B  }
0xa8: {  	_ =	swait.ge [sflag:s24], $0x1  }
0xa9: {  	[sflag:s24] =	ssyncset.done $0x0  }
0xaa: {  	s25 =	simm.s32 $0x1B8E;
	[sflag:s24] =	ssyncadd.s32 $0xFFFFFFFF  }
0xab: {  	s26 =	simm.s32 $execute0_lowered;
	[smem:$0x3FD2] =	sst s25  }
0xac: {  	s10 =	sshll.u32 s26, $0x1;
	_ =	strace $0x80000046;
	[dreg:$0x1] =	wrdreg $0xFFFFFFFF  }
0xad: {  	s28 =	simm.s32 $_size_execute0_lowered;
	s9 =	sadd.s32 s9, s10;
	[dreg:$0x0] =	wrdreg $0x0  }
0xae: {  	s10 =	sshll.u32 s28, $0x1;
	[dreg:$0x2] =	wrdreg s9  }
0xaf: {  	[dreg:$0x3] =	wrdreg s10  }
0xb0: {  	[dreg:$0x4] =	wrdreg $0xC0  }
0xb1: {  	_ =	task [dreg:s13], $0x5FFFF  }
0xb2: {  	[dreg:$0x1] =	wrdreg $0xFFFFFFFF  }
0xb3: {  	[dreg:$0x0] =	wrdreg $0x60  }
0xb4: {  	[dreg:$0x2] =	wrdreg s2  }
0xb5: {  	[dreg:$0x3] =	wrdreg s19  }
0xb6: {  	[dreg:$0x4] =	wrdreg s4  }
0xb7: {  	[dreg:$0x5] =	wrdreg s5  }
0xb8: {  	[dreg:$0x6] =	wrdreg s6  }
0xb9: {  	[dreg:$0x7] =	wrdreg s7  }
0xba: {  	[dreg:$0x8] =	wrdreg s8  }
0xbb: {  	[dreg:$0x9] =	wrdreg $0x9  }
0xbc: {  	_ =	task.clear_ibuf [dreg:s13], $0xAFFFF;
	_ =	strace $0x90000046  }
0xbd: {  	s29 =	simm.s32 $0x9;
	_ =	strace $0x80000048  }
0xbe: {  	_ =	swait.ge [sflag:s29], $0x1  }
0xbf: {  	[sflag:s29] =	ssyncadd.s32 $0xFFFFFFFF  }
0xc0: {  	_ =	strace $0x90000048  }
0xc1: {  	_ =	sfence  }
0xc2: {  	s30 =	sld [smem:$0x0];
	_ =	sdelay $0x2  }
0xc3: {  	s31 =	sshll.u32 s1, $0xD;
	s1 =	sshrl.u32 s1, $0x2  }
0xc4: {  	s3 =	sand.u32 $0x4000, s31;
	s1 =	sadd.s32 s1, s30  }
0xc5: {  	s0 =	sor.u32 s3, s0;
	s1 =	sshll.u32 s1, $0x11  }
0xc6: {  	s0 =	sor.u32 s1, s0  }
0xc7: {  	s0 =	sadd.s32 $0x8F2B, s0  }
0xc8: {  	[sflag:s0] =	ssyncadd.remote.s32 $0x1  }
0xc9: {  	_ =	sfence.sel $0xFFFF  }
0xca: {  	[dreg:$0x0] =	wrdreg $0xFFFFFFFF;
	(pc) =	sbr.abs _section_cstart, $3  }
0xcb: {  	[dreg:$0x1] =	wrdreg $0xFFFFFFFF  }
0xcc: {  	_ =	task.clear_ibuf [dreg:s13], $0x2FFFF;
	_ =	strace $0x9FFFFFFF  }
0xcd: {  	(tm) =	ssettm $0x7FFFFFFF  }
tec
execute0_lowered:
.L_overlay_start_1:
0x0: {  	(tag) =	ssettag $0x1  }
0x1: {  	s0 =	rddreg [dreg:$0x0]  }
0x2: {  	s2 =	rddreg [dreg:$0x1]  }
0x3: {  	s3 =	rddreg [dreg:$0x2]  }
0x4: {  	s1 =	rddreg [dreg:$0x3]  }
0x5: {  	s4 =	rddreg [dreg:$0x4]  }
0x6: {  	s6 =	rddreg [dreg:$0x5]  }
0x7: {  	s10 =	rddreg [dreg:$0x6];
	s5 =	srdreg.scid  }
0x8: {  	s8 =	stileid.u32;
	s28 =	simm.s32 $0x1;
	s29 =	simm.s32 $0x2  }
0x9: {  	s30 =	simm.s32 $0x1D700;
	s31 =	simm.s32 $0x3;
	s7 =	sand.u32 $0x1, s5  }
0xa: {  	s22 =	sshll.u32 s8, $0x9;
	s14 =	sshrl.u32 s8, $0x1;
	s5 =	simm.s32 $0x0  }
0xb: {  	s8 =	sadd.s32 $0x400, s0;
	s12 =	sadd.s32 $0x400, s2;
	s13 =	sadd.s32 $0x600, s2  }
0xc: {  	s16 =	sadd.s32 $0x400, s3;
	s23 =	sshll.u32 s7, $0x8;
	s9 =	sand.u32 $0x200, s22  }
0xd: {  	s17 =	smul.u32 $0xC3800, s14;
	s7 =	ssub.s32 $0x2, s7;
	[smem:$0x7FF] =	sst s5  }
0xe: {  	s14 =	sshll.u32 s14, $0x11;
	s18 =	sor.u32 s23, s9;
	s24 =	sshrl.u32 s7, $0x1  }
0xf: {  	_ =	strace $0x80000047;
	s9 =	sor.u32 s17, s18;
	s23 =	ssub.s32 s7, s24  }
0x10: {  	s7 =	sadd.s32 $0x200, s0;
	s19 =	sor.u32 $0x80, s18;
	s18 =	sor.u32 s14, s18  }
0x11: {  	s24 =	simm.s32 $0x80;
	s15 =	sshrl.u32 s9, $0x3;
	s9 =	sadd.s32 $0x600, s0  }
0x12: {  	s17 =	sor.u32 s17, s19;
	s18 =	sshrl.u32 s18, $0x3;
	s14 =	sor.u32 s14, s19  }
0x13: {  	s23 =	smax.u32 s23, $0x1;
	s25 =	sadd.s32 s1, s15;
	s11 =	sadd.s32 s4, s15  }
0x14: {  	s15 =	sadd.s32 s6, s15;
	s21 =	sshrl.u32 s17, $0x3;
	[dreg:$0x8] =	wrdreg s25  }
0x15: {  	s17 =	sadd.s32 $0x600, s3;
	s18 =	sadd.s32 s10, s18;
	[dreg:$0x9] =	wrdreg s11  }
0x16: {  	s26 =	sshrl.u32 s14, $0x3;
	s11 =	sadd.s32 $0x200, s2;
	[dreg:$0xa] =	wrdreg s15  }
0x17: {  	s15 =	sadd.s32 $0x200, s3;
	s19 =	sadd.s32 s1, s21;
	s20 =	sadd.s32 s4, s21  }
0x18: {  	s21 =	sadd.s32 s6, s21;
	s22 =	sadd.s32 s10, s26;
	s25 =	simm.s32 $0x400  }
0x19: {  	s26 =	simm.s32 $0x1C700;
	s4 =	simm.s32 $0x4;
	s1 =	simm.s32 $0x0  }
.LBB2_1:
0x1a: {  	s6 =	rddreg [dreg:$0x8]  }
0x1b: {  	[tilespmem:s5], [sflag:$0x1] =	stream.strided.gather [hbm4b:s6+s24], $0x18700, s25, s24, $0x38;
	[tilespmem:$0x1E700] =	vst v63  }
0x1c: {  	_ = 	snop  }
0x1d: {  	[tilespmem:s26], [sflag:$0x2] =	stream.linear.gather [hbm4b:s0+s5], $0x1000, $0x38;
	[tilespmem:$0x1E700] =	vst v63  }
0x1e: {  	_ =	swait.ge [sflag:s28], $0x18700  }
0x1f: {  	[sflag:s28] =	ssyncset.done $0x0  }
0x20: {  	[sflag:s28] =	ssyncadd.s32 $0xFFFE7900  }
0x21: {  	_ =	swait.ge [sflag:s29], $0x1000  }
0x22: {  	[sflag:s29] =	ssyncset.done $0x0  }
0x23: {  	s14 =	simm.s32 $0x1C740;
	[sflag:s29] =	ssyncadd.s32 $0xFFFFF000  }
0x24: {  	[tilespmem:s30], [sflag:$0x3] =	stream.linear.gather [hbm4b:s7+s5], $0x1000, $0x38;
	[tilespmem:$0x1E700] =	vst v63  }
0x25: {  	v0 =	vld [tilespmem:s14+$0x30]  }
0x26: {  	v1 =	vld [tilespmem:s14+$0xFFFFFFD0]  }
0x27: {  	v2 =	vld [tilespmem:s14+$0xFFFFFFE0]  }
0x28: {  	v3 =	vld [tilespmem:s14+$0xFFFFFFF0]  }
0x29: {  	v4 =	vld [tilespmem:s14+$0x0]  }
0x2a: {  	v6 =	vld [tilespmem:s14+$0x10]  }
0x2b: {  	v7 =	vld [tilespmem:s14+$0x20]  }
0x2c: {  	v8 =	vld [tilespmem:s14+$0xFFFFFFC0]  }
0x2d: {  	v9 =	vld.idx.msk [tilespmem:v0+s5+$0x0], $0xffff  }
0x2e: {  	v10 =	vld.idx.msk [tilespmem:v1+s5+$0x0], $0xffff  }
0x2f: {  	v5 =	vld.idx.msk [tilespmem:v2+s5+$0x0], $0xffff  }
0x30: {  	v3 =	vld.idx.msk [tilespmem:v3+s5+$0x0], $0xffff  }
0x31: {  	v0 =	vld.idx.msk [tilespmem:v4+s5+$0x0], $0xffff  }
0x32: {  	s6 =	simm.s32 $0x18740;
	v1 =	vld.idx.msk [tilespmem:v6+s5+$0x0], $0xffff  }
0x33: {  	v2 =	vld.idx.msk [tilespmem:v7+s5+$0x0], $0xffff;
	[tilespmem:s6+$0x30] =	vst v9  }
0x34: {  	s10 =	simm.s32 $0x0;
	s14 =	simm.s32 $0x1C7C0;
	v4 =	vld.idx.msk [tilespmem:v8+s5+$0x0], $0xffff;
	[tilespmem:s6+$0xFFFFFFD0] =	vst v10  }
.LBB2_2:
0x35: {  	v6 =	vld [tilespmem:s14+$0x30];
	s10 =	sadd.s32 $0x8, s10;
	[tilespmem:s6+$0xFFFFFFE0] =	vst v5  }
0x36: {  	v5 =	vld [tilespmem:s14+$0xFFFFFFD0];
	p0 =	slt.u32 s10, $0xF8;
	[tilespmem:s6+$0xFFFFFFF0] =	vst v3  }
0x37: {  	v3 =	vld [tilespmem:s14+$0xFFFFFFE0];
	[tilespmem:s6+$0x0] =	vst v0  }
0x38: {  	v0 =	vld [tilespmem:s14+$0xFFFFFFF0];
	[tilespmem:s6+$0x10] =	vst v1  }
0x39: {  	v1 =	vld [tilespmem:s14+$0x0];
	[tilespmem:s6+$0x20] =	vst v2  }
0x3a: {  	v2 =	vld [tilespmem:s14+$0x10];
	[tilespmem:s6+$0xFFFFFFC0] =	vst v4  }
0x3b: {  	v4 =	vld [tilespmem:s14+$0x20]  }
0x3c: {  	v7 =	vld [tilespmem:s14+$0xFFFFFFC0]  }
0x3d: {  	v6 =	vld.idx.msk [tilespmem:v6+s5+$0x0], $0xffff  }
0x3e: {  	v8 =	vld.idx.msk [tilespmem:v5+s5+$0x0], $0xffff  }
0x3f: {  	v5 =	vld.idx.msk [tilespmem:v3+s5+$0x0], $0xffff  }
.Ltmp0:
0x40: {  	v3 =	vld.idx.msk [tilespmem:v0+s5+$0x0], $0xffff;
	(pc) =	sbr.rel @p0 .LBB2_2-.Ltmp0, $4  }
0x41: {  	v0 =	vld.idx.msk [tilespmem:v1+s5+$0x0], $0xffff  }
0x42: {  	s6 =	sadd.s32 $0x80, s6;
	v1 =	vld.idx.msk [tilespmem:v2+s5+$0x0], $0xffff  }
0x43: {  	v2 =	vld.idx.msk [tilespmem:v4+s5+$0x0], $0xffff;
	[tilespmem:s6+$0x30] =	vst v6  }
0x44: {  	s14 =	sadd.s32 $0x80, s14;
	v4 =	vld.idx.msk [tilespmem:v7+s5+$0x0], $0xffff;
	[tilespmem:s6+$0xFFFFFFD0] =	vst v8  }
0x45: {  	[tilespmem:s6+$0xFFFFFFE0] =	vst v5  }
0x46: {  	[tilespmem:s6+$0xFFFFFFF0] =	vst v3  }
0x47: {  	[tilespmem:s6+$0x0] =	vst v0  }
0x48: {  	[tilespmem:s6+$0x10] =	vst v1  }
0x49: {  	[tilespmem:s6+$0x20] =	vst v2  }
0x4a: {  	[tilespmem:s6+$0xFFFFFFC0] =	vst v4  }
0x4b: {  	_ =	swait.ge [sflag:s31], $0x1000  }
0x4c: {  	[sflag:s31] =	ssyncset.done $0x0  }
0x4d: {  	s14 =	simm.s32 $0x1D740;
	[sflag:s31] =	ssyncadd.s32 $0xFFFFF000  }
0x4e: {  	[tilespmem:s26], [sflag:$0x2] =	stream.linear.gather [hbm4b:s8+s5], $0x1000, $0x38;
	[tilespmem:$0x1E700] =	vst v63  }
0x4f: {  	v0 =	vld [tilespmem:s14+$0x30]  }
0x50: {  	v1 =	vld [tilespmem:s14+$0xFFFFFFD0]  }
0x51: {  	v2 =	vld [tilespmem:s14+$0xFFFFFFE0]  }
0x52: {  	v3 =	vld [tilespmem:s14+$0xFFFFFFF0]  }
0x53: {  	v4 =	vld [tilespmem:s14+$0x0]  }
0x54: {  	v6 =	vld [tilespmem:s14+$0x10]  }
0x55: {  	v7 =	vld [tilespmem:s14+$0x20]  }
0x56: {  	v8 =	vld [tilespmem:s14+$0xFFFFFFC0]  }
0x57: {  	v9 =	vld.idx.msk [tilespmem:v0+s5+$0x0], $0xffff  }
0x58: {  	v10 =	vld.idx.msk [tilespmem:v1+s5+$0x0], $0xffff  }
0x59: {  	v5 =	vld.idx.msk [tilespmem:v2+s5+$0x0], $0xffff  }
0x5a: {  	v3 =	vld.idx.msk [tilespmem:v3+s5+$0x0], $0xffff  }
0x5b: {  	v0 =	vld.idx.msk [tilespmem:v4+s5+$0x0], $0xffff  }
0x5c: {  	s6 =	simm.s32 $0x19770;
	v1 =	vld.idx.msk [tilespmem:v6+s5+$0x0], $0xffff  }
0x5d: {  	v2 =	vld.idx.msk [tilespmem:v7+s5+$0x0], $0xffff;
	[tilespmem:s6+$0x0] =	vst v9  }
0x5e: {  	s10 =	simm.s32 $0x0;
	s14 =	simm.s32 $0x1D7C0;
	v4 =	vld.idx.msk [tilespmem:v8+s5+$0x0], $0xffff;
	[tilespmem:s6+$0xFFFFFFA0] =	vst v10  }
.LBB2_4:
0x5f: {  	v6 =	vld [tilespmem:s14+$0x30];
	s10 =	sadd.s32 $0x8, s10;
	[tilespmem:s6+$0xFFFFFFB0] =	vst v5  }
0x60: {  	v5 =	vld [tilespmem:s14+$0xFFFFFFD0];
	p0 =	slt.u32 s10, $0xF8;
	[tilespmem:s6+$0xFFFFFFC0] =	vst v3  }
0x61: {  	v3 =	vld [tilespmem:s14+$0xFFFFFFE0];
	[tilespmem:s6+$0xFFFFFFD0] =	vst v0  }
0x62: {  	v0 =	vld [tilespmem:s14+$0xFFFFFFF0];
	[tilespmem:s6+$0xFFFFFFE0] =	vst v1  }
0x63: {  	v1 =	vld [tilespmem:s14+$0x0];
	[tilespmem:s6+$0xFFFFFFF0] =	vst v2  }
0x64: {  	v2 =	vld [tilespmem:s14+$0x10];
	[tilespmem:s6+$0xFFFFFF90] =	vst v4  }
0x65: {  	v4 =	vld [tilespmem:s14+$0x20]  }
0x66: {  	v7 =	vld [tilespmem:s14+$0xFFFFFFC0]  }
0x67: {  	v6 =	vld.idx.msk [tilespmem:v6+s5+$0x0], $0xffff  }
0x68: {  	v8 =	vld.idx.msk [tilespmem:v5+s5+$0x0], $0xffff  }
0x69: {  	v5 =	vld.idx.msk [tilespmem:v3+s5+$0x0], $0xffff  }
.Ltmp1:
0x6a: {  	v3 =	vld.idx.msk [tilespmem:v0+s5+$0x0], $0xffff;
	(pc) =	sbr.rel @p0 .LBB2_4-.Ltmp1, $4  }
0x6b: {  	v0 =	vld.idx.msk [tilespmem:v1+s5+$0x0], $0xffff  }
0x6c: {  	s6 =	sadd.s32 $0x80, s6;
	v1 =	vld.idx.msk [tilespmem:v2+s5+$0x0], $0xffff  }
0x6d: {  	v2 =	vld.idx.msk [tilespmem:v4+s5+$0x0], $0xffff;
	[tilespmem:s6+$0x0] =	vst v6  }
0x6e: {  	s14 =	sadd.s32 $0x80, s14;
	v4 =	vld.idx.msk [tilespmem:v7+s5+$0x0], $0xffff;
	[tilespmem:s6+$0xFFFFFFA0] =	vst v8  }
0x6f: {  	[tilespmem:s6+$0xFFFFFFB0] =	vst v5  }
0x70: {  	[tilespmem:s6+$0xFFFFFFC0] =	vst v3  }
0x71: {  	[tilespmem:s6+$0xFFFFFFD0] =	vst v0  }
0x72: {  	[tilespmem:s6+$0xFFFFFFE0] =	vst v1  }
0x73: {  	[tilespmem:s6+$0xFFFFFFF0] =	vst v2  }
0x74: {  	[tilespmem:s6+$0xFFFFFF90] =	vst v4  }
0x75: {  	_ =	swait.ge [sflag:s29], $0x1000  }
0x76: {  	[sflag:s29] =	ssyncset.done $0x0  }
0x77: {  	s14 =	simm.s32 $0x1C740;
	[sflag:s29] =	ssyncadd.s32 $0xFFFFF000  }
0x78: {  	[tilespmem:s30], [sflag:$0x3] =	stream.linear.gather [hbm4b:s9+s5], $0x1000, $0x38;
	[tilespmem:$0x1E700] =	vst v63  }
0x79: {  	v0 =	vld [tilespmem:s14+$0x30]  }
0x7a: {  	v1 =	vld [tilespmem:s14+$0xFFFFFFD0]  }
0x7b: {  	v2 =	vld [tilespmem:s14+$0xFFFFFFE0]  }
0x7c: {  	v3 =	vld [tilespmem:s14+$0xFFFFFFF0]  }
0x7d: {  	v4 =	vld [tilespmem:s14+$0x0]  }
0x7e: {  	v6 =	vld [tilespmem:s14+$0x10]  }
0x7f: {  	v7 =	vld [tilespmem:s14+$0x20]  }
0x80: {  	v8 =	vld [tilespmem:s14+$0xFFFFFFC0]  }
0x81: {  	v9 =	vld.idx.msk [tilespmem:v0+s5+$0x0], $0xffff  }
0x82: {  	v10 =	vld.idx.msk [tilespmem:v1+s5+$0x0], $0xffff  }
0x83: {  	v5 =	vld.idx.msk [tilespmem:v2+s5+$0x0], $0xffff  }
0x84: {  	v3 =	vld.idx.msk [tilespmem:v3+s5+$0x0], $0xffff  }
0x85: {  	v0 =	vld.idx.msk [tilespmem:v4+s5+$0x0], $0xffff  }
0x86: {  	s6 =	simm.s32 $0x1A770;
	v1 =	vld.idx.msk [tilespmem:v6+s5+$0x0], $0xffff  }
0x87: {  	v2 =	vld.idx.msk [tilespmem:v7+s5+$0x0], $0xffff;
	[tilespmem:s6+$0x0] =	vst v9  }
0x88: {  	s10 =	simm.s32 $0x0;
	s14 =	simm.s32 $0x1C7C0;
	v4 =	vld.idx.msk [tilespmem:v8+s5+$0x0], $0xffff;
	[tilespmem:s6+$0xFFFFFFA0] =	vst v10  }
.LBB2_6:
0x89: {  	v6 =	vld [tilespmem:s14+$0x30];
	s10 =	sadd.s32 $0x8, s10;
	[tilespmem:s6+$0xFFFFFFB0] =	vst v5  }
0x8a: {  	v5 =	vld [tilespmem:s14+$0xFFFFFFD0];
	p0 =	slt.u32 s10, $0xF8;
	[tilespmem:s6+$0xFFFFFFC0] =	vst v3  }
0x8b: {  	v3 =	vld [tilespmem:s14+$0xFFFFFFE0];
	[tilespmem:s6+$0xFFFFFFD0] =	vst v0  }
0x8c: {  	v0 =	vld [tilespmem:s14+$0xFFFFFFF0];
	[tilespmem:s6+$0xFFFFFFE0] =	vst v1  }
0x8d: {  	v1 =	vld [tilespmem:s14+$0x0];
	[tilespmem:s6+$0xFFFFFFF0] =	vst v2  }
0x8e: {  	v2 =	vld [tilespmem:s14+$0x10];
	[tilespmem:s6+$0xFFFFFF90] =	vst v4  }
0x8f: {  	v4 =	vld [tilespmem:s14+$0x20]  }
0x90: {  	v7 =	vld [tilespmem:s14+$0xFFFFFFC0]  }
0x91: {  	v6 =	vld.idx.msk [tilespmem:v6+s5+$0x0], $0xffff  }
0x92: {  	v8 =	vld.idx.msk [tilespmem:v5+s5+$0x0], $0xffff  }
0x93: {  	v5 =	vld.idx.msk [tilespmem:v3+s5+$0x0], $0xffff  }
.Ltmp2:
0x94: {  	v3 =	vld.idx.msk [tilespmem:v0+s5+$0x0], $0xffff;
	(pc) =	sbr.rel @p0 .LBB2_6-.Ltmp2, $4  }
0x95: {  	v0 =	vld.idx.msk [tilespmem:v1+s5+$0x0], $0xffff  }
0x96: {  	s6 =	sadd.s32 $0x80, s6;
	v1 =	vld.idx.msk [tilespmem:v2+s5+$0x0], $0xffff  }
0x97: {  	v2 =	vld.idx.msk [tilespmem:v4+s5+$0x0], $0xffff;
	[tilespmem:s6+$0x0] =	vst v6  }
0x98: {  	s14 =	sadd.s32 $0x80, s14;
	v4 =	vld.idx.msk [tilespmem:v7+s5+$0x0], $0xffff;
	[tilespmem:s6+$0xFFFFFFA0] =	vst v8  }
0x99: {  	[tilespmem:s6+$0xFFFFFFB0] =	vst v5  }
0x9a: {  	[tilespmem:s6+$0xFFFFFFC0] =	vst v3  }
0x9b: {  	[tilespmem:s6+$0xFFFFFFD0] =	vst v0  }
0x9c: {  	[tilespmem:s6+$0xFFFFFFE0] =	vst v1  }
0x9d: {  	[tilespmem:s6+$0xFFFFFFF0] =	vst v2  }
0x9e: {  	[tilespmem:s6+$0xFFFFFF90] =	vst v4  }
0x9f: {  	_ =	swait.ge [sflag:s31], $0x1000  }
0xa0: {  	[sflag:s31] =	ssyncset.done $0x0  }
0xa1: {  	s14 =	simm.s32 $0x1D740;
	[sflag:s31] =	ssyncadd.s32 $0xFFFFF000  }
0xa2: {  	v0 =	vld [tilespmem:s14+$0x30]  }
0xa3: {  	v1 =	vld [tilespmem:s14+$0xFFFFFFD0]  }
0xa4: {  	v2 =	vld [tilespmem:s14+$0xFFFFFFE0]  }
0xa5: {  	v3 =	vld [tilespmem:s14+$0xFFFFFFF0]  }
0xa6: {  	v4 =	vld [tilespmem:s14+$0x0]  }
0xa7: {  	v6 =	vld [tilespmem:s14+$0x10]  }
0xa8: {  	v7 =	vld [tilespmem:s14+$0x20]  }
0xa9: {  	v8 =	vld [tilespmem:s14+$0xFFFFFFC0]  }
0xaa: {  	v9 =	vld.idx.msk [tilespmem:v0+s5+$0x0], $0xffff  }
0xab: {  	v10 =	vld.idx.msk [tilespmem:v1+s5+$0x0], $0xffff  }
0xac: {  	v5 =	vld.idx.msk [tilespmem:v2+s5+$0x0], $0xffff  }
0xad: {  	v3 =	vld.idx.msk [tilespmem:v3+s5+$0x0], $0xffff  }
0xae: {  	v0 =	vld.idx.msk [tilespmem:v4+s5+$0x0], $0xffff  }
0xaf: {  	s6 =	simm.s32 $0x1B770;
	v1 =	vld.idx.msk [tilespmem:v6+s5+$0x0], $0xffff  }
0xb0: {  	v2 =	vld.idx.msk [tilespmem:v7+s5+$0x0], $0xffff;
	[tilespmem:s6+$0x0] =	vst v9  }
0xb1: {  	s10 =	simm.s32 $0x0;
	s14 =	simm.s32 $0x1D7C0;
	v4 =	vld.idx.msk [tilespmem:v8+s5+$0x0], $0xffff;
	[tilespmem:s6+$0xFFFFFFA0] =	vst v10  }
.LBB2_8:
0xb2: {  	v6 =	vld [tilespmem:s14+$0x30];
	s10 =	sadd.s32 $0x8, s10;
	[tilespmem:s6+$0xFFFFFFB0] =	vst v5  }
0xb3: {  	v5 =	vld [tilespmem:s14+$0xFFFFFFD0];
	p0 =	slt.u32 s10, $0xF8;
	[tilespmem:s6+$0xFFFFFFC0] =	vst v3  }
0xb4: {  	v3 =	vld [tilespmem:s14+$0xFFFFFFE0];
	[tilespmem:s6+$0xFFFFFFD0] =	vst v0  }
0xb5: {  	v0 =	vld [tilespmem:s14+$0xFFFFFFF0];
	[tilespmem:s6+$0xFFFFFFE0] =	vst v1  }
0xb6: {  	v1 =	vld [tilespmem:s14+$0x0];
	[tilespmem:s6+$0xFFFFFFF0] =	vst v2  }
0xb7: {  	v2 =	vld [tilespmem:s14+$0x10];
	[tilespmem:s6+$0xFFFFFF90] =	vst v4  }
0xb8: {  	v4 =	vld [tilespmem:s14+$0x20]  }
0xb9: {  	v7 =	vld [tilespmem:s14+$0xFFFFFFC0]  }
0xba: {  	v6 =	vld.idx.msk [tilespmem:v6+s5+$0x0], $0xffff  }
0xbb: {  	v8 =	vld.idx.msk [tilespmem:v5+s5+$0x0], $0xffff  }
0xbc: {  	v5 =	vld.idx.msk [tilespmem:v3+s5+$0x0], $0xffff  }
.Ltmp3:
0xbd: {  	v3 =	vld.idx.msk [tilespmem:v0+s5+$0x0], $0xffff;
	(pc) =	sbr.rel @p0 .LBB2_8-.Ltmp3, $4  }
0xbe: {  	v0 =	vld.idx.msk [tilespmem:v1+s5+$0x0], $0xffff  }
0xbf: {  	s6 =	sadd.s32 $0x80, s6;
	v1 =	vld.idx.msk [tilespmem:v2+s5+$0x0], $0xffff  }
0xc0: {  	v2 =	vld.idx.msk [tilespmem:v4+s5+$0x0], $0xffff;
	[tilespmem:s6+$0x0] =	vst v6  }
0xc1: {  	s14 =	sadd.s32 $0x80, s14;
	v4 =	vld.idx.msk [tilespmem:v7+s5+$0x0], $0xffff;
	[tilespmem:s6+$0xFFFFFFA0] =	vst v8  }
0xc2: {  	[tilespmem:s6+$0xFFFFFFB0] =	vst v5  }
0xc3: {  	[tilespmem:s6+$0xFFFFFFC0] =	vst v3  }
0xc4: {  	[tilespmem:s6+$0xFFFFFFD0] =	vst v0  }
0xc5: {  	[tilespmem:s6+$0xFFFFFFE0] =	vst v1  }
0xc6: {  	[tilespmem:s6+$0xFFFFFFF0] =	vst v2  }
0xc7: {  	[tilespmem:s6+$0xFFFFFF90] =	vst v4  }
0xc8: {  	s6 =	rddreg [dreg:$0x9]  }
0xc9: {  	[tilespmem:s5], [sflag:$0x1] =	stream.strided.gather [hbm4b:s6+s24], $0x18700, s25, s24, $0x38;
	[tilespmem:$0x1E700] =	vst v63  }
0xca: {  	_ = 	snop  }
0xcb: {  	[tilespmem:s26], [sflag:$0x2] =	stream.linear.gather [hbm4b:s2+s5], $0x1000, $0x38;
	[tilespmem:$0x1E700] =	vst v63  }
0xcc: {  	_ =	swait.ge [sflag:s28], $0x18700  }
0xcd: {  	[sflag:s28] =	ssyncset.done $0x0  }
0xce: {  	[sflag:s28] =	ssyncadd.s32 $0xFFFE7900  }
0xcf: {  	_ =	swait.ge [sflag:s29], $0x1000  }
0xd0: {  	[sflag:s29] =	ssyncset.done $0x0  }
0xd1: {  	s14 =	simm.s32 $0x1C740;
	[sflag:s29] =	ssyncadd.s32 $0xFFFFF000  }
0xd2: {  	[tilespmem:s30], [sflag:$0x3] =	stream.linear.gather [hbm4b:s11+s5], $0x1000, $0x38;
	[tilespmem:$0x1E700] =	vst v63  }
0xd3: {  	v0 =	vld [tilespmem:s14+$0x30]  }
0xd4: {  	v1 =	vld [tilespmem:s14+$0xFFFFFFD0]  }
0xd5: {  	v2 =	vld [tilespmem:s14+$0xFFFFFFE0]  }
0xd6: {  	v3 =	vld [tilespmem:s14+$0xFFFFFFF0]  }
0xd7: {  	v5 =	vld [tilespmem:s14+$0x0]  }
0xd8: {  	v6 =	vld [tilespmem:s14+$0x10]  }
0xd9: {  	v7 =	vld [tilespmem:s14+$0x20]  }
0xda: {  	s6 =	simm.s32 $0x18740;
	v8 =	vld [tilespmem:s14+$0xFFFFFFC0]  }
0xdb: {  	v11 =	vld [tilespmem:s6+$0x30]  }
0xdc: {  	v14 =	vld [tilespmem:s6+$0xFFFFFFD0]  }
0xdd: {  	v9 =	vld [tilespmem:s6+$0xFFFFFFE0]  }
0xde: {  	v10 =	vld.idx.msk [tilespmem:v0+s5+$0x0], $0xffff  }
0xdf: {  	v12 =	vld.idx.msk [tilespmem:v1+s5+$0x0], $0xffff  }
0xe0: {  	v4 =	vld.idx.msk [tilespmem:v2+s5+$0x0], $0xffff  }
0xe1: {  	v3 =	vld.idx.msk [tilespmem:v3+s5+$0x0], $0xffff  }
0xe2: {  	v13 =	vld.idx.msk [tilespmem:v8+s5+$0x0], $0xffff  }
0xe3: {  	v1 =	vld.idx.msk [tilespmem:v7+s5+$0x0], $0xffff  }
0xe4: {  	v7 =	vld [tilespmem:s6+$0xFFFFFFC0]  }
0xe5: {  	v2 =	vld.idx.msk [tilespmem:v5+s5+$0x0], $0xffff  }
0xe6: {  	v0 =	vld.idx.msk [tilespmem:v6+s5+$0x0], $0xffff  }
0xe7: {  	v8 =	vld [tilespmem:s6+$0xFFFFFFF0]  }
0xe8: {  	v6 =	vld [tilespmem:s6+$0x0];
	v10 =	vmul.f32 v11, v10  }
0xe9: {  	v5 =	vld [tilespmem:s6+$0x10];
	v11 =	vmul.f32 v7, v13  }
0xea: {  	s10 =	simm.s32 $0x0;
	s14 =	simm.s32 $0x1C7C0;
	v7 =	vld [tilespmem:s6+$0x20];
	[tilespmem:s6+$0x30] =	vst v10;
	v10 =	vmul.f32 v14, v12  }
.LBB2_10:
0xeb: {  	v12 =	vld [tilespmem:s14+$0x30];
	s10 =	sadd.s32 $0x8, s10;
	[tilespmem:s6+$0xFFFFFFC0] =	vst v11;
	v4 =	vmul.f32 v9, v4  }
0xec: {  	v9 =	vld [tilespmem:s14+$0xFFFFFFD0];
	p0 =	slt.u32 s10, $0xF8;
	[tilespmem:s6+$0xFFFFFFD0] =	vst v10;
	v3 =	vmul.f32 v8, v3  }
0xed: {  	v8 =	vld [tilespmem:s14+$0xFFFFFFE0];
	[tilespmem:s6+$0xFFFFFFE0] =	vst v4;
	v2 =	vmul.f32 v6, v2  }
0xee: {  	v6 =	vld [tilespmem:s14+$0xFFFFFFF0];
	[tilespmem:s6+$0xFFFFFFF0] =	vst v3;
	v0 =	vmul.f32 v5, v0  }
0xef: {  	v5 =	vld [tilespmem:s14+$0x0];
	[tilespmem:s6+$0x0] =	vst v2;
	v1 =	vmul.f32 v7, v1  }
0xf0: {  	v7 =	vld [tilespmem:s14+$0x10];
	[tilespmem:s6+$0x10] =	vst v0  }
0xf1: {  	v10 =	vld [tilespmem:s14+$0x20];
	[tilespmem:s6+$0x20] =	vst v1  }
0xf2: {  	v1 =	vld [tilespmem:s14+$0xFFFFFFC0]  }
0xf3: {  	s6 =	sadd.s32 $0x80, s6;
	v11 =	vld.idx.msk [tilespmem:v12+s5+$0x0], $0xffff  }
0xf4: {  	v12 =	vld [tilespmem:s6+$0x30]  }
0xf5: {  	v13 =	vld.idx.msk [tilespmem:v9+s5+$0x0], $0xffff  }
0xf6: {  	v4 =	vld.idx.msk [tilespmem:v8+s5+$0x0], $0xffff  }
0xf7: {  	v3 =	vld.idx.msk [tilespmem:v6+s5+$0x0], $0xffff  }
0xf8: {  	v2 =	vld.idx.msk [tilespmem:v5+s5+$0x0], $0xffff  }
0xf9: {  	v0 =	vld.idx.msk [tilespmem:v7+s5+$0x0], $0xffff;
	v5 =	vmul.f32 v12, v11  }
0xfa: {  	v7 =	vld.idx.msk [tilespmem:v1+s5+$0x0], $0xffff  }
0xfb: {  	v1 =	vld.idx.msk [tilespmem:v10+s5+$0x0], $0xffff;
	[tilespmem:s6+$0x30] =	vst v5  }
0xfc: {  	v5 =	vld [tilespmem:s6+$0xFFFFFFC0]  }
0xfd: {  	v10 =	vld [tilespmem:s6+$0xFFFFFFD0]  }
.Ltmp4:
0xfe: {  	v9 =	vld [tilespmem:s6+$0xFFFFFFE0];
	(pc) =	sbr.rel @p0 .LBB2_10-.Ltmp4, $4  }
0xff: {  	v8 =	vld [tilespmem:s6+$0xFFFFFFF0]  }
0x100: {  	v6 =	vld [tilespmem:s6+$0x0]  }
0x101: {  	v11 =	vmul.f32 v5, v7;
	v5 =	vld [tilespmem:s6+$0x10]  }
0x102: {  	s14 =	sadd.s32 $0x80, s14;
	v10 =	vmul.f32 v10, v13;
	v7 =	vld [tilespmem:s6+$0x20]  }
0x103: {  	[tilespmem:s6+$0xFFFFFFC0] =	vst v11;
	v4 =	vmul.f32 v9, v4  }
0x104: {  	[tilespmem:s6+$0xFFFFFFD0] =	vst v10;
	v3 =	vmul.f32 v8, v3  }
0x105: {  	[tilespmem:s6+$0xFFFFFFE0] =	vst v4;
	v2 =	vmul.f32 v6, v2  }
0x106: {  	[tilespmem:s6+$0xFFFFFFF0] =	vst v3;
	v0 =	vmul.f32 v5, v0  }
0x107: {  	[tilespmem:s6+$0x0] =	vst v2;
	v1 =	vmul.f32 v7, v1  }
0x108: {  	[tilespmem:s6+$0x10] =	vst v0  }
0x109: {  	[tilespmem:s6+$0x20] =	vst v1  }
0x10a: {  	_ =	swait.ge [sflag:s31], $0x1000  }
0x10b: {  	[sflag:s31] =	ssyncset.done $0x0  }
0x10c: {  	s14 =	simm.s32 $0x1D740;
	[sflag:s31] =	ssyncadd.s32 $0xFFFFF000  }
0x10d: {  	[tilespmem:s26], [sflag:$0x2] =	stream.linear.gather [hbm4b:s12+s5], $0x1000, $0x38;
	[tilespmem:$0x1E700] =	vst v63  }
0x10e: {  	v0 =	vld [tilespmem:s14+$0x30]  }
0x10f: {  	v1 =	vld [tilespmem:s14+$0xFFFFFFD0]  }
0x110: {  	v2 =	vld [tilespmem:s14+$0xFFFFFFE0]  }
0x111: {  	v3 =	vld [tilespmem:s14+$0xFFFFFFF0]  }
0x112: {  	v5 =	vld [tilespmem:s14+$0x0]  }
0x113: {  	v6 =	vld [tilespmem:s14+$0x10]  }
0x114: {  	v7 =	vld [tilespmem:s14+$0x20]  }
0x115: {  	s6 =	simm.s32 $0x19770;
	v8 =	vld [tilespmem:s14+$0xFFFFFFC0]  }
0x116: {  	v11 =	vld [tilespmem:s6+$0x0]  }
0x117: {  	v14 =	vld [tilespmem:s6+$0xFFFFFFA0]  }
0x118: {  	v9 =	vld [tilespmem:s6+$0xFFFFFFB0]  }
0x119: {  	v10 =	vld.idx.msk [tilespmem:v0+s5+$0x0], $0xffff  }
0x11a: {  	v12 =	vld.idx.msk [tilespmem:v1+s5+$0x0], $0xffff  }
0x11b: {  	v4 =	vld.idx.msk [tilespmem:v2+s5+$0x0], $0xffff  }
0x11c: {  	v3 =	vld.idx.msk [tilespmem:v3+s5+$0x0], $0xffff  }
0x11d: {  	v13 =	vld.idx.msk [tilespmem:v8+s5+$0x0], $0xffff  }
0x11e: {  	v1 =	vld.idx.msk [tilespmem:v7+s5+$0x0], $0xffff  }
0x11f: {  	v7 =	vld [tilespmem:s6+$0xFFFFFF90]  }
0x120: {  	v2 =	vld.idx.msk [tilespmem:v5+s5+$0x0], $0xffff  }
0x121: {  	v0 =	vld.idx.msk [tilespmem:v6+s5+$0x0], $0xffff  }
0x122: {  	v8 =	vld [tilespmem:s6+$0xFFFFFFC0]  }
0x123: {  	v6 =	vld [tilespmem:s6+$0xFFFFFFD0];
	v10 =	vmul.f32 v11, v10  }
0x124: {  	v5 =	vld [tilespmem:s6+$0xFFFFFFE0];
	v11 =	vmul.f32 v7, v13  }
0x125: {  	s10 =	simm.s32 $0x0;
	s14 =	simm.s32 $0x1D7C0;
	v7 =	vld [tilespmem:s6+$0xFFFFFFF0];
	[tilespmem:s6+$0x0] =	vst v10;
	v10 =	vmul.f32 v14, v12  }
.LBB2_12:
0x126: {  	v12 =	vld [tilespmem:s14+$0x30];
	s10 =	sadd.s32 $0x8, s10;
	[tilespmem:s6+$0xFFFFFF90] =	vst v11;
	v4 =	vmul.f32 v9, v4  }
0x127: {  	v9 =	vld [tilespmem:s14+$0xFFFFFFD0];
	p0 =	slt.u32 s10, $0xF8;
	[tilespmem:s6+$0xFFFFFFA0] =	vst v10;
	v3 =	vmul.f32 v8, v3  }
0x128: {  	v8 =	vld [tilespmem:s14+$0xFFFFFFE0];
	[tilespmem:s6+$0xFFFFFFB0] =	vst v4;
	v2 =	vmul.f32 v6, v2  }
0x129: {  	v6 =	vld [tilespmem:s14+$0xFFFFFFF0];
	[tilespmem:s6+$0xFFFFFFC0] =	vst v3;
	v0 =	vmul.f32 v5, v0  }
0x12a: {  	v5 =	vld [tilespmem:s14+$0x0];
	[tilespmem:s6+$0xFFFFFFD0] =	vst v2;
	v1 =	vmul.f32 v7, v1  }
0x12b: {  	v7 =	vld [tilespmem:s14+$0x10];
	[tilespmem:s6+$0xFFFFFFE0] =	vst v0  }
0x12c: {  	v10 =	vld [tilespmem:s14+$0x20];
	[tilespmem:s6+$0xFFFFFFF0] =	vst v1  }
0x12d: {  	v1 =	vld [tilespmem:s14+$0xFFFFFFC0]  }
0x12e: {  	s6 =	sadd.s32 $0x80, s6;
	v11 =	vld.idx.msk [tilespmem:v12+s5+$0x0], $0xffff  }
0x12f: {  	v12 =	vld [tilespmem:s6+$0x0]  }
0x130: {  	v13 =	vld.idx.msk [tilespmem:v9+s5+$0x0], $0xffff  }
0x131: {  	v4 =	vld.idx.msk [tilespmem:v8+s5+$0x0], $0xffff  }
0x132: {  	v3 =	vld.idx.msk [tilespmem:v6+s5+$0x0], $0xffff  }
0x133: {  	v2 =	vld.idx.msk [tilespmem:v5+s5+$0x0], $0xffff  }
0x134: {  	v0 =	vld.idx.msk [tilespmem:v7+s5+$0x0], $0xffff;
	v5 =	vmul.f32 v12, v11  }
0x135: {  	v7 =	vld.idx.msk [tilespmem:v1+s5+$0x0], $0xffff  }
0x136: {  	v1 =	vld.idx.msk [tilespmem:v10+s5+$0x0], $0xffff;
	[tilespmem:s6+$0x0] =	vst v5  }
0x137: {  	v5 =	vld [tilespmem:s6+$0xFFFFFF90]  }
0x138: {  	v10 =	vld [tilespmem:s6+$0xFFFFFFA0]  }
.Ltmp5:
0x139: {  	v9 =	vld [tilespmem:s6+$0xFFFFFFB0];
	(pc) =	sbr.rel @p0 .LBB2_12-.Ltmp5, $4  }
0x13a: {  	v8 =	vld [tilespmem:s6+$0xFFFFFFC0]  }
0x13b: {  	v6 =	vld [tilespmem:s6+$0xFFFFFFD0]  }
0x13c: {  	v11 =	vmul.f32 v5, v7;
	v5 =	vld [tilespmem:s6+$0xFFFFFFE0]  }
0x13d: {  	s14 =	sadd.s32 $0x80, s14;
	v10 =	vmul.f32 v10, v13;
	v7 =	vld [tilespmem:s6+$0xFFFFFFF0]  }
0x13e: {  	[tilespmem:s6+$0xFFFFFF90] =	vst v11;
	v4 =	vmul.f32 v9, v4  }
0x13f: {  	[tilespmem:s6+$0xFFFFFFA0] =	vst v10;
	v3 =	vmul.f32 v8, v3  }
0x140: {  	[tilespmem:s6+$0xFFFFFFB0] =	vst v4;
	v2 =	vmul.f32 v6, v2  }
0x141: {  	[tilespmem:s6+$0xFFFFFFC0] =	vst v3;
	v0 =	vmul.f32 v5, v0  }
0x142: {  	[tilespmem:s6+$0xFFFFFFD0] =	vst v2;
	v1 =	vmul.f32 v7, v1  }
0x143: {  	[tilespmem:s6+$0xFFFFFFE0] =	vst v0  }
0x144: {  	[tilespmem:s6+$0xFFFFFFF0] =	vst v1  }
0x145: {  	_ =	swait.ge [sflag:s29], $0x1000  }
0x146: {  	[sflag:s29] =	ssyncset.done $0x0  }
0x147: {  	s14 =	simm.s32 $0x1C740;
	[sflag:s29] =	ssyncadd.s32 $0xFFFFF000  }
0x148: {  	[tilespmem:s30], [sflag:$0x3] =	stream.linear.gather [hbm4b:s13+s5], $0x1000, $0x38;
	[tilespmem:$0x1E700] =	vst v63  }
0x149: {  	v0 =	vld [tilespmem:s14+$0x30]  }
0x14a: {  	v1 =	vld [tilespmem:s14+$0xFFFFFFD0]  }
0x14b: {  	v2 =	vld [tilespmem:s14+$0xFFFFFFE0]  }
0x14c: {  	v3 =	vld [tilespmem:s14+$0xFFFFFFF0]  }
0x14d: {  	v5 =	vld [tilespmem:s14+$0x0]  }
0x14e: {  	v6 =	vld [tilespmem:s14+$0x10]  }
0x14f: {  	v7 =	vld [tilespmem:s14+$0x20]  }
0x150: {  	s6 =	simm.s32 $0x1A770;
	v8 =	vld [tilespmem:s14+$0xFFFFFFC0]  }
0x151: {  	v11 =	vld [tilespmem:s6+$0x0]  }
0x152: {  	v14 =	vld [tilespmem:s6+$0xFFFFFFA0]  }
0x153: {  	v9 =	vld [tilespmem:s6+$0xFFFFFFB0]  }
0x154: {  	v10 =	vld.idx.msk [tilespmem:v0+s5+$0x0], $0xffff  }
0x155: {  	v12 =	vld.idx.msk [tilespmem:v1+s5+$0x0], $0xffff  }
0x156: {  	v4 =	vld.idx.msk [tilespmem:v2+s5+$0x0], $0xffff  }
0x157: {  	v3 =	vld.idx.msk [tilespmem:v3+s5+$0x0], $0xffff  }
0x158: {  	v13 =	vld.idx.msk [tilespmem:v8+s5+$0x0], $0xffff  }
0x159: {  	v1 =	vld.idx.msk [tilespmem:v7+s5+$0x0], $0xffff  }
0x15a: {  	v7 =	vld [tilespmem:s6+$0xFFFFFF90]  }
0x15b: {  	v2 =	vld.idx.msk [tilespmem:v5+s5+$0x0], $0xffff  }
0x15c: {  	v0 =	vld.idx.msk [tilespmem:v6+s5+$0x0], $0xffff  }
0x15d: {  	v8 =	vld [tilespmem:s6+$0xFFFFFFC0]  }
0x15e: {  	v6 =	vld [tilespmem:s6+$0xFFFFFFD0];
	v10 =	vmul.f32 v11, v10  }
0x15f: {  	v5 =	vld [tilespmem:s6+$0xFFFFFFE0];
	v11 =	vmul.f32 v7, v13  }
0x160: {  	s10 =	simm.s32 $0x0;
	s14 =	simm.s32 $0x1C7C0;
	v7 =	vld [tilespmem:s6+$0xFFFFFFF0];
	[tilespmem:s6+$0x0] =	vst v10;
	v10 =	vmul.f32 v14, v12  }
.LBB2_14:
0x161: {  	v12 =	vld [tilespmem:s14+$0x30];
	s10 =	sadd.s32 $0x8, s10;
	[tilespmem:s6+$0xFFFFFF90] =	vst v11;
	v4 =	vmul.f32 v9, v4  }
0x162: {  	v9 =	vld [tilespmem:s14+$0xFFFFFFD0];
	p0 =	slt.u32 s10, $0xF8;
	[tilespmem:s6+$0xFFFFFFA0] =	vst v10;
	v3 =	vmul.f32 v8, v3  }
0x163: {  	v8 =	vld [tilespmem:s14+$0xFFFFFFE0];
	[tilespmem:s6+$0xFFFFFFB0] =	vst v4;
	v2 =	vmul.f32 v6, v2  }
0x164: {  	v6 =	vld [tilespmem:s14+$0xFFFFFFF0];
	[tilespmem:s6+$0xFFFFFFC0] =	vst v3;
	v0 =	vmul.f32 v5, v0  }
0x165: {  	v5 =	vld [tilespmem:s14+$0x0];
	[tilespmem:s6+$0xFFFFFFD0] =	vst v2;
	v1 =	vmul.f32 v7, v1  }
0x166: {  	v7 =	vld [tilespmem:s14+$0x10];
	[tilespmem:s6+$0xFFFFFFE0] =	vst v0  }
0x167: {  	v10 =	vld [tilespmem:s14+$0x20];
	[tilespmem:s6+$0xFFFFFFF0] =	vst v1  }
0x168: {  	v1 =	vld [tilespmem:s14+$0xFFFFFFC0]  }
0x169: {  	s6 =	sadd.s32 $0x80, s6;
	v11 =	vld.idx.msk [tilespmem:v12+s5+$0x0], $0xffff  }
0x16a: {  	v12 =	vld [tilespmem:s6+$0x0]  }
0x16b: {  	v13 =	vld.idx.msk [tilespmem:v9+s5+$0x0], $0xffff  }
0x16c: {  	v4 =	vld.idx.msk [tilespmem:v8+s5+$0x0], $0xffff  }
0x16d: {  	v3 =	vld.idx.msk [tilespmem:v6+s5+$0x0], $0xffff  }
0x16e: {  	v2 =	vld.idx.msk [tilespmem:v5+s5+$0x0], $0xffff  }
0x16f: {  	v0 =	vld.idx.msk [tilespmem:v7+s5+$0x0], $0xffff;
	v5 =	vmul.f32 v12, v11  }
0x170: {  	v7 =	vld.idx.msk [tilespmem:v1+s5+$0x0], $0xffff  }
0x171: {  	v1 =	vld.idx.msk [tilespmem:v10+s5+$0x0], $0xffff;
	[tilespmem:s6+$0x0] =	vst v5  }
0x172: {  	v5 =	vld [tilespmem:s6+$0xFFFFFF90]  }
0x173: {  	v10 =	vld [tilespmem:s6+$0xFFFFFFA0]  }
.Ltmp6:
0x174: {  	v9 =	vld [tilespmem:s6+$0xFFFFFFB0];
	(pc) =	sbr.rel @p0 .LBB2_14-.Ltmp6, $4  }
0x175: {  	v8 =	vld [tilespmem:s6+$0xFFFFFFC0]  }
0x176: {  	v6 =	vld [tilespmem:s6+$0xFFFFFFD0]  }
0x177: {  	v11 =	vmul.f32 v5, v7;
	v5 =	vld [tilespmem:s6+$0xFFFFFFE0]  }
0x178: {  	s14 =	sadd.s32 $0x80, s14;
	v10 =	vmul.f32 v10, v13;
	v7 =	vld [tilespmem:s6+$0xFFFFFFF0]  }
0x179: {  	[tilespmem:s6+$0xFFFFFF90] =	vst v11;
	v4 =	vmul.f32 v9, v4  }
0x17a: {  	[tilespmem:s6+$0xFFFFFFA0] =	vst v10;
	v3 =	vmul.f32 v8, v3  }
0x17b: {  	[tilespmem:s6+$0xFFFFFFB0] =	vst v4;
	v2 =	vmul.f32 v6, v2  }
0x17c: {  	[tilespmem:s6+$0xFFFFFFC0] =	vst v3;
	v0 =	vmul.f32 v5, v0  }
0x17d: {  	[tilespmem:s6+$0xFFFFFFD0] =	vst v2;
	v1 =	vmul.f32 v7, v1  }
0x17e: {  	[tilespmem:s6+$0xFFFFFFE0] =	vst v0  }
0x17f: {  	[tilespmem:s6+$0xFFFFFFF0] =	vst v1  }
0x180: {  	_ =	swait.ge [sflag:s31], $0x1000  }
0x181: {  	[sflag:s31] =	ssyncset.done $0x0  }
0x182: {  	s14 =	simm.s32 $0x1D740;
	[sflag:s31] =	ssyncadd.s32 $0xFFFFF000  }
0x183: {  	v0 =	vld [tilespmem:s14+$0x30]  }
0x184: {  	v1 =	vld [tilespmem:s14+$0xFFFFFFD0]  }
0x185: {  	v2 =	vld [tilespmem:s14+$0xFFFFFFE0]  }
0x186: {  	v3 =	vld [tilespmem:s14+$0xFFFFFFF0]  }
0x187: {  	v5 =	vld [tilespmem:s14+$0x0]  }
0x188: {  	v6 =	vld [tilespmem:s14+$0x10]  }
0x189: {  	v7 =	vld [tilespmem:s14+$0x20]  }
0x18a: {  	s6 =	simm.s32 $0x1B770;
	v8 =	vld [tilespmem:s14+$0xFFFFFFC0]  }
0x18b: {  	v11 =	vld [tilespmem:s6+$0x0]  }
0x18c: {  	v14 =	vld [tilespmem:s6+$0xFFFFFFA0]  }
0x18d: {  	v9 =	vld [tilespmem:s6+$0xFFFFFFB0]  }
0x18e: {  	v10 =	vld.idx.msk [tilespmem:v0+s5+$0x0], $0xffff  }
0x18f: {  	v12 =	vld.idx.msk [tilespmem:v1+s5+$0x0], $0xffff  }
0x190: {  	v4 =	vld.idx.msk [tilespmem:v2+s5+$0x0], $0xffff  }
0x191: {  	v3 =	vld.idx.msk [tilespmem:v3+s5+$0x0], $0xffff  }
0x192: {  	v13 =	vld.idx.msk [tilespmem:v8+s5+$0x0], $0xffff  }
0x193: {  	v1 =	vld.idx.msk [tilespmem:v7+s5+$0x0], $0xffff  }
0x194: {  	v7 =	vld [tilespmem:s6+$0xFFFFFF90]  }
0x195: {  	v2 =	vld.idx.msk [tilespmem:v5+s5+$0x0], $0xffff  }
0x196: {  	v0 =	vld.idx.msk [tilespmem:v6+s5+$0x0], $0xffff  }
0x197: {  	v8 =	vld [tilespmem:s6+$0xFFFFFFC0]  }
0x198: {  	v6 =	vld [tilespmem:s6+$0xFFFFFFD0];
	v10 =	vmul.f32 v11, v10  }
0x199: {  	v5 =	vld [tilespmem:s6+$0xFFFFFFE0];
	v11 =	vmul.f32 v7, v13  }
0x19a: {  	s10 =	simm.s32 $0x0;
	s14 =	simm.s32 $0x1D7C0;
	v7 =	vld [tilespmem:s6+$0xFFFFFFF0];
	[tilespmem:s6+$0x0] =	vst v10;
	v10 =	vmul.f32 v14, v12  }
.LBB2_16:
0x19b: {  	v12 =	vld [tilespmem:s14+$0x30];
	s10 =	sadd.s32 $0x8, s10;
	[tilespmem:s6+$0xFFFFFF90] =	vst v11;
	v4 =	vmul.f32 v9, v4  }
0x19c: {  	v9 =	vld [tilespmem:s14+$0xFFFFFFD0];
	p0 =	slt.u32 s10, $0xF8;
	[tilespmem:s6+$0xFFFFFFA0] =	vst v10;
	v3 =	vmul.f32 v8, v3  }
0x19d: {  	v8 =	vld [tilespmem:s14+$0xFFFFFFE0];
	[tilespmem:s6+$0xFFFFFFB0] =	vst v4;
	v2 =	vmul.f32 v6, v2  }
0x19e: {  	v6 =	vld [tilespmem:s14+$0xFFFFFFF0];
	[tilespmem:s6+$0xFFFFFFC0] =	vst v3;
	v0 =	vmul.f32 v5, v0  }
0x19f: {  	v5 =	vld [tilespmem:s14+$0x0];
	[tilespmem:s6+$0xFFFFFFD0] =	vst v2;
	v1 =	vmul.f32 v7, v1  }
0x1a0: {  	v7 =	vld [tilespmem:s14+$0x10];
	[tilespmem:s6+$0xFFFFFFE0] =	vst v0  }
0x1a1: {  	v10 =	vld [tilespmem:s14+$0x20];
	[tilespmem:s6+$0xFFFFFFF0] =	vst v1  }
0x1a2: {  	v1 =	vld [tilespmem:s14+$0xFFFFFFC0]  }
0x1a3: {  	s6 =	sadd.s32 $0x80, s6;
	v11 =	vld.idx.msk [tilespmem:v12+s5+$0x0], $0xffff  }
0x1a4: {  	v12 =	vld [tilespmem:s6+$0x0]  }
0x1a5: {  	v13 =	vld.idx.msk [tilespmem:v9+s5+$0x0], $0xffff  }
0x1a6: {  	v4 =	vld.idx.msk [tilespmem:v8+s5+$0x0], $0xffff  }
0x1a7: {  	v3 =	vld.idx.msk [tilespmem:v6+s5+$0x0], $0xffff  }
0x1a8: {  	v2 =	vld.idx.msk [tilespmem:v5+s5+$0x0], $0xffff  }
0x1a9: {  	v0 =	vld.idx.msk [tilespmem:v7+s5+$0x0], $0xffff;
	v5 =	vmul.f32 v12, v11  }
0x1aa: {  	v7 =	vld.idx.msk [tilespmem:v1+s5+$0x0], $0xffff  }
0x1ab: {  	v1 =	vld.idx.msk [tilespmem:v10+s5+$0x0], $0xffff;
	[tilespmem:s6+$0x0] =	vst v5  }
0x1ac: {  	v5 =	vld [tilespmem:s6+$0xFFFFFF90]  }
0x1ad: {  	v10 =	vld [tilespmem:s6+$0xFFFFFFA0]  }
.Ltmp7:
0x1ae: {  	v9 =	vld [tilespmem:s6+$0xFFFFFFB0];
	(pc) =	sbr.rel @p0 .LBB2_16-.Ltmp7, $4  }
0x1af: {  	v8 =	vld [tilespmem:s6+$0xFFFFFFC0]  }
0x1b0: {  	v6 =	vld [tilespmem:s6+$0xFFFFFFD0]  }
0x1b1: {  	v11 =	vmul.f32 v5, v7;
	v5 =	vld [tilespmem:s6+$0xFFFFFFE0]  }
0x1b2: {  	s14 =	sadd.s32 $0x80, s14;
	v10 =	vmul.f32 v10, v13;
	v7 =	vld [tilespmem:s6+$0xFFFFFFF0]  }
0x1b3: {  	[tilespmem:s6+$0xFFFFFF90] =	vst v11;
	v4 =	vmul.f32 v9, v4  }
0x1b4: {  	[tilespmem:s6+$0xFFFFFFA0] =	vst v10;
	v3 =	vmul.f32 v8, v3  }
0x1b5: {  	[tilespmem:s6+$0xFFFFFFB0] =	vst v4;
	v2 =	vmul.f32 v6, v2  }
0x1b6: {  	[tilespmem:s6+$0xFFFFFFC0] =	vst v3;
	v0 =	vmul.f32 v5, v0  }
0x1b7: {  	[tilespmem:s6+$0xFFFFFFD0] =	vst v2;
	v1 =	vmul.f32 v7, v1  }
0x1b8: {  	[tilespmem:s6+$0xFFFFFFE0] =	vst v0  }
0x1b9: {  	[tilespmem:s6+$0xFFFFFFF0] =	vst v1  }
0x1ba: {  	s6 =	rddreg [dreg:$0xa]  }
0x1bb: {  	[tilespmem:s5], [sflag:$0x1] =	stream.strided.gather [hbm4b:s6+s24], $0x18700, s25, s24, $0x38;
	[tilespmem:$0x1E700] =	vst v63  }
0x1bc: {  	_ = 	snop  }
0x1bd: {  	[tilespmem:s26], [sflag:$0x2] =	stream.linear.gather [hbm4b:s3+s5], $0x1000, $0x38;
	[tilespmem:$0x1E700] =	vst v63  }
0x1be: {  	_ =	swait.ge [sflag:s28], $0x18700  }
0x1bf: {  	[sflag:s28] =	ssyncset.done $0x0  }
0x1c0: {  	[sflag:s28] =	ssyncadd.s32 $0xFFFE7900  }
0x1c1: {  	_ =	swait.ge [sflag:s29], $0x1000  }
0x1c2: {  	[sflag:s29] =	ssyncset.done $0x0  }
0x1c3: {  	s14 =	simm.s32 $0x1C740;
	[sflag:s29] =	ssyncadd.s32 $0xFFFFF000  }
0x1c4: {  	[tilespmem:s30], [sflag:$0x3] =	stream.linear.gather [hbm4b:s15+s5], $0x1000, $0x38;
	[tilespmem:$0x1E700] =	vst v63  }
0x1c5: {  	v0 =	vld [tilespmem:s14+$0x30]  }
0x1c6: {  	v1 =	vld [tilespmem:s14+$0xFFFFFFD0]  }
0x1c7: {  	v2 =	vld [tilespmem:s14+$0xFFFFFFE0]  }
0x1c8: {  	v3 =	vld [tilespmem:s14+$0xFFFFFFF0]  }
0x1c9: {  	v5 =	vld [tilespmem:s14+$0x0]  }
0x1ca: {  	v6 =	vld [tilespmem:s14+$0x10]  }
0x1cb: {  	v7 =	vld [tilespmem:s14+$0x20]  }
0x1cc: {  	s6 =	simm.s32 $0x18740;
	v8 =	vld [tilespmem:s14+$0xFFFFFFC0]  }
0x1cd: {  	v11 =	vld [tilespmem:s6+$0x30]  }
0x1ce: {  	v14 =	vld [tilespmem:s6+$0xFFFFFFD0]  }
0x1cf: {  	v9 =	vld [tilespmem:s6+$0xFFFFFFE0]  }
0x1d0: {  	v10 =	vld.idx.msk [tilespmem:v0+s5+$0x0], $0xffff  }
0x1d1: {  	v12 =	vld.idx.msk [tilespmem:v1+s5+$0x0], $0xffff  }
0x1d2: {  	v4 =	vld.idx.msk [tilespmem:v2+s5+$0x0], $0xffff  }
0x1d3: {  	v3 =	vld.idx.msk [tilespmem:v3+s5+$0x0], $0xffff  }
0x1d4: {  	v13 =	vld.idx.msk [tilespmem:v8+s5+$0x0], $0xffff  }
0x1d5: {  	v1 =	vld.idx.msk [tilespmem:v7+s5+$0x0], $0xffff  }
0x1d6: {  	v7 =	vld [tilespmem:s6+$0xFFFFFFC0]  }
0x1d7: {  	v2 =	vld.idx.msk [tilespmem:v5+s5+$0x0], $0xffff  }
0x1d8: {  	v0 =	vld.idx.msk [tilespmem:v6+s5+$0x0], $0xffff  }
0x1d9: {  	v8 =	vld [tilespmem:s6+$0xFFFFFFF0]  }
0x1da: {  	v6 =	vld [tilespmem:s6+$0x0];
	v10 =	vmul.f32 v11, v10  }
0x1db: {  	v5 =	vld [tilespmem:s6+$0x10];
	v11 =	vmul.f32 v7, v13  }
0x1dc: {  	s10 =	simm.s32 $0x0;
	s14 =	simm.s32 $0x1C7C0;
	v7 =	vld [tilespmem:s6+$0x20];
	[tilespmem:s6+$0x30] =	vst v10;
	v10 =	vmul.f32 v14, v12  }
.LBB2_18:
0x1dd: {  	v12 =	vld [tilespmem:s14+$0x30];
	s10 =	sadd.s32 $0x8, s10;
	[tilespmem:s6+$0xFFFFFFC0] =	vst v11;
	v4 =	vmul.f32 v9, v4  }
0x1de: {  	v9 =	vld [tilespmem:s14+$0xFFFFFFD0];
	p0 =	slt.u32 s10, $0xF8;
	[tilespmem:s6+$0xFFFFFFD0] =	vst v10;
	v3 =	vmul.f32 v8, v3  }
0x1df: {  	v8 =	vld [tilespmem:s14+$0xFFFFFFE0];
	[tilespmem:s6+$0xFFFFFFE0] =	vst v4;
	v2 =	vmul.f32 v6, v2  }
0x1e0: {  	v6 =	vld [tilespmem:s14+$0xFFFFFFF0];
	[tilespmem:s6+$0xFFFFFFF0] =	vst v3;
	v0 =	vmul.f32 v5, v0  }
0x1e1: {  	v5 =	vld [tilespmem:s14+$0x0];
	[tilespmem:s6+$0x0] =	vst v2;
	v1 =	vmul.f32 v7, v1  }
0x1e2: {  	v7 =	vld [tilespmem:s14+$0x10];
	[tilespmem:s6+$0x10] =	vst v0  }
0x1e3: {  	v10 =	vld [tilespmem:s14+$0x20];
	[tilespmem:s6+$0x20] =	vst v1  }
0x1e4: {  	v1 =	vld [tilespmem:s14+$0xFFFFFFC0]  }
0x1e5: {  	s6 =	sadd.s32 $0x80, s6;
	v11 =	vld.idx.msk [tilespmem:v12+s5+$0x0], $0xffff  }
0x1e6: {  	v12 =	vld [tilespmem:s6+$0x30]  }
0x1e7: {  	v13 =	vld.idx.msk [tilespmem:v9+s5+$0x0], $0xffff  }
0x1e8: {  	v4 =	vld.idx.msk [tilespmem:v8+s5+$0x0], $0xffff  }
0x1e9: {  	v3 =	vld.idx.msk [tilespmem:v6+s5+$0x0], $0xffff  }
0x1ea: {  	v2 =	vld.idx.msk [tilespmem:v5+s5+$0x0], $0xffff  }
0x1eb: {  	v0 =	vld.idx.msk [tilespmem:v7+s5+$0x0], $0xffff;
	v5 =	vmul.f32 v12, v11  }
0x1ec: {  	v7 =	vld.idx.msk [tilespmem:v1+s5+$0x0], $0xffff  }
0x1ed: {  	v1 =	vld.idx.msk [tilespmem:v10+s5+$0x0], $0xffff;
	[tilespmem:s6+$0x30] =	vst v5  }
0x1ee: {  	v5 =	vld [tilespmem:s6+$0xFFFFFFC0]  }
0x1ef: {  	v10 =	vld [tilespmem:s6+$0xFFFFFFD0]  }
.Ltmp8:
0x1f0: {  	v9 =	vld [tilespmem:s6+$0xFFFFFFE0];
	(pc) =	sbr.rel @p0 .LBB2_18-.Ltmp8, $4  }
0x1f1: {  	v8 =	vld [tilespmem:s6+$0xFFFFFFF0]  }
0x1f2: {  	v6 =	vld [tilespmem:s6+$0x0]  }
0x1f3: {  	v11 =	vmul.f32 v5, v7;
	v5 =	vld [tilespmem:s6+$0x10]  }
0x1f4: {  	s14 =	sadd.s32 $0x80, s14;
	v10 =	vmul.f32 v10, v13;
	v7 =	vld [tilespmem:s6+$0x20]  }
0x1f5: {  	[tilespmem:s6+$0xFFFFFFC0] =	vst v11;
	v4 =	vmul.f32 v9, v4  }
0x1f6: {  	[tilespmem:s6+$0xFFFFFFD0] =	vst v10;
	v3 =	vmul.f32 v8, v3  }
0x1f7: {  	[tilespmem:s6+$0xFFFFFFE0] =	vst v4;
	v2 =	vmul.f32 v6, v2  }
0x1f8: {  	[tilespmem:s6+$0xFFFFFFF0] =	vst v3;
	v0 =	vmul.f32 v5, v0  }
0x1f9: {  	[tilespmem:s6+$0x0] =	vst v2;
	v1 =	vmul.f32 v7, v1  }
0x1fa: {  	[tilespmem:s6+$0x10] =	vst v0  }
0x1fb: {  	[tilespmem:s6+$0x20] =	vst v1  }
0x1fc: {  	_ =	swait.ge [sflag:s31], $0x1000  }
0x1fd: {  	[sflag:s31] =	ssyncset.done $0x0  }
0x1fe: {  	s14 =	simm.s32 $0x1D740;
	[sflag:s31] =	ssyncadd.s32 $0xFFFFF000  }
0x1ff: {  	[tilespmem:s26], [sflag:$0x2] =	stream.linear.gather [hbm4b:s16+s5], $0x1000, $0x38;
	[tilespmem:$0x1E700] =	vst v63  }
0x200: {  	v0 =	vld [tilespmem:s14+$0x30]  }
0x201: {  	v1 =	vld [tilespmem:s14+$0xFFFFFFD0]  }
0x202: {  	v2 =	vld [tilespmem:s14+$0xFFFFFFE0]  }
0x203: {  	v3 =	vld [tilespmem:s14+$0xFFFFFFF0]  }
0x204: {  	v5 =	vld [tilespmem:s14+$0x0]  }
0x205: {  	v6 =	vld [tilespmem:s14+$0x10]  }
0x206: {  	v7 =	vld [tilespmem:s14+$0x20]  }
0x207: {  	s6 =	simm.s32 $0x19770;
	v8 =	vld [tilespmem:s14+$0xFFFFFFC0]  }
0x208: {  	v11 =	vld [tilespmem:s6+$0x0]  }
0x209: {  	v14 =	vld [tilespmem:s6+$0xFFFFFFA0]  }
0x20a: {  	v9 =	vld [tilespmem:s6+$0xFFFFFFB0]  }
0x20b: {  	v10 =	vld.idx.msk [tilespmem:v0+s5+$0x0], $0xffff  }
0x20c: {  	v12 =	vld.idx.msk [tilespmem:v1+s5+$0x0], $0xffff  }
0x20d: {  	v4 =	vld.idx.msk [tilespmem:v2+s5+$0x0], $0xffff  }
0x20e: {  	v3 =	vld.idx.msk [tilespmem:v3+s5+$0x0], $0xffff  }
0x20f: {  	v13 =	vld.idx.msk [tilespmem:v8+s5+$0x0], $0xffff  }
0x210: {  	v1 =	vld.idx.msk [tilespmem:v7+s5+$0x0], $0xffff  }
0x211: {  	v7 =	vld [tilespmem:s6+$0xFFFFFF90]  }
0x212: {  	v2 =	vld.idx.msk [tilespmem:v5+s5+$0x0], $0xffff  }
0x213: {  	v0 =	vld.idx.msk [tilespmem:v6+s5+$0x0], $0xffff  }
0x214: {  	v8 =	vld [tilespmem:s6+$0xFFFFFFC0]  }
0x215: {  	v6 =	vld [tilespmem:s6+$0xFFFFFFD0];
	v10 =	vmul.f32 v11, v10  }
0x216: {  	v5 =	vld [tilespmem:s6+$0xFFFFFFE0];
	v11 =	vmul.f32 v7, v13  }
0x217: {  	s10 =	simm.s32 $0x0;
	s14 =	simm.s32 $0x1D7C0;
	v7 =	vld [tilespmem:s6+$0xFFFFFFF0];
	[tilespmem:s6+$0x0] =	vst v10;
	v10 =	vmul.f32 v14, v12  }
.LBB2_20:
0x218: {  	v12 =	vld [tilespmem:s14+$0x30];
	s10 =	sadd.s32 $0x8, s10;
	[tilespmem:s6+$0xFFFFFF90] =	vst v11;
	v4 =	vmul.f32 v9, v4  }
0x219: {  	v9 =	vld [tilespmem:s14+$0xFFFFFFD0];
	p0 =	slt.u32 s10, $0xF8;
	[tilespmem:s6+$0xFFFFFFA0] =	vst v10;
	v3 =	vmul.f32 v8, v3  }
0x21a: {  	v8 =	vld [tilespmem:s14+$0xFFFFFFE0];
	[tilespmem:s6+$0xFFFFFFB0] =	vst v4;
	v2 =	vmul.f32 v6, v2  }
0x21b: {  	v6 =	vld [tilespmem:s14+$0xFFFFFFF0];
	[tilespmem:s6+$0xFFFFFFC0] =	vst v3;
	v0 =	vmul.f32 v5, v0  }
0x21c: {  	v5 =	vld [tilespmem:s14+$0x0];
	[tilespmem:s6+$0xFFFFFFD0] =	vst v2;
	v1 =	vmul.f32 v7, v1  }
0x21d: {  	v7 =	vld [tilespmem:s14+$0x10];
	[tilespmem:s6+$0xFFFFFFE0] =	vst v0  }
0x21e: {  	v10 =	vld [tilespmem:s14+$0x20];
	[tilespmem:s6+$0xFFFFFFF0] =	vst v1  }
0x21f: {  	v1 =	vld [tilespmem:s14+$0xFFFFFFC0]  }
0x220: {  	s6 =	sadd.s32 $0x80, s6;
	v11 =	vld.idx.msk [tilespmem:v12+s5+$0x0], $0xffff  }
0x221: {  	v12 =	vld [tilespmem:s6+$0x0]  }
0x222: {  	v13 =	vld.idx.msk [tilespmem:v9+s5+$0x0], $0xffff  }
0x223: {  	v4 =	vld.idx.msk [tilespmem:v8+s5+$0x0], $0xffff  }
0x224: {  	v3 =	vld.idx.msk [tilespmem:v6+s5+$0x0], $0xffff  }
0x225: {  	v2 =	vld.idx.msk [tilespmem:v5+s5+$0x0], $0xffff  }
0x226: {  	v0 =	vld.idx.msk [tilespmem:v7+s5+$0x0], $0xffff;
	v5 =	vmul.f32 v12, v11  }
0x227: {  	v7 =	vld.idx.msk [tilespmem:v1+s5+$0x0], $0xffff  }
0x228: {  	v1 =	vld.idx.msk [tilespmem:v10+s5+$0x0], $0xffff;
	[tilespmem:s6+$0x0] =	vst v5  }
0x229: {  	v5 =	vld [tilespmem:s6+$0xFFFFFF90]  }
0x22a: {  	v10 =	vld [tilespmem:s6+$0xFFFFFFA0]  }
.Ltmp9:
0x22b: {  	v9 =	vld [tilespmem:s6+$0xFFFFFFB0];
	(pc) =	sbr.rel @p0 .LBB2_20-.Ltmp9, $4  }
0x22c: {  	v8 =	vld [tilespmem:s6+$0xFFFFFFC0]  }
0x22d: {  	v6 =	vld [tilespmem:s6+$0xFFFFFFD0]  }
0x22e: {  	v11 =	vmul.f32 v5, v7;
	v5 =	vld [tilespmem:s6+$0xFFFFFFE0]  }
0x22f: {  	s14 =	sadd.s32 $0x80, s14;
	v10 =	vmul.f32 v10, v13;
	v7 =	vld [tilespmem:s6+$0xFFFFFFF0]  }
0x230: {  	[tilespmem:s6+$0xFFFFFF90] =	vst v11;
	v4 =	vmul.f32 v9, v4  }
0x231: {  	[tilespmem:s6+$0xFFFFFFA0] =	vst v10;
	v3 =	vmul.f32 v8, v3  }
0x232: {  	[tilespmem:s6+$0xFFFFFFB0] =	vst v4;
	v2 =	vmul.f32 v6, v2  }
0x233: {  	[tilespmem:s6+$0xFFFFFFC0] =	vst v3;
	v0 =	vmul.f32 v5, v0  }
0x234: {  	[tilespmem:s6+$0xFFFFFFD0] =	vst v2;
	v1 =	vmul.f32 v7, v1  }
0x235: {  	[tilespmem:s6+$0xFFFFFFE0] =	vst v0  }
0x236: {  	[tilespmem:s6+$0xFFFFFFF0] =	vst v1  }
0x237: {  	_ =	swait.ge [sflag:s29], $0x1000  }
0x238: {  	[sflag:s29] =	ssyncset.done $0x0  }
0x239: {  	s14 =	simm.s32 $0x1C740;
	[sflag:s29] =	ssyncadd.s32 $0xFFFFF000  }
0x23a: {  	[tilespmem:s30], [sflag:$0x3] =	stream.linear.gather [hbm4b:s17+s5], $0x1000, $0x38;
	[tilespmem:$0x1E700] =	vst v63  }
0x23b: {  	v0 =	vld [tilespmem:s14+$0x30]  }
0x23c: {  	v1 =	vld [tilespmem:s14+$0xFFFFFFD0]  }
0x23d: {  	v2 =	vld [tilespmem:s14+$0xFFFFFFE0]  }
0x23e: {  	v3 =	vld [tilespmem:s14+$0xFFFFFFF0]  }
0x23f: {  	v5 =	vld [tilespmem:s14+$0x0]  }
0x240: {  	v6 =	vld [tilespmem:s14+$0x10]  }
0x241: {  	v7 =	vld [tilespmem:s14+$0x20]  }
0x242: {  	s6 =	simm.s32 $0x1A770;
	v8 =	vld [tilespmem:s14+$0xFFFFFFC0]  }
0x243: {  	v11 =	vld [tilespmem:s6+$0x0]  }
0x244: {  	v14 =	vld [tilespmem:s6+$0xFFFFFFA0]  }
0x245: {  	v9 =	vld [tilespmem:s6+$0xFFFFFFB0]  }
0x246: {  	v10 =	vld.idx.msk [tilespmem:v0+s5+$0x0], $0xffff  }
0x247: {  	v12 =	vld.idx.msk [tilespmem:v1+s5+$0x0], $0xffff  }
0x248: {  	v4 =	vld.idx.msk [tilespmem:v2+s5+$0x0], $0xffff  }
0x249: {  	v3 =	vld.idx.msk [tilespmem:v3+s5+$0x0], $0xffff  }
0x24a: {  	v13 =	vld.idx.msk [tilespmem:v8+s5+$0x0], $0xffff  }
0x24b: {  	v1 =	vld.idx.msk [tilespmem:v7+s5+$0x0], $0xffff  }
0x24c: {  	v7 =	vld [tilespmem:s6+$0xFFFFFF90]  }
0x24d: {  	v2 =	vld.idx.msk [tilespmem:v5+s5+$0x0], $0xffff  }
0x24e: {  	v0 =	vld.idx.msk [tilespmem:v6+s5+$0x0], $0xffff  }
0x24f: {  	v8 =	vld [tilespmem:s6+$0xFFFFFFC0]  }
0x250: {  	v6 =	vld [tilespmem:s6+$0xFFFFFFD0];
	v10 =	vmul.f32 v11, v10  }
0x251: {  	v5 =	vld [tilespmem:s6+$0xFFFFFFE0];
	v11 =	vmul.f32 v7, v13  }
0x252: {  	s10 =	simm.s32 $0x0;
	s14 =	simm.s32 $0x1C7C0;
	v7 =	vld [tilespmem:s6+$0xFFFFFFF0];
	[tilespmem:s6+$0x0] =	vst v10;
	v10 =	vmul.f32 v14, v12  }
.LBB2_22:
0x253: {  	v12 =	vld [tilespmem:s14+$0x30];
	s10 =	sadd.s32 $0x8, s10;
	[tilespmem:s6+$0xFFFFFF90] =	vst v11;
	v4 =	vmul.f32 v9, v4  }
0x254: {  	v9 =	vld [tilespmem:s14+$0xFFFFFFD0];
	p0 =	slt.u32 s10, $0xF8;
	[tilespmem:s6+$0xFFFFFFA0] =	vst v10;
	v3 =	vmul.f32 v8, v3  }
0x255: {  	v8 =	vld [tilespmem:s14+$0xFFFFFFE0];
	[tilespmem:s6+$0xFFFFFFB0] =	vst v4;
	v2 =	vmul.f32 v6, v2  }
0x256: {  	v6 =	vld [tilespmem:s14+$0xFFFFFFF0];
	[tilespmem:s6+$0xFFFFFFC0] =	vst v3;
	v0 =	vmul.f32 v5, v0  }
0x257: {  	v5 =	vld [tilespmem:s14+$0x0];
	[tilespmem:s6+$0xFFFFFFD0] =	vst v2;
	v1 =	vmul.f32 v7, v1  }
0x258: {  	v7 =	vld [tilespmem:s14+$0x10];
	[tilespmem:s6+$0xFFFFFFE0] =	vst v0  }
0x259: {  	v10 =	vld [tilespmem:s14+$0x20];
	[tilespmem:s6+$0xFFFFFFF0] =	vst v1  }
0x25a: {  	v1 =	vld [tilespmem:s14+$0xFFFFFFC0]  }
0x25b: {  	s6 =	sadd.s32 $0x80, s6;
	v11 =	vld.idx.msk [tilespmem:v12+s5+$0x0], $0xffff  }
0x25c: {  	v12 =	vld [tilespmem:s6+$0x0]  }
0x25d: {  	v13 =	vld.idx.msk [tilespmem:v9+s5+$0x0], $0xffff  }
0x25e: {  	v4 =	vld.idx.msk [tilespmem:v8+s5+$0x0], $0xffff  }
0x25f: {  	v3 =	vld.idx.msk [tilespmem:v6+s5+$0x0], $0xffff  }
0x260: {  	v2 =	vld.idx.msk [tilespmem:v5+s5+$0x0], $0xffff  }
0x261: {  	v0 =	vld.idx.msk [tilespmem:v7+s5+$0x0], $0xffff;
	v5 =	vmul.f32 v12, v11  }
0x262: {  	v7 =	vld.idx.msk [tilespmem:v1+s5+$0x0], $0xffff  }
0x263: {  	v1 =	vld.idx.msk [tilespmem:v10+s5+$0x0], $0xffff;
	[tilespmem:s6+$0x0] =	vst v5  }
0x264: {  	v5 =	vld [tilespmem:s6+$0xFFFFFF90]  }
0x265: {  	v10 =	vld [tilespmem:s6+$0xFFFFFFA0]  }
.Ltmp10:
0x266: {  	v9 =	vld [tilespmem:s6+$0xFFFFFFB0];
	(pc) =	sbr.rel @p0 .LBB2_22-.Ltmp10, $4  }
0x267: {  	v8 =	vld [tilespmem:s6+$0xFFFFFFC0]  }
0x268: {  	v6 =	vld [tilespmem:s6+$0xFFFFFFD0]  }
0x269: {  	v11 =	vmul.f32 v5, v7;
	v5 =	vld [tilespmem:s6+$0xFFFFFFE0]  }
0x26a: {  	s14 =	sadd.s32 $0x80, s14;
	v10 =	vmul.f32 v10, v13;
	v7 =	vld [tilespmem:s6+$0xFFFFFFF0]  }
0x26b: {  	[tilespmem:s6+$0xFFFFFF90] =	vst v11;
	v4 =	vmul.f32 v9, v4  }
0x26c: {  	[tilespmem:s6+$0xFFFFFFA0] =	vst v10;
	v3 =	vmul.f32 v8, v3  }
0x26d: {  	[tilespmem:s6+$0xFFFFFFB0] =	vst v4;
	v2 =	vmul.f32 v6, v2  }
0x26e: {  	[tilespmem:s6+$0xFFFFFFC0] =	vst v3;
	v0 =	vmul.f32 v5, v0  }
0x26f: {  	[tilespmem:s6+$0xFFFFFFD0] =	vst v2;
	v1 =	vmul.f32 v7, v1  }
0x270: {  	[tilespmem:s6+$0xFFFFFFE0] =	vst v0  }
0x271: {  	[tilespmem:s6+$0xFFFFFFF0] =	vst v1  }
0x272: {  	_ =	swait.ge [sflag:s31], $0x1000  }
0x273: {  	[sflag:s31] =	ssyncset.done $0x0  }
0x274: {  	s14 =	simm.s32 $0x1D740;
	[sflag:s31] =	ssyncadd.s32 $0xFFFFF000  }
0x275: {  	v0 =	vld [tilespmem:s14+$0x30]  }
0x276: {  	v1 =	vld [tilespmem:s14+$0xFFFFFFD0]  }
0x277: {  	v2 =	vld [tilespmem:s14+$0xFFFFFFE0]  }
0x278: {  	v3 =	vld [tilespmem:s14+$0xFFFFFFF0]  }
0x279: {  	v5 =	vld [tilespmem:s14+$0x0]  }
0x27a: {  	v6 =	vld [tilespmem:s14+$0x10]  }
0x27b: {  	v7 =	vld [tilespmem:s14+$0x20]  }
0x27c: {  	s6 =	simm.s32 $0x1B770;
	v8 =	vld [tilespmem:s14+$0xFFFFFFC0]  }
0x27d: {  	v11 =	vld [tilespmem:s6+$0x0]  }
0x27e: {  	v14 =	vld [tilespmem:s6+$0xFFFFFFA0]  }
0x27f: {  	v9 =	vld [tilespmem:s6+$0xFFFFFFB0]  }
0x280: {  	v10 =	vld.idx.msk [tilespmem:v0+s5+$0x0], $0xffff  }
0x281: {  	v12 =	vld.idx.msk [tilespmem:v1+s5+$0x0], $0xffff  }
0x282: {  	v4 =	vld.idx.msk [tilespmem:v2+s5+$0x0], $0xffff  }
0x283: {  	v3 =	vld.idx.msk [tilespmem:v3+s5+$0x0], $0xffff  }
0x284: {  	v13 =	vld.idx.msk [tilespmem:v8+s5+$0x0], $0xffff  }
0x285: {  	v1 =	vld.idx.msk [tilespmem:v7+s5+$0x0], $0xffff  }
0x286: {  	v7 =	vld [tilespmem:s6+$0xFFFFFF90]  }
0x287: {  	v2 =	vld.idx.msk [tilespmem:v5+s5+$0x0], $0xffff  }
0x288: {  	v0 =	vld.idx.msk [tilespmem:v6+s5+$0x0], $0xffff  }
0x289: {  	v8 =	vld [tilespmem:s6+$0xFFFFFFC0]  }
0x28a: {  	v6 =	vld [tilespmem:s6+$0xFFFFFFD0];
	v10 =	vmul.f32 v11, v10  }
0x28b: {  	v5 =	vld [tilespmem:s6+$0xFFFFFFE0];
	v11 =	vmul.f32 v7, v13  }
0x28c: {  	s10 =	simm.s32 $0x0;
	s14 =	simm.s32 $0x1D7C0;
	v7 =	vld [tilespmem:s6+$0xFFFFFFF0];
	[tilespmem:s6+$0x0] =	vst v10;
	v10 =	vmul.f32 v14, v12  }
.LBB2_24:
0x28d: {  	v12 =	vld [tilespmem:s14+$0x30];
	s10 =	sadd.s32 $0x8, s10;
	[tilespmem:s6+$0xFFFFFF90] =	vst v11;
	v4 =	vmul.f32 v9, v4  }
0x28e: {  	v9 =	vld [tilespmem:s14+$0xFFFFFFD0];
	p0 =	slt.u32 s10, $0xF8;
	[tilespmem:s6+$0xFFFFFFA0] =	vst v10;
	v3 =	vmul.f32 v8, v3  }
0x28f: {  	v8 =	vld [tilespmem:s14+$0xFFFFFFE0];
	[tilespmem:s6+$0xFFFFFFB0] =	vst v4;
	v2 =	vmul.f32 v6, v2  }
0x290: {  	v6 =	vld [tilespmem:s14+$0xFFFFFFF0];
	[tilespmem:s6+$0xFFFFFFC0] =	vst v3;
	v0 =	vmul.f32 v5, v0  }
0x291: {  	v5 =	vld [tilespmem:s14+$0x0];
	[tilespmem:s6+$0xFFFFFFD0] =	vst v2;
	v1 =	vmul.f32 v7, v1  }
0x292: {  	v7 =	vld [tilespmem:s14+$0x10];
	[tilespmem:s6+$0xFFFFFFE0] =	vst v0  }
0x293: {  	v10 =	vld [tilespmem:s14+$0x20];
	[tilespmem:s6+$0xFFFFFFF0] =	vst v1  }
0x294: {  	v1 =	vld [tilespmem:s14+$0xFFFFFFC0]  }
0x295: {  	s6 =	sadd.s32 $0x80, s6;
	v11 =	vld.idx.msk [tilespmem:v12+s5+$0x0], $0xffff  }
0x296: {  	v12 =	vld [tilespmem:s6+$0x0]  }
0x297: {  	v13 =	vld.idx.msk [tilespmem:v9+s5+$0x0], $0xffff  }
0x298: {  	v4 =	vld.idx.msk [tilespmem:v8+s5+$0x0], $0xffff  }
0x299: {  	v3 =	vld.idx.msk [tilespmem:v6+s5+$0x0], $0xffff  }
0x29a: {  	v2 =	vld.idx.msk [tilespmem:v5+s5+$0x0], $0xffff  }
0x29b: {  	v0 =	vld.idx.msk [tilespmem:v7+s5+$0x0], $0xffff;
	v5 =	vmul.f32 v12, v11  }
0x29c: {  	v7 =	vld.idx.msk [tilespmem:v1+s5+$0x0], $0xffff  }
0x29d: {  	v1 =	vld.idx.msk [tilespmem:v10+s5+$0x0], $0xffff;
	[tilespmem:s6+$0x0] =	vst v5  }
0x29e: {  	v5 =	vld [tilespmem:s6+$0xFFFFFF90]  }
0x29f: {  	v10 =	vld [tilespmem:s6+$0xFFFFFFA0]  }
.Ltmp11:
0x2a0: {  	v9 =	vld [tilespmem:s6+$0xFFFFFFB0];
	(pc) =	sbr.rel @p0 .LBB2_24-.Ltmp11, $4  }
0x2a1: {  	v8 =	vld [tilespmem:s6+$0xFFFFFFC0]  }
0x2a2: {  	v6 =	vld [tilespmem:s6+$0xFFFFFFD0]  }
0x2a3: {  	v11 =	vmul.f32 v5, v7;
	v5 =	vld [tilespmem:s6+$0xFFFFFFE0]  }
0x2a4: {  	s14 =	sadd.s32 $0x80, s14;
	v10 =	vmul.f32 v10, v13;
	v7 =	vld [tilespmem:s6+$0xFFFFFFF0]  }
0x2a5: {  	[tilespmem:s6+$0xFFFFFF90] =	vst v11;
	v4 =	vmul.f32 v9, v4  }
0x2a6: {  	[tilespmem:s6+$0xFFFFFFA0] =	vst v10;
	v3 =	vmul.f32 v8, v3  }
0x2a7: {  	[tilespmem:s6+$0xFFFFFFB0] =	vst v4;
	v2 =	vmul.f32 v6, v2  }
0x2a8: {  	[tilespmem:s6+$0xFFFFFFC0] =	vst v3;
	v0 =	vmul.f32 v5, v0  }
0x2a9: {  	[tilespmem:s6+$0xFFFFFFD0] =	vst v2;
	v1 =	vmul.f32 v7, v1  }
0x2aa: {  	[tilespmem:s6+$0xFFFFFFE0] =	vst v0  }
0x2ab: {  	s10 =	simm.s32 $0x18700;
	[tilespmem:s6+$0xFFFFFFF0] =	vst v1  }
0x2ac: {  	[hbm4b:s18+s24] =	stream.strided.scatter [tilespmem:s10], [sflag:$0x4], $0x4000, s25, s24, $0x38;
	[tilespmem:$0x1E700] =	vst v63  }
0x2ad: {  	_ =	swait.ge [sflag:s4], $0x4000  }
0x2ae: {  	[sflag:s4] =	ssyncset.done $0x0  }
0x2af: {  	[sflag:s4] =	ssyncadd.s32 $0xFFFFC000  }
0x2b0: {  	[tilespmem:s5], [sflag:$0x1] =	stream.strided.gather [hbm4b:s19+s24], $0x18700, s25, s24, $0x38;
	[tilespmem:$0x1E700] =	vst v63  }
0x2b1: {  	_ = 	snop  }
0x2b2: {  	[tilespmem:s26], [sflag:$0x2] =	stream.linear.gather [hbm4b:s0+s5], $0x1000, $0x38;
	[tilespmem:$0x1E700] =	vst v63  }
0x2b3: {  	_ =	swait.ge [sflag:s28], $0x18700  }
0x2b4: {  	[sflag:s28] =	ssyncset.done $0x0  }
0x2b5: {  	[sflag:s28] =	ssyncadd.s32 $0xFFFE7900  }
0x2b6: {  	_ =	swait.ge [sflag:s29], $0x1000  }
0x2b7: {  	[sflag:s29] =	ssyncset.done $0x0  }
0x2b8: {  	s14 =	simm.s32 $0x1C740;
	[sflag:s29] =	ssyncadd.s32 $0xFFFFF000  }
0x2b9: {  	[tilespmem:s30], [sflag:$0x3] =	stream.linear.gather [hbm4b:s7+s5], $0x1000, $0x38;
	[tilespmem:$0x1E700] =	vst v63  }
0x2ba: {  	v0 =	vld [tilespmem:s14+$0x30]  }
0x2bb: {  	v1 =	vld [tilespmem:s14+$0xFFFFFFD0]  }
0x2bc: {  	v2 =	vld [tilespmem:s14+$0xFFFFFFE0]  }
0x2bd: {  	v3 =	vld [tilespmem:s14+$0xFFFFFFF0]  }
0x2be: {  	v4 =	vld [tilespmem:s14+$0x0]  }
0x2bf: {  	v6 =	vld [tilespmem:s14+$0x10]  }
0x2c0: {  	v7 =	vld [tilespmem:s14+$0x20]  }
0x2c1: {  	v61 =	vld [tilespmem:s14+$0xFFFFFFC0]  }
0x2c2: {  	v62 =	vld.idx.msk [tilespmem:v0+s5+$0x0], $0xffff  }
0x2c3: {  	v63 =	vld.idx.msk [tilespmem:v1+s5+$0x0], $0xffff  }
0x2c4: {  	v5 =	vld.idx.msk [tilespmem:v2+s5+$0x0], $0xffff  }
0x2c5: {  	v3 =	vld.idx.msk [tilespmem:v3+s5+$0x0], $0xffff  }
0x2c6: {  	v0 =	vld.idx.msk [tilespmem:v4+s5+$0x0], $0xffff  }
0x2c7: {  	s6 =	simm.s32 $0x18740;
	v1 =	vld.idx.msk [tilespmem:v6+s5+$0x0], $0xffff  }
0x2c8: {  	v2 =	vld.idx.msk [tilespmem:v7+s5+$0x0], $0xffff;
	[tilespmem:s6+$0x30] =	vst v62  }
0x2c9: {  	s10 =	simm.s32 $0x0;
	s14 =	simm.s32 $0x1C7C0;
	v4 =	vld.idx.msk [tilespmem:v61+s5+$0x0], $0xffff;
	[tilespmem:s6+$0xFFFFFFD0] =	vst v63  }
.LBB2_26:
0x2ca: {  	v6 =	vld [tilespmem:s14+$0x30];
	s10 =	sadd.s32 $0x8, s10;
	[tilespmem:s6+$0xFFFFFFE0] =	vst v5  }
0x2cb: {  	v5 =	vld [tilespmem:s14+$0xFFFFFFD0];
	p0 =	slt.u32 s10, $0xF8;
	[tilespmem:s6+$0xFFFFFFF0] =	vst v3  }
0x2cc: {  	v3 =	vld [tilespmem:s14+$0xFFFFFFE0];
	[tilespmem:s6+$0x0] =	vst v0  }
0x2cd: {  	v0 =	vld [tilespmem:s14+$0xFFFFFFF0];
	[tilespmem:s6+$0x10] =	vst v1  }
0x2ce: {  	v1 =	vld [tilespmem:s14+$0x0];
	[tilespmem:s6+$0x20] =	vst v2  }
0x2cf: {  	v2 =	vld [tilespmem:s14+$0x10];
	[tilespmem:s6+$0xFFFFFFC0] =	vst v4  }
0x2d0: {  	v4 =	vld [tilespmem:s14+$0x20]  }
0x2d1: {  	v7 =	vld [tilespmem:s14+$0xFFFFFFC0]  }
0x2d2: {  	v6 =	vld.idx.msk [tilespmem:v6+s5+$0x0], $0xffff  }
0x2d3: {  	v8 =	vld.idx.msk [tilespmem:v5+s5+$0x0], $0xffff  }
0x2d4: {  	v5 =	vld.idx.msk [tilespmem:v3+s5+$0x0], $0xffff  }
.Ltmp12:
0x2d5: {  	v3 =	vld.idx.msk [tilespmem:v0+s5+$0x0], $0xffff;
	(pc) =	sbr.rel @p0 .LBB2_26-.Ltmp12, $4  }
0x2d6: {  	v0 =	vld.idx.msk [tilespmem:v1+s5+$0x0], $0xffff  }
0x2d7: {  	s6 =	sadd.s32 $0x80, s6;
	v1 =	vld.idx.msk [tilespmem:v2+s5+$0x0], $0xffff  }
0x2d8: {  	v2 =	vld.idx.msk [tilespmem:v4+s5+$0x0], $0xffff;
	[tilespmem:s6+$0x30] =	vst v6  }
0x2d9: {  	s14 =	sadd.s32 $0x80, s14;
	v4 =	vld.idx.msk [tilespmem:v7+s5+$0x0], $0xffff;
	[tilespmem:s6+$0xFFFFFFD0] =	vst v8  }
0x2da: {  	[tilespmem:s6+$0xFFFFFFE0] =	vst v5  }
0x2db: {  	[tilespmem:s6+$0xFFFFFFF0] =	vst v3  }
0x2dc: {  	[tilespmem:s6+$0x0] =	vst v0  }
0x2dd: {  	[tilespmem:s6+$0x10] =	vst v1  }
0x2de: {  	[tilespmem:s6+$0x20] =	vst v2  }
0x2df: {  	[tilespmem:s6+$0xFFFFFFC0] =	vst v4  }
0x2e0: {  	_ =	swait.ge [sflag:s31], $0x1000  }
0x2e1: {  	[sflag:s31] =	ssyncset.done $0x0  }
0x2e2: {  	s14 =	simm.s32 $0x1D740;
	[sflag:s31] =	ssyncadd.s32 $0xFFFFF000  }
0x2e3: {  	[tilespmem:s26], [sflag:$0x2] =	stream.linear.gather [hbm4b:s8+s5], $0x1000, $0x38;
	[tilespmem:$0x1E700] =	vst v63  }
0x2e4: {  	v0 =	vld [tilespmem:s14+$0x30]  }
0x2e5: {  	v1 =	vld [tilespmem:s14+$0xFFFFFFD0]  }
0x2e6: {  	v2 =	vld [tilespmem:s14+$0xFFFFFFE0]  }
0x2e7: {  	v3 =	vld [tilespmem:s14+$0xFFFFFFF0]  }
0x2e8: {  	v4 =	vld [tilespmem:s14+$0x0]  }
0x2e9: {  	v6 =	vld [tilespmem:s14+$0x10]  }
0x2ea: {  	v7 =	vld [tilespmem:s14+$0x20]  }
0x2eb: {  	v8 =	vld [tilespmem:s14+$0xFFFFFFC0]  }
0x2ec: {  	v9 =	vld.idx.msk [tilespmem:v0+s5+$0x0], $0xffff  }
0x2ed: {  	v10 =	vld.idx.msk [tilespmem:v1+s5+$0x0], $0xffff  }
0x2ee: {  	v5 =	vld.idx.msk [tilespmem:v2+s5+$0x0], $0xffff  }
0x2ef: {  	v3 =	vld.idx.msk [tilespmem:v3+s5+$0x0], $0xffff  }
0x2f0: {  	v0 =	vld.idx.msk [tilespmem:v4+s5+$0x0], $0xffff  }
0x2f1: {  	s6 =	simm.s32 $0x19770;
	v1 =	vld.idx.msk [tilespmem:v6+s5+$0x0], $0xffff  }
0x2f2: {  	v2 =	vld.idx.msk [tilespmem:v7+s5+$0x0], $0xffff;
	[tilespmem:s6+$0x0] =	vst v9  }
0x2f3: {  	s10 =	simm.s32 $0x0;
	s14 =	simm.s32 $0x1D7C0;
	v4 =	vld.idx.msk [tilespmem:v8+s5+$0x0], $0xffff;
	[tilespmem:s6+$0xFFFFFFA0] =	vst v10  }
.LBB2_28:
0x2f4: {  	v6 =	vld [tilespmem:s14+$0x30];
	s10 =	sadd.s32 $0x8, s10;
	[tilespmem:s6+$0xFFFFFFB0] =	vst v5  }
0x2f5: {  	v5 =	vld [tilespmem:s14+$0xFFFFFFD0];
	p0 =	slt.u32 s10, $0xF8;
	[tilespmem:s6+$0xFFFFFFC0] =	vst v3  }
0x2f6: {  	v3 =	vld [tilespmem:s14+$0xFFFFFFE0];
	[tilespmem:s6+$0xFFFFFFD0] =	vst v0  }
0x2f7: {  	v0 =	vld [tilespmem:s14+$0xFFFFFFF0];
	[tilespmem:s6+$0xFFFFFFE0] =	vst v1  }
0x2f8: {  	v1 =	vld [tilespmem:s14+$0x0];
	[tilespmem:s6+$0xFFFFFFF0] =	vst v2  }
0x2f9: {  	v2 =	vld [tilespmem:s14+$0x10];
	[tilespmem:s6+$0xFFFFFF90] =	vst v4  }
0x2fa: {  	v4 =	vld [tilespmem:s14+$0x20]  }
0x2fb: {  	v7 =	vld [tilespmem:s14+$0xFFFFFFC0]  }
0x2fc: {  	v6 =	vld.idx.msk [tilespmem:v6+s5+$0x0], $0xffff  }
0x2fd: {  	v8 =	vld.idx.msk [tilespmem:v5+s5+$0x0], $0xffff  }
0x2fe: {  	v5 =	vld.idx.msk [tilespmem:v3+s5+$0x0], $0xffff  }
.Ltmp13:
0x2ff: {  	v3 =	vld.idx.msk [tilespmem:v0+s5+$0x0], $0xffff;
	(pc) =	sbr.rel @p0 .LBB2_28-.Ltmp13, $4  }
0x300: {  	v0 =	vld.idx.msk [tilespmem:v1+s5+$0x0], $0xffff  }
0x301: {  	s6 =	sadd.s32 $0x80, s6;
	v1 =	vld.idx.msk [tilespmem:v2+s5+$0x0], $0xffff  }
0x302: {  	v2 =	vld.idx.msk [tilespmem:v4+s5+$0x0], $0xffff;
	[tilespmem:s6+$0x0] =	vst v6  }
0x303: {  	s14 =	sadd.s32 $0x80, s14;
	v4 =	vld.idx.msk [tilespmem:v7+s5+$0x0], $0xffff;
	[tilespmem:s6+$0xFFFFFFA0] =	vst v8  }
0x304: {  	[tilespmem:s6+$0xFFFFFFB0] =	vst v5  }
0x305: {  	[tilespmem:s6+$0xFFFFFFC0] =	vst v3  }
0x306: {  	[tilespmem:s6+$0xFFFFFFD0] =	vst v0  }
0x307: {  	[tilespmem:s6+$0xFFFFFFE0] =	vst v1  }
0x308: {  	[tilespmem:s6+$0xFFFFFFF0] =	vst v2  }
0x309: {  	[tilespmem:s6+$0xFFFFFF90] =	vst v4  }
0x30a: {  	_ =	swait.ge [sflag:s29], $0x1000  }
0x30b: {  	[sflag:s29] =	ssyncset.done $0x0  }
0x30c: {  	s14 =	simm.s32 $0x1C740;
	[sflag:s29] =	ssyncadd.s32 $0xFFFFF000  }
0x30d: {  	[tilespmem:s30], [sflag:$0x3] =	stream.linear.gather [hbm4b:s9+s5], $0x1000, $0x38;
	[tilespmem:$0x1E700] =	vst v63  }
0x30e: {  	v0 =	vld [tilespmem:s14+$0x30]  }
0x30f: {  	v1 =	vld [tilespmem:s14+$0xFFFFFFD0]  }
0x310: {  	v2 =	vld [tilespmem:s14+$0xFFFFFFE0]  }
0x311: {  	v3 =	vld [tilespmem:s14+$0xFFFFFFF0]  }
0x312: {  	v4 =	vld [tilespmem:s14+$0x0]  }
0x313: {  	v6 =	vld [tilespmem:s14+$0x10]  }
0x314: {  	v7 =	vld [tilespmem:s14+$0x20]  }
0x315: {  	v8 =	vld [tilespmem:s14+$0xFFFFFFC0]  }
0x316: {  	v9 =	vld.idx.msk [tilespmem:v0+s5+$0x0], $0xffff  }
0x317: {  	v10 =	vld.idx.msk [tilespmem:v1+s5+$0x0], $0xffff  }
0x318: {  	v5 =	vld.idx.msk [tilespmem:v2+s5+$0x0], $0xffff  }
0x319: {  	v3 =	vld.idx.msk [tilespmem:v3+s5+$0x0], $0xffff  }
0x31a: {  	v0 =	vld.idx.msk [tilespmem:v4+s5+$0x0], $0xffff  }
0x31b: {  	s6 =	simm.s32 $0x1A770;
	v1 =	vld.idx.msk [tilespmem:v6+s5+$0x0], $0xffff  }
0x31c: {  	v2 =	vld.idx.msk [tilespmem:v7+s5+$0x0], $0xffff;
	[tilespmem:s6+$0x0] =	vst v9  }
0x31d: {  	s10 =	simm.s32 $0x0;
	s14 =	simm.s32 $0x1C7C0;
	v4 =	vld.idx.msk [tilespmem:v8+s5+$0x0], $0xffff;
	[tilespmem:s6+$0xFFFFFFA0] =	vst v10  }
.LBB2_30:
0x31e: {  	v6 =	vld [tilespmem:s14+$0x30];
	s10 =	sadd.s32 $0x8, s10;
	[tilespmem:s6+$0xFFFFFFB0] =	vst v5  }
0x31f: {  	v5 =	vld [tilespmem:s14+$0xFFFFFFD0];
	p0 =	slt.u32 s10, $0xF8;
	[tilespmem:s6+$0xFFFFFFC0] =	vst v3  }
0x320: {  	v3 =	vld [tilespmem:s14+$0xFFFFFFE0];
	[tilespmem:s6+$0xFFFFFFD0] =	vst v0  }
0x321: {  	v0 =	vld [tilespmem:s14+$0xFFFFFFF0];
	[tilespmem:s6+$0xFFFFFFE0] =	vst v1  }
0x322: {  	v1 =	vld [tilespmem:s14+$0x0];
	[tilespmem:s6+$0xFFFFFFF0] =	vst v2  }
0x323: {  	v2 =	vld [tilespmem:s14+$0x10];
	[tilespmem:s6+$0xFFFFFF90] =	vst v4  }
0x324: {  	v4 =	vld [tilespmem:s14+$0x20]  }
0x325: {  	v7 =	vld [tilespmem:s14+$0xFFFFFFC0]  }
0x326: {  	v6 =	vld.idx.msk [tilespmem:v6+s5+$0x0], $0xffff  }
0x327: {  	v8 =	vld.idx.msk [tilespmem:v5+s5+$0x0], $0xffff  }
0x328: {  	v5 =	vld.idx.msk [tilespmem:v3+s5+$0x0], $0xffff  }
.Ltmp14:
0x329: {  	v3 =	vld.idx.msk [tilespmem:v0+s5+$0x0], $0xffff;
	(pc) =	sbr.rel @p0 .LBB2_30-.Ltmp14, $4  }
0x32a: {  	v0 =	vld.idx.msk [tilespmem:v1+s5+$0x0], $0xffff  }
0x32b: {  	s6 =	sadd.s32 $0x80, s6;
	v1 =	vld.idx.msk [tilespmem:v2+s5+$0x0], $0xffff  }
0x32c: {  	v2 =	vld.idx.msk [tilespmem:v4+s5+$0x0], $0xffff;
	[tilespmem:s6+$0x0] =	vst v6  }
0x32d: {  	s14 =	sadd.s32 $0x80, s14;
	v4 =	vld.idx.msk [tilespmem:v7+s5+$0x0], $0xffff;
	[tilespmem:s6+$0xFFFFFFA0] =	vst v8  }
0x32e: {  	[tilespmem:s6+$0xFFFFFFB0] =	vst v5  }
0x32f: {  	[tilespmem:s6+$0xFFFFFFC0] =	vst v3  }
0x330: {  	[tilespmem:s6+$0xFFFFFFD0] =	vst v0  }
0x331: {  	[tilespmem:s6+$0xFFFFFFE0] =	vst v1  }
0x332: {  	[tilespmem:s6+$0xFFFFFFF0] =	vst v2  }
0x333: {  	[tilespmem:s6+$0xFFFFFF90] =	vst v4  }
0x334: {  	_ =	swait.ge [sflag:s31], $0x1000  }
0x335: {  	[sflag:s31] =	ssyncset.done $0x0  }
0x336: {  	s14 =	simm.s32 $0x1D740;
	[sflag:s31] =	ssyncadd.s32 $0xFFFFF000  }
0x337: {  	v0 =	vld [tilespmem:s14+$0x30]  }
0x338: {  	v1 =	vld [tilespmem:s14+$0xFFFFFFD0]  }
0x339: {  	v2 =	vld [tilespmem:s14+$0xFFFFFFE0]  }
0x33a: {  	v3 =	vld [tilespmem:s14+$0xFFFFFFF0]  }
0x33b: {  	v4 =	vld [tilespmem:s14+$0x0]  }
0x33c: {  	v6 =	vld [tilespmem:s14+$0x10]  }
0x33d: {  	v7 =	vld [tilespmem:s14+$0x20]  }
0x33e: {  	v8 =	vld [tilespmem:s14+$0xFFFFFFC0]  }
0x33f: {  	v9 =	vld.idx.msk [tilespmem:v0+s5+$0x0], $0xffff  }
0x340: {  	v10 =	vld.idx.msk [tilespmem:v1+s5+$0x0], $0xffff  }
0x341: {  	v5 =	vld.idx.msk [tilespmem:v2+s5+$0x0], $0xffff  }
0x342: {  	v3 =	vld.idx.msk [tilespmem:v3+s5+$0x0], $0xffff  }
0x343: {  	v0 =	vld.idx.msk [tilespmem:v4+s5+$0x0], $0xffff  }
0x344: {  	s6 =	simm.s32 $0x1B770;
	v1 =	vld.idx.msk [tilespmem:v6+s5+$0x0], $0xffff  }
0x345: {  	v2 =	vld.idx.msk [tilespmem:v7+s5+$0x0], $0xffff;
	[tilespmem:s6+$0x0] =	vst v9  }
0x346: {  	s10 =	simm.s32 $0x0;
	s14 =	simm.s32 $0x1D7C0;
	v4 =	vld.idx.msk [tilespmem:v8+s5+$0x0], $0xffff;
	[tilespmem:s6+$0xFFFFFFA0] =	vst v10  }
.LBB2_32:
0x347: {  	v6 =	vld [tilespmem:s14+$0x30];
	s10 =	sadd.s32 $0x8, s10;
	[tilespmem:s6+$0xFFFFFFB0] =	vst v5  }
0x348: {  	v5 =	vld [tilespmem:s14+$0xFFFFFFD0];
	p0 =	slt.u32 s10, $0xF8;
	[tilespmem:s6+$0xFFFFFFC0] =	vst v3  }
0x349: {  	v3 =	vld [tilespmem:s14+$0xFFFFFFE0];
	[tilespmem:s6+$0xFFFFFFD0] =	vst v0  }
0x34a: {  	v0 =	vld [tilespmem:s14+$0xFFFFFFF0];
	[tilespmem:s6+$0xFFFFFFE0] =	vst v1  }
0x34b: {  	v1 =	vld [tilespmem:s14+$0x0];
	[tilespmem:s6+$0xFFFFFFF0] =	vst v2  }
0x34c: {  	v2 =	vld [tilespmem:s14+$0x10];
	[tilespmem:s6+$0xFFFFFF90] =	vst v4  }
0x34d: {  	v4 =	vld [tilespmem:s14+$0x20]  }
0x34e: {  	v7 =	vld [tilespmem:s14+$0xFFFFFFC0]  }
0x34f: {  	v6 =	vld.idx.msk [tilespmem:v6+s5+$0x0], $0xffff  }
0x350: {  	v8 =	vld.idx.msk [tilespmem:v5+s5+$0x0], $0xffff  }
0x351: {  	v5 =	vld.idx.msk [tilespmem:v3+s5+$0x0], $0xffff  }
.Ltmp15:
0x352: {  	v3 =	vld.idx.msk [tilespmem:v0+s5+$0x0], $0xffff;
	(pc) =	sbr.rel @p0 .LBB2_32-.Ltmp15, $4  }
0x353: {  	v0 =	vld.idx.msk [tilespmem:v1+s5+$0x0], $0xffff  }
0x354: {  	s6 =	sadd.s32 $0x80, s6;
	v1 =	vld.idx.msk [tilespmem:v2+s5+$0x0], $0xffff  }
0x355: {  	v2 =	vld.idx.msk [tilespmem:v4+s5+$0x0], $0xffff;
	[tilespmem:s6+$0x0] =	vst v6  }
0x356: {  	s14 =	sadd.s32 $0x80, s14;
	v4 =	vld.idx.msk [tilespmem:v7+s5+$0x0], $0xffff;
	[tilespmem:s6+$0xFFFFFFA0] =	vst v8  }
0x357: {  	[tilespmem:s6+$0xFFFFFFB0] =	vst v5  }
0x358: {  	[tilespmem:s6+$0xFFFFFFC0] =	vst v3  }
0x359: {  	[tilespmem:s6+$0xFFFFFFD0] =	vst v0  }
0x35a: {  	[tilespmem:s6+$0xFFFFFFE0] =	vst v1  }
0x35b: {  	[tilespmem:s6+$0xFFFFFFF0] =	vst v2  }
0x35c: {  	[tilespmem:s6+$0xFFFFFF90] =	vst v4  }
0x35d: {  	[tilespmem:s5], [sflag:$0x1] =	stream.strided.gather [hbm4b:s20+s24], $0x18700, s25, s24, $0x38;
	[tilespmem:$0x1E700] =	vst v63  }
0x35e: {  	_ = 	snop  }
0x35f: {  	[tilespmem:s26], [sflag:$0x2] =	stream.linear.gather [hbm4b:s2+s5], $0x1000, $0x38;
	[tilespmem:$0x1E700] =	vst v63  }
0x360: {  	_ =	swait.ge [sflag:s28], $0x18700  }
0x361: {  	[sflag:s28] =	ssyncset.done $0x0  }
0x362: {  	[sflag:s28] =	ssyncadd.s32 $0xFFFE7900  }
0x363: {  	_ =	swait.ge [sflag:s29], $0x1000  }
0x364: {  	[sflag:s29] =	ssyncset.done $0x0  }
0x365: {  	s14 =	simm.s32 $0x1C740;
	[sflag:s29] =	ssyncadd.s32 $0xFFFFF000  }
0x366: {  	[tilespmem:s30], [sflag:$0x3] =	stream.linear.gather [hbm4b:s11+s5], $0x1000, $0x38;
	[tilespmem:$0x1E700] =	vst v63  }
0x367: {  	v0 =	vld [tilespmem:s14+$0x30]  }
0x368: {  	v1 =	vld [tilespmem:s14+$0xFFFFFFD0]  }
0x369: {  	v2 =	vld [tilespmem:s14+$0xFFFFFFE0]  }
0x36a: {  	v3 =	vld [tilespmem:s14+$0xFFFFFFF0]  }
0x36b: {  	v5 =	vld [tilespmem:s14+$0x0]  }
0x36c: {  	v6 =	vld [tilespmem:s14+$0x10]  }
0x36d: {  	v7 =	vld [tilespmem:s14+$0x20]  }
0x36e: {  	s6 =	simm.s32 $0x18740;
	v8 =	vld [tilespmem:s14+$0xFFFFFFC0]  }
0x36f: {  	v11 =	vld [tilespmem:s6+$0x30]  }
0x370: {  	v14 =	vld [tilespmem:s6+$0xFFFFFFD0]  }
0x371: {  	v9 =	vld [tilespmem:s6+$0xFFFFFFE0]  }
0x372: {  	v10 =	vld.idx.msk [tilespmem:v0+s5+$0x0], $0xffff  }
0x373: {  	v12 =	vld.idx.msk [tilespmem:v1+s5+$0x0], $0xffff  }
0x374: {  	v4 =	vld.idx.msk [tilespmem:v2+s5+$0x0], $0xffff  }
0x375: {  	v3 =	vld.idx.msk [tilespmem:v3+s5+$0x0], $0xffff  }
0x376: {  	v13 =	vld.idx.msk [tilespmem:v8+s5+$0x0], $0xffff  }
0x377: {  	v1 =	vld.idx.msk [tilespmem:v7+s5+$0x0], $0xffff  }
0x378: {  	v7 =	vld [tilespmem:s6+$0xFFFFFFC0]  }
0x379: {  	v2 =	vld.idx.msk [tilespmem:v5+s5+$0x0], $0xffff  }
0x37a: {  	v0 =	vld.idx.msk [tilespmem:v6+s5+$0x0], $0xffff  }
0x37b: {  	v8 =	vld [tilespmem:s6+$0xFFFFFFF0]  }
0x37c: {  	v6 =	vld [tilespmem:s6+$0x0];
	v10 =	vmul.f32 v11, v10  }
0x37d: {  	v5 =	vld [tilespmem:s6+$0x10];
	v11 =	vmul.f32 v7, v13  }
0x37e: {  	s10 =	simm.s32 $0x0;
	s14 =	simm.s32 $0x1C7C0;
	v7 =	vld [tilespmem:s6+$0x20];
	[tilespmem:s6+$0x30] =	vst v10;
	v10 =	vmul.f32 v14, v12  }
.LBB2_34:
0x37f: {  	v12 =	vld [tilespmem:s14+$0x30];
	s10 =	sadd.s32 $0x8, s10;
	[tilespmem:s6+$0xFFFFFFC0] =	vst v11;
	v4 =	vmul.f32 v9, v4  }
0x380: {  	v9 =	vld [tilespmem:s14+$0xFFFFFFD0];
	p0 =	slt.u32 s10, $0xF8;
	[tilespmem:s6+$0xFFFFFFD0] =	vst v10;
	v3 =	vmul.f32 v8, v3  }
0x381: {  	v8 =	vld [tilespmem:s14+$0xFFFFFFE0];
	[tilespmem:s6+$0xFFFFFFE0] =	vst v4;
	v2 =	vmul.f32 v6, v2  }
0x382: {  	v6 =	vld [tilespmem:s14+$0xFFFFFFF0];
	[tilespmem:s6+$0xFFFFFFF0] =	vst v3;
	v0 =	vmul.f32 v5, v0  }
0x383: {  	v5 =	vld [tilespmem:s14+$0x0];
	[tilespmem:s6+$0x0] =	vst v2;
	v1 =	vmul.f32 v7, v1  }
0x384: {  	v7 =	vld [tilespmem:s14+$0x10];
	[tilespmem:s6+$0x10] =	vst v0  }
0x385: {  	v10 =	vld [tilespmem:s14+$0x20];
	[tilespmem:s6+$0x20] =	vst v1  }
0x386: {  	v1 =	vld [tilespmem:s14+$0xFFFFFFC0]  }
0x387: {  	s6 =	sadd.s32 $0x80, s6;
	v11 =	vld.idx.msk [tilespmem:v12+s5+$0x0], $0xffff  }
0x388: {  	v12 =	vld [tilespmem:s6+$0x30]  }
0x389: {  	v13 =	vld.idx.msk [tilespmem:v9+s5+$0x0], $0xffff  }
0x38a: {  	v4 =	vld.idx.msk [tilespmem:v8+s5+$0x0], $0xffff  }
0x38b: {  	v3 =	vld.idx.msk [tilespmem:v6+s5+$0x0], $0xffff  }
0x38c: {  	v2 =	vld.idx.msk [tilespmem:v5+s5+$0x0], $0xffff  }
0x38d: {  	v0 =	vld.idx.msk [tilespmem:v7+s5+$0x0], $0xffff;
	v5 =	vmul.f32 v12, v11  }
0x38e: {  	v7 =	vld.idx.msk [tilespmem:v1+s5+$0x0], $0xffff  }
0x38f: {  	v1 =	vld.idx.msk [tilespmem:v10+s5+$0x0], $0xffff;
	[tilespmem:s6+$0x30] =	vst v5  }
0x390: {  	v5 =	vld [tilespmem:s6+$0xFFFFFFC0]  }
0x391: {  	v10 =	vld [tilespmem:s6+$0xFFFFFFD0]  }
.Ltmp16:
0x392: {  	v9 =	vld [tilespmem:s6+$0xFFFFFFE0];
	(pc) =	sbr.rel @p0 .LBB2_34-.Ltmp16, $4  }
0x393: {  	v8 =	vld [tilespmem:s6+$0xFFFFFFF0]  }
0x394: {  	v6 =	vld [tilespmem:s6+$0x0]  }
0x395: {  	v11 =	vmul.f32 v5, v7;
	v5 =	vld [tilespmem:s6+$0x10]  }
0x396: {  	s14 =	sadd.s32 $0x80, s14;
	v10 =	vmul.f32 v10, v13;
	v7 =	vld [tilespmem:s6+$0x20]  }
0x397: {  	[tilespmem:s6+$0xFFFFFFC0] =	vst v11;
	v4 =	vmul.f32 v9, v4  }
0x398: {  	[tilespmem:s6+$0xFFFFFFD0] =	vst v10;
	v3 =	vmul.f32 v8, v3  }
0x399: {  	[tilespmem:s6+$0xFFFFFFE0] =	vst v4;
	v2 =	vmul.f32 v6, v2  }
0x39a: {  	[tilespmem:s6+$0xFFFFFFF0] =	vst v3;
	v0 =	vmul.f32 v5, v0  }
0x39b: {  	[tilespmem:s6+$0x0] =	vst v2;
	v1 =	vmul.f32 v7, v1  }
0x39c: {  	[tilespmem:s6+$0x10] =	vst v0  }
0x39d: {  	[tilespmem:s6+$0x20] =	vst v1  }
0x39e: {  	_ =	swait.ge [sflag:s31], $0x1000  }
0x39f: {  	[sflag:s31] =	ssyncset.done $0x0  }
0x3a0: {  	s14 =	simm.s32 $0x1D740;
	[sflag:s31] =	ssyncadd.s32 $0xFFFFF000  }
0x3a1: {  	[tilespmem:s26], [sflag:$0x2] =	stream.linear.gather [hbm4b:s12+s5], $0x1000, $0x38;
	[tilespmem:$0x1E700] =	vst v63  }
0x3a2: {  	v0 =	vld [tilespmem:s14+$0x30]  }
0x3a3: {  	v1 =	vld [tilespmem:s14+$0xFFFFFFD0]  }
0x3a4: {  	v2 =	vld [tilespmem:s14+$0xFFFFFFE0]  }
0x3a5: {  	v3 =	vld [tilespmem:s14+$0xFFFFFFF0]  }
0x3a6: {  	v5 =	vld [tilespmem:s14+$0x0]  }
0x3a7: {  	v6 =	vld [tilespmem:s14+$0x10]  }
0x3a8: {  	v7 =	vld [tilespmem:s14+$0x20]  }
0x3a9: {  	s6 =	simm.s32 $0x19770;
	v8 =	vld [tilespmem:s14+$0xFFFFFFC0]  }
0x3aa: {  	v11 =	vld [tilespmem:s6+$0x0]  }
0x3ab: {  	v14 =	vld [tilespmem:s6+$0xFFFFFFA0]  }
0x3ac: {  	v9 =	vld [tilespmem:s6+$0xFFFFFFB0]  }
0x3ad: {  	v10 =	vld.idx.msk [tilespmem:v0+s5+$0x0], $0xffff  }
0x3ae: {  	v12 =	vld.idx.msk [tilespmem:v1+s5+$0x0], $0xffff  }
0x3af: {  	v4 =	vld.idx.msk [tilespmem:v2+s5+$0x0], $0xffff  }
0x3b0: {  	v3 =	vld.idx.msk [tilespmem:v3+s5+$0x0], $0xffff  }
0x3b1: {  	v13 =	vld.idx.msk [tilespmem:v8+s5+$0x0], $0xffff  }
0x3b2: {  	v1 =	vld.idx.msk [tilespmem:v7+s5+$0x0], $0xffff  }
0x3b3: {  	v7 =	vld [tilespmem:s6+$0xFFFFFF90]  }
0x3b4: {  	v2 =	vld.idx.msk [tilespmem:v5+s5+$0x0], $0xffff  }
0x3b5: {  	v0 =	vld.idx.msk [tilespmem:v6+s5+$0x0], $0xffff  }
0x3b6: {  	v8 =	vld [tilespmem:s6+$0xFFFFFFC0]  }
0x3b7: {  	v6 =	vld [tilespmem:s6+$0xFFFFFFD0];
	v10 =	vmul.f32 v11, v10  }
0x3b8: {  	v5 =	vld [tilespmem:s6+$0xFFFFFFE0];
	v11 =	vmul.f32 v7, v13  }
0x3b9: {  	s10 =	simm.s32 $0x0;
	s14 =	simm.s32 $0x1D7C0;
	v7 =	vld [tilespmem:s6+$0xFFFFFFF0];
	[tilespmem:s6+$0x0] =	vst v10;
	v10 =	vmul.f32 v14, v12  }
.LBB2_36:
0x3ba: {  	v12 =	vld [tilespmem:s14+$0x30];
	s10 =	sadd.s32 $0x8, s10;
	[tilespmem:s6+$0xFFFFFF90] =	vst v11;
	v4 =	vmul.f32 v9, v4  }
0x3bb: {  	v9 =	vld [tilespmem:s14+$0xFFFFFFD0];
	p0 =	slt.u32 s10, $0xF8;
	[tilespmem:s6+$0xFFFFFFA0] =	vst v10;
	v3 =	vmul.f32 v8, v3  }
0x3bc: {  	v8 =	vld [tilespmem:s14+$0xFFFFFFE0];
	[tilespmem:s6+$0xFFFFFFB0] =	vst v4;
	v2 =	vmul.f32 v6, v2  }
0x3bd: {  	v6 =	vld [tilespmem:s14+$0xFFFFFFF0];
	[tilespmem:s6+$0xFFFFFFC0] =	vst v3;
	v0 =	vmul.f32 v5, v0  }
0x3be: {  	v5 =	vld [tilespmem:s14+$0x0];
	[tilespmem:s6+$0xFFFFFFD0] =	vst v2;
	v1 =	vmul.f32 v7, v1  }
0x3bf: {  	v7 =	vld [tilespmem:s14+$0x10];
	[tilespmem:s6+$0xFFFFFFE0] =	vst v0  }
0x3c0: {  	v10 =	vld [tilespmem:s14+$0x20];
	[tilespmem:s6+$0xFFFFFFF0] =	vst v1  }
0x3c1: {  	v1 =	vld [tilespmem:s14+$0xFFFFFFC0]  }
0x3c2: {  	s6 =	sadd.s32 $0x80, s6;
	v11 =	vld.idx.msk [tilespmem:v12+s5+$0x0], $0xffff  }
0x3c3: {  	v12 =	vld [tilespmem:s6+$0x0]  }
0x3c4: {  	v13 =	vld.idx.msk [tilespmem:v9+s5+$0x0], $0xffff  }
0x3c5: {  	v4 =	vld.idx.msk [tilespmem:v8+s5+$0x0], $0xffff  }
0x3c6: {  	v3 =	vld.idx.msk [tilespmem:v6+s5+$0x0], $0xffff  }
0x3c7: {  	v2 =	vld.idx.msk [tilespmem:v5+s5+$0x0], $0xffff  }
0x3c8: {  	v0 =	vld.idx.msk [tilespmem:v7+s5+$0x0], $0xffff;
	v5 =	vmul.f32 v12, v11  }
0x3c9: {  	v7 =	vld.idx.msk [tilespmem:v1+s5+$0x0], $0xffff  }
0x3ca: {  	v1 =	vld.idx.msk [tilespmem:v10+s5+$0x0], $0xffff;
	[tilespmem:s6+$0x0] =	vst v5  }
0x3cb: {  	v5 =	vld [tilespmem:s6+$0xFFFFFF90]  }
0x3cc: {  	v10 =	vld [tilespmem:s6+$0xFFFFFFA0]  }
.Ltmp17:
0x3cd: {  	v9 =	vld [tilespmem:s6+$0xFFFFFFB0];
	(pc) =	sbr.rel @p0 .LBB2_36-.Ltmp17, $4  }
0x3ce: {  	v8 =	vld [tilespmem:s6+$0xFFFFFFC0]  }
0x3cf: {  	v6 =	vld [tilespmem:s6+$0xFFFFFFD0]  }
0x3d0: {  	v11 =	vmul.f32 v5, v7;
	v5 =	vld [tilespmem:s6+$0xFFFFFFE0]  }
0x3d1: {  	s14 =	sadd.s32 $0x80, s14;
	v10 =	vmul.f32 v10, v13;
	v7 =	vld [tilespmem:s6+$0xFFFFFFF0]  }
0x3d2: {  	[tilespmem:s6+$0xFFFFFF90] =	vst v11;
	v4 =	vmul.f32 v9, v4  }
0x3d3: {  	[tilespmem:s6+$0xFFFFFFA0] =	vst v10;
	v3 =	vmul.f32 v8, v3  }
0x3d4: {  	[tilespmem:s6+$0xFFFFFFB0] =	vst v4;
	v2 =	vmul.f32 v6, v2  }
0x3d5: {  	[tilespmem:s6+$0xFFFFFFC0] =	vst v3;
	v0 =	vmul.f32 v5, v0  }
0x3d6: {  	[tilespmem:s6+$0xFFFFFFD0] =	vst v2;
	v1 =	vmul.f32 v7, v1  }
0x3d7: {  	[tilespmem:s6+$0xFFFFFFE0] =	vst v0  }
0x3d8: {  	[tilespmem:s6+$0xFFFFFFF0] =	vst v1  }
0x3d9: {  	_ =	swait.ge [sflag:s29], $0x1000  }
0x3da: {  	[sflag:s29] =	ssyncset.done $0x0  }
0x3db: {  	s14 =	simm.s32 $0x1C740;
	[sflag:s29] =	ssyncadd.s32 $0xFFFFF000  }
0x3dc: {  	[tilespmem:s30], [sflag:$0x3] =	stream.linear.gather [hbm4b:s13+s5], $0x1000, $0x38;
	[tilespmem:$0x1E700] =	vst v63  }
0x3dd: {  	v0 =	vld [tilespmem:s14+$0x30]  }
0x3de: {  	v1 =	vld [tilespmem:s14+$0xFFFFFFD0]  }
0x3df: {  	v2 =	vld [tilespmem:s14+$0xFFFFFFE0]  }
0x3e0: {  	v3 =	vld [tilespmem:s14+$0xFFFFFFF0]  }
0x3e1: {  	v5 =	vld [tilespmem:s14+$0x0]  }
0x3e2: {  	v6 =	vld [tilespmem:s14+$0x10]  }
0x3e3: {  	v7 =	vld [tilespmem:s14+$0x20]  }
0x3e4: {  	s6 =	simm.s32 $0x1A770;
	v8 =	vld [tilespmem:s14+$0xFFFFFFC0]  }
0x3e5: {  	v11 =	vld [tilespmem:s6+$0x0]  }
0x3e6: {  	v14 =	vld [tilespmem:s6+$0xFFFFFFA0]  }
0x3e7: {  	v9 =	vld [tilespmem:s6+$0xFFFFFFB0]  }
0x3e8: {  	v10 =	vld.idx.msk [tilespmem:v0+s5+$0x0], $0xffff  }
0x3e9: {  	v12 =	vld.idx.msk [tilespmem:v1+s5+$0x0], $0xffff  }
0x3ea: {  	v4 =	vld.idx.msk [tilespmem:v2+s5+$0x0], $0xffff  }
0x3eb: {  	v3 =	vld.idx.msk [tilespmem:v3+s5+$0x0], $0xffff  }
0x3ec: {  	v13 =	vld.idx.msk [tilespmem:v8+s5+$0x0], $0xffff  }
0x3ed: {  	v1 =	vld.idx.msk [tilespmem:v7+s5+$0x0], $0xffff  }
0x3ee: {  	v7 =	vld [tilespmem:s6+$0xFFFFFF90]  }
0x3ef: {  	v2 =	vld.idx.msk [tilespmem:v5+s5+$0x0], $0xffff  }
0x3f0: {  	v0 =	vld.idx.msk [tilespmem:v6+s5+$0x0], $0xffff  }
0x3f1: {  	v8 =	vld [tilespmem:s6+$0xFFFFFFC0]  }
0x3f2: {  	v6 =	vld [tilespmem:s6+$0xFFFFFFD0];
	v10 =	vmul.f32 v11, v10  }
0x3f3: {  	v5 =	vld [tilespmem:s6+$0xFFFFFFE0];
	v11 =	vmul.f32 v7, v13  }
0x3f4: {  	s10 =	simm.s32 $0x0;
	s14 =	simm.s32 $0x1C7C0;
	v7 =	vld [tilespmem:s6+$0xFFFFFFF0];
	[tilespmem:s6+$0x0] =	vst v10;
	v10 =	vmul.f32 v14, v12  }
.LBB2_38:
0x3f5: {  	v12 =	vld [tilespmem:s14+$0x30];
	s10 =	sadd.s32 $0x8, s10;
	[tilespmem:s6+$0xFFFFFF90] =	vst v11;
	v4 =	vmul.f32 v9, v4  }
0x3f6: {  	v9 =	vld [tilespmem:s14+$0xFFFFFFD0];
	p0 =	slt.u32 s10, $0xF8;
	[tilespmem:s6+$0xFFFFFFA0] =	vst v10;
	v3 =	vmul.f32 v8, v3  }
0x3f7: {  	v8 =	vld [tilespmem:s14+$0xFFFFFFE0];
	[tilespmem:s6+$0xFFFFFFB0] =	vst v4;
	v2 =	vmul.f32 v6, v2  }
0x3f8: {  	v6 =	vld [tilespmem:s14+$0xFFFFFFF0];
	[tilespmem:s6+$0xFFFFFFC0] =	vst v3;
	v0 =	vmul.f32 v5, v0  }
0x3f9: {  	v5 =	vld [tilespmem:s14+$0x0];
	[tilespmem:s6+$0xFFFFFFD0] =	vst v2;
	v1 =	vmul.f32 v7, v1  }
0x3fa: {  	v7 =	vld [tilespmem:s14+$0x10];
	[tilespmem:s6+$0xFFFFFFE0] =	vst v0  }
0x3fb: {  	v10 =	vld [tilespmem:s14+$0x20];
	[tilespmem:s6+$0xFFFFFFF0] =	vst v1  }
0x3fc: {  	v1 =	vld [tilespmem:s14+$0xFFFFFFC0]  }
0x3fd: {  	s6 =	sadd.s32 $0x80, s6;
	v11 =	vld.idx.msk [tilespmem:v12+s5+$0x0], $0xffff  }
0x3fe: {  	v12 =	vld [tilespmem:s6+$0x0]  }
0x3ff: {  	v13 =	vld.idx.msk [tilespmem:v9+s5+$0x0], $0xffff  }
0x400: {  	v4 =	vld.idx.msk [tilespmem:v8+s5+$0x0], $0xffff  }
0x401: {  	v3 =	vld.idx.msk [tilespmem:v6+s5+$0x0], $0xffff  }
0x402: {  	v2 =	vld.idx.msk [tilespmem:v5+s5+$0x0], $0xffff  }
0x403: {  	v0 =	vld.idx.msk [tilespmem:v7+s5+$0x0], $0xffff;
	v5 =	vmul.f32 v12, v11  }
0x404: {  	v7 =	vld.idx.msk [tilespmem:v1+s5+$0x0], $0xffff  }
0x405: {  	v1 =	vld.idx.msk [tilespmem:v10+s5+$0x0], $0xffff;
	[tilespmem:s6+$0x0] =	vst v5  }
0x406: {  	v5 =	vld [tilespmem:s6+$0xFFFFFF90]  }
0x407: {  	v10 =	vld [tilespmem:s6+$0xFFFFFFA0]  }
.Ltmp18:
0x408: {  	v9 =	vld [tilespmem:s6+$0xFFFFFFB0];
	(pc) =	sbr.rel @p0 .LBB2_38-.Ltmp18, $4  }
0x409: {  	v8 =	vld [tilespmem:s6+$0xFFFFFFC0]  }
0x40a: {  	v6 =	vld [tilespmem:s6+$0xFFFFFFD0]  }
0x40b: {  	v11 =	vmul.f32 v5, v7;
	v5 =	vld [tilespmem:s6+$0xFFFFFFE0]  }
0x40c: {  	s14 =	sadd.s32 $0x80, s14;
	v10 =	vmul.f32 v10, v13;
	v7 =	vld [tilespmem:s6+$0xFFFFFFF0]  }
0x40d: {  	[tilespmem:s6+$0xFFFFFF90] =	vst v11;
	v4 =	vmul.f32 v9, v4  }
0x40e: {  	[tilespmem:s6+$0xFFFFFFA0] =	vst v10;
	v3 =	vmul.f32 v8, v3  }
0x40f: {  	[tilespmem:s6+$0xFFFFFFB0] =	vst v4;
	v2 =	vmul.f32 v6, v2  }
0x410: {  	[tilespmem:s6+$0xFFFFFFC0] =	vst v3;
	v0 =	vmul.f32 v5, v0  }
0x411: {  	[tilespmem:s6+$0xFFFFFFD0] =	vst v2;
	v1 =	vmul.f32 v7, v1  }
0x412: {  	[tilespmem:s6+$0xFFFFFFE0] =	vst v0  }
0x413: {  	[tilespmem:s6+$0xFFFFFFF0] =	vst v1  }
0x414: {  	_ =	swait.ge [sflag:s31], $0x1000  }
0x415: {  	[sflag:s31] =	ssyncset.done $0x0  }
0x416: {  	s14 =	simm.s32 $0x1D740;
	[sflag:s31] =	ssyncadd.s32 $0xFFFFF000  }
0x417: {  	v0 =	vld [tilespmem:s14+$0x30]  }
0x418: {  	v1 =	vld [tilespmem:s14+$0xFFFFFFD0]  }
0x419: {  	v2 =	vld [tilespmem:s14+$0xFFFFFFE0]  }
0x41a: {  	v3 =	vld [tilespmem:s14+$0xFFFFFFF0]  }
0x41b: {  	v5 =	vld [tilespmem:s14+$0x0]  }
0x41c: {  	v6 =	vld [tilespmem:s14+$0x10]  }
0x41d: {  	v7 =	vld [tilespmem:s14+$0x20]  }
0x41e: {  	s6 =	simm.s32 $0x1B770;
	v8 =	vld [tilespmem:s14+$0xFFFFFFC0]  }
0x41f: {  	v11 =	vld [tilespmem:s6+$0x0]  }
0x420: {  	v14 =	vld [tilespmem:s6+$0xFFFFFFA0]  }
0x421: {  	v9 =	vld [tilespmem:s6+$0xFFFFFFB0]  }
0x422: {  	v10 =	vld.idx.msk [tilespmem:v0+s5+$0x0], $0xffff  }
0x423: {  	v12 =	vld.idx.msk [tilespmem:v1+s5+$0x0], $0xffff  }
0x424: {  	v4 =	vld.idx.msk [tilespmem:v2+s5+$0x0], $0xffff  }
0x425: {  	v3 =	vld.idx.msk [tilespmem:v3+s5+$0x0], $0xffff  }
0x426: {  	v13 =	vld.idx.msk [tilespmem:v8+s5+$0x0], $0xffff  }
0x427: {  	v1 =	vld.idx.msk [tilespmem:v7+s5+$0x0], $0xffff  }
0x428: {  	v7 =	vld [tilespmem:s6+$0xFFFFFF90]  }
0x429: {  	v2 =	vld.idx.msk [tilespmem:v5+s5+$0x0], $0xffff  }
0x42a: {  	v0 =	vld.idx.msk [tilespmem:v6+s5+$0x0], $0xffff  }
0x42b: {  	v8 =	vld [tilespmem:s6+$0xFFFFFFC0]  }
0x42c: {  	v6 =	vld [tilespmem:s6+$0xFFFFFFD0];
	v10 =	vmul.f32 v11, v10  }
0x42d: {  	v5 =	vld [tilespmem:s6+$0xFFFFFFE0];
	v11 =	vmul.f32 v7, v13  }
0x42e: {  	s10 =	simm.s32 $0x0;
	s14 =	simm.s32 $0x1D7C0;
	v7 =	vld [tilespmem:s6+$0xFFFFFFF0];
	[tilespmem:s6+$0x0] =	vst v10;
	v10 =	vmul.f32 v14, v12  }
.LBB2_40:
0x42f: {  	v12 =	vld [tilespmem:s14+$0x30];
	s10 =	sadd.s32 $0x8, s10;
	[tilespmem:s6+$0xFFFFFF90] =	vst v11;
	v4 =	vmul.f32 v9, v4  }
0x430: {  	v9 =	vld [tilespmem:s14+$0xFFFFFFD0];
	p0 =	slt.u32 s10, $0xF8;
	[tilespmem:s6+$0xFFFFFFA0] =	vst v10;
	v3 =	vmul.f32 v8, v3  }
0x431: {  	v8 =	vld [tilespmem:s14+$0xFFFFFFE0];
	[tilespmem:s6+$0xFFFFFFB0] =	vst v4;
	v2 =	vmul.f32 v6, v2  }
0x432: {  	v6 =	vld [tilespmem:s14+$0xFFFFFFF0];
	[tilespmem:s6+$0xFFFFFFC0] =	vst v3;
	v0 =	vmul.f32 v5, v0  }
0x433: {  	v5 =	vld [tilespmem:s14+$0x0];
	[tilespmem:s6+$0xFFFFFFD0] =	vst v2;
	v1 =	vmul.f32 v7, v1  }
0x434: {  	v7 =	vld [tilespmem:s14+$0x10];
	[tilespmem:s6+$0xFFFFFFE0] =	vst v0  }
0x435: {  	v10 =	vld [tilespmem:s14+$0x20];
	[tilespmem:s6+$0xFFFFFFF0] =	vst v1  }
0x436: {  	v1 =	vld [tilespmem:s14+$0xFFFFFFC0]  }
0x437: {  	s6 =	sadd.s32 $0x80, s6;
	v11 =	vld.idx.msk [tilespmem:v12+s5+$0x0], $0xffff  }
0x438: {  	v12 =	vld [tilespmem:s6+$0x0]  }
0x439: {  	v13 =	vld.idx.msk [tilespmem:v9+s5+$0x0], $0xffff  }
0x43a: {  	v4 =	vld.idx.msk [tilespmem:v8+s5+$0x0], $0xffff  }
0x43b: {  	v3 =	vld.idx.msk [tilespmem:v6+s5+$0x0], $0xffff  }
0x43c: {  	v2 =	vld.idx.msk [tilespmem:v5+s5+$0x0], $0xffff  }
0x43d: {  	v0 =	vld.idx.msk [tilespmem:v7+s5+$0x0], $0xffff;
	v5 =	vmul.f32 v12, v11  }
0x43e: {  	v7 =	vld.idx.msk [tilespmem:v1+s5+$0x0], $0xffff  }
0x43f: {  	v1 =	vld.idx.msk [tilespmem:v10+s5+$0x0], $0xffff;
	[tilespmem:s6+$0x0] =	vst v5  }
0x440: {  	v5 =	vld [tilespmem:s6+$0xFFFFFF90]  }
0x441: {  	v10 =	vld [tilespmem:s6+$0xFFFFFFA0]  }
.Ltmp19:
0x442: {  	v9 =	vld [tilespmem:s6+$0xFFFFFFB0];
	(pc) =	sbr.rel @p0 .LBB2_40-.Ltmp19, $4  }
0x443: {  	v8 =	vld [tilespmem:s6+$0xFFFFFFC0]  }
0x444: {  	v6 =	vld [tilespmem:s6+$0xFFFFFFD0]  }
0x445: {  	v11 =	vmul.f32 v5, v7;
	v5 =	vld [tilespmem:s6+$0xFFFFFFE0]  }
0x446: {  	s14 =	sadd.s32 $0x80, s14;
	v10 =	vmul.f32 v10, v13;
	v7 =	vld [tilespmem:s6+$0xFFFFFFF0]  }
0x447: {  	[tilespmem:s6+$0xFFFFFF90] =	vst v11;
	v4 =	vmul.f32 v9, v4  }
0x448: {  	[tilespmem:s6+$0xFFFFFFA0] =	vst v10;
	v3 =	vmul.f32 v8, v3  }
0x449: {  	[tilespmem:s6+$0xFFFFFFB0] =	vst v4;
	v2 =	vmul.f32 v6, v2  }
0x44a: {  	[tilespmem:s6+$0xFFFFFFC0] =	vst v3;
	v0 =	vmul.f32 v5, v0  }
0x44b: {  	[tilespmem:s6+$0xFFFFFFD0] =	vst v2;
	v1 =	vmul.f32 v7, v1  }
0x44c: {  	[tilespmem:s6+$0xFFFFFFE0] =	vst v0  }
0x44d: {  	[tilespmem:s6+$0xFFFFFFF0] =	vst v1  }
0x44e: {  	[tilespmem:s5], [sflag:$0x1] =	stream.strided.gather [hbm4b:s21+s24], $0x18700, s25, s24, $0x38;
	[tilespmem:$0x1E700] =	vst v63  }
0x44f: {  	_ = 	snop  }
0x450: {  	[tilespmem:s26], [sflag:$0x2] =	stream.linear.gather [hbm4b:s3+s5], $0x1000, $0x38;
	[tilespmem:$0x1E700] =	vst v63  }
0x451: {  	_ =	swait.ge [sflag:s28], $0x18700  }
0x452: {  	[sflag:s28] =	ssyncset.done $0x0  }
0x453: {  	[sflag:s28] =	ssyncadd.s32 $0xFFFE7900  }
0x454: {  	_ =	swait.ge [sflag:s29], $0x1000  }
0x455: {  	[sflag:s29] =	ssyncset.done $0x0  }
0x456: {  	s14 =	simm.s32 $0x1C740;
	[sflag:s29] =	ssyncadd.s32 $0xFFFFF000  }
0x457: {  	[tilespmem:s30], [sflag:$0x3] =	stream.linear.gather [hbm4b:s15+s5], $0x1000, $0x38;
	[tilespmem:$0x1E700] =	vst v63  }
0x458: {  	v0 =	vld [tilespmem:s14+$0x30]  }
0x459: {  	v1 =	vld [tilespmem:s14+$0xFFFFFFD0]  }
0x45a: {  	v2 =	vld [tilespmem:s14+$0xFFFFFFE0]  }
0x45b: {  	v3 =	vld [tilespmem:s14+$0xFFFFFFF0]  }
0x45c: {  	v5 =	vld [tilespmem:s14+$0x0]  }
0x45d: {  	v6 =	vld [tilespmem:s14+$0x10]  }
0x45e: {  	v7 =	vld [tilespmem:s14+$0x20]  }
0x45f: {  	s6 =	simm.s32 $0x18740;
	v8 =	vld [tilespmem:s14+$0xFFFFFFC0]  }
0x460: {  	v11 =	vld [tilespmem:s6+$0x30]  }
0x461: {  	v14 =	vld [tilespmem:s6+$0xFFFFFFD0]  }
0x462: {  	v9 =	vld [tilespmem:s6+$0xFFFFFFE0]  }
0x463: {  	v10 =	vld.idx.msk [tilespmem:v0+s5+$0x0], $0xffff  }
0x464: {  	v12 =	vld.idx.msk [tilespmem:v1+s5+$0x0], $0xffff  }
0x465: {  	v4 =	vld.idx.msk [tilespmem:v2+s5+$0x0], $0xffff  }
0x466: {  	v3 =	vld.idx.msk [tilespmem:v3+s5+$0x0], $0xffff  }
0x467: {  	v13 =	vld.idx.msk [tilespmem:v8+s5+$0x0], $0xffff  }
0x468: {  	v1 =	vld.idx.msk [tilespmem:v7+s5+$0x0], $0xffff  }
0x469: {  	v7 =	vld [tilespmem:s6+$0xFFFFFFC0]  }
0x46a: {  	v2 =	vld.idx.msk [tilespmem:v5+s5+$0x0], $0xffff  }
0x46b: {  	v0 =	vld.idx.msk [tilespmem:v6+s5+$0x0], $0xffff  }
0x46c: {  	v8 =	vld [tilespmem:s6+$0xFFFFFFF0]  }
0x46d: {  	v6 =	vld [tilespmem:s6+$0x0];
	v10 =	vmul.f32 v11, v10  }
0x46e: {  	v5 =	vld [tilespmem:s6+$0x10];
	v11 =	vmul.f32 v7, v13  }
0x46f: {  	s10 =	simm.s32 $0x0;
	s14 =	simm.s32 $0x1C7C0;
	v7 =	vld [tilespmem:s6+$0x20];
	[tilespmem:s6+$0x30] =	vst v10;
	v10 =	vmul.f32 v14, v12  }
.LBB2_42:
0x470: {  	v12 =	vld [tilespmem:s14+$0x30];
	s10 =	sadd.s32 $0x8, s10;
	[tilespmem:s6+$0xFFFFFFC0] =	vst v11;
	v4 =	vmul.f32 v9, v4  }
0x471: {  	v9 =	vld [tilespmem:s14+$0xFFFFFFD0];
	p0 =	slt.u32 s10, $0xF8;
	[tilespmem:s6+$0xFFFFFFD0] =	vst v10;
	v3 =	vmul.f32 v8, v3  }
0x472: {  	v8 =	vld [tilespmem:s14+$0xFFFFFFE0];
	[tilespmem:s6+$0xFFFFFFE0] =	vst v4;
	v2 =	vmul.f32 v6, v2  }
0x473: {  	v6 =	vld [tilespmem:s14+$0xFFFFFFF0];
	[tilespmem:s6+$0xFFFFFFF0] =	vst v3;
	v0 =	vmul.f32 v5, v0  }
0x474: {  	v5 =	vld [tilespmem:s14+$0x0];
	[tilespmem:s6+$0x0] =	vst v2;
	v1 =	vmul.f32 v7, v1  }
0x475: {  	v7 =	vld [tilespmem:s14+$0x10];
	[tilespmem:s6+$0x10] =	vst v0  }
0x476: {  	v10 =	vld [tilespmem:s14+$0x20];
	[tilespmem:s6+$0x20] =	vst v1  }
0x477: {  	v1 =	vld [tilespmem:s14+$0xFFFFFFC0]  }
0x478: {  	s6 =	sadd.s32 $0x80, s6;
	v11 =	vld.idx.msk [tilespmem:v12+s5+$0x0], $0xffff  }
0x479: {  	v12 =	vld [tilespmem:s6+$0x30]  }
0x47a: {  	v13 =	vld.idx.msk [tilespmem:v9+s5+$0x0], $0xffff  }
0x47b: {  	v4 =	vld.idx.msk [tilespmem:v8+s5+$0x0], $0xffff  }
0x47c: {  	v3 =	vld.idx.msk [tilespmem:v6+s5+$0x0], $0xffff  }
0x47d: {  	v2 =	vld.idx.msk [tilespmem:v5+s5+$0x0], $0xffff  }
0x47e: {  	v0 =	vld.idx.msk [tilespmem:v7+s5+$0x0], $0xffff;
	v5 =	vmul.f32 v12, v11  }
0x47f: {  	v7 =	vld.idx.msk [tilespmem:v1+s5+$0x0], $0xffff  }
0x480: {  	v1 =	vld.idx.msk [tilespmem:v10+s5+$0x0], $0xffff;
	[tilespmem:s6+$0x30] =	vst v5  }
0x481: {  	v5 =	vld [tilespmem:s6+$0xFFFFFFC0]  }
0x482: {  	v10 =	vld [tilespmem:s6+$0xFFFFFFD0]  }
.Ltmp20:
0x483: {  	v9 =	vld [tilespmem:s6+$0xFFFFFFE0];
	(pc) =	sbr.rel @p0 .LBB2_42-.Ltmp20, $4  }
0x484: {  	v8 =	vld [tilespmem:s6+$0xFFFFFFF0]  }
0x485: {  	v6 =	vld [tilespmem:s6+$0x0]  }
0x486: {  	v11 =	vmul.f32 v5, v7;
	v5 =	vld [tilespmem:s6+$0x10]  }
0x487: {  	s14 =	sadd.s32 $0x80, s14;
	v10 =	vmul.f32 v10, v13;
	v7 =	vld [tilespmem:s6+$0x20]  }
0x488: {  	[tilespmem:s6+$0xFFFFFFC0] =	vst v11;
	v4 =	vmul.f32 v9, v4  }
0x489: {  	[tilespmem:s6+$0xFFFFFFD0] =	vst v10;
	v3 =	vmul.f32 v8, v3  }
0x48a: {  	[tilespmem:s6+$0xFFFFFFE0] =	vst v4;
	v2 =	vmul.f32 v6, v2  }
0x48b: {  	[tilespmem:s6+$0xFFFFFFF0] =	vst v3;
	v0 =	vmul.f32 v5, v0  }
0x48c: {  	[tilespmem:s6+$0x0] =	vst v2;
	v1 =	vmul.f32 v7, v1  }
0x48d: {  	[tilespmem:s6+$0x10] =	vst v0  }
0x48e: {  	[tilespmem:s6+$0x20] =	vst v1  }
0x48f: {  	_ =	swait.ge [sflag:s31], $0x1000  }
0x490: {  	[sflag:s31] =	ssyncset.done $0x0  }
0x491: {  	s14 =	simm.s32 $0x1D740;
	[sflag:s31] =	ssyncadd.s32 $0xFFFFF000  }
0x492: {  	[tilespmem:s26], [sflag:$0x2] =	stream.linear.gather [hbm4b:s16+s5], $0x1000, $0x38;
	[tilespmem:$0x1E700] =	vst v63  }
0x493: {  	v0 =	vld [tilespmem:s14+$0x30]  }
0x494: {  	v1 =	vld [tilespmem:s14+$0xFFFFFFD0]  }
0x495: {  	v2 =	vld [tilespmem:s14+$0xFFFFFFE0]  }
0x496: {  	v3 =	vld [tilespmem:s14+$0xFFFFFFF0]  }
0x497: {  	v5 =	vld [tilespmem:s14+$0x0]  }
0x498: {  	v6 =	vld [tilespmem:s14+$0x10]  }
0x499: {  	v7 =	vld [tilespmem:s14+$0x20]  }
0x49a: {  	s6 =	simm.s32 $0x19770;
	v8 =	vld [tilespmem:s14+$0xFFFFFFC0]  }
0x49b: {  	v11 =	vld [tilespmem:s6+$0x0]  }
0x49c: {  	v14 =	vld [tilespmem:s6+$0xFFFFFFA0]  }
0x49d: {  	v9 =	vld [tilespmem:s6+$0xFFFFFFB0]  }
0x49e: {  	v10 =	vld.idx.msk [tilespmem:v0+s5+$0x0], $0xffff  }
0x49f: {  	v12 =	vld.idx.msk [tilespmem:v1+s5+$0x0], $0xffff  }
0x4a0: {  	v4 =	vld.idx.msk [tilespmem:v2+s5+$0x0], $0xffff  }
0x4a1: {  	v3 =	vld.idx.msk [tilespmem:v3+s5+$0x0], $0xffff  }
0x4a2: {  	v13 =	vld.idx.msk [tilespmem:v8+s5+$0x0], $0xffff  }
0x4a3: {  	v1 =	vld.idx.msk [tilespmem:v7+s5+$0x0], $0xffff  }
0x4a4: {  	v7 =	vld [tilespmem:s6+$0xFFFFFF90]  }
0x4a5: {  	v2 =	vld.idx.msk [tilespmem:v5+s5+$0x0], $0xffff  }
0x4a6: {  	v0 =	vld.idx.msk [tilespmem:v6+s5+$0x0], $0xffff  }
0x4a7: {  	v8 =	vld [tilespmem:s6+$0xFFFFFFC0]  }
0x4a8: {  	v6 =	vld [tilespmem:s6+$0xFFFFFFD0];
	v10 =	vmul.f32 v11, v10  }
0x4a9: {  	v5 =	vld [tilespmem:s6+$0xFFFFFFE0];
	v11 =	vmul.f32 v7, v13  }
0x4aa: {  	s10 =	simm.s32 $0x0;
	s14 =	simm.s32 $0x1D7C0;
	v7 =	vld [tilespmem:s6+$0xFFFFFFF0];
	[tilespmem:s6+$0x0] =	vst v10;
	v10 =	vmul.f32 v14, v12  }
.LBB2_44:
0x4ab: {  	v12 =	vld [tilespmem:s14+$0x30];
	s10 =	sadd.s32 $0x8, s10;
	[tilespmem:s6+$0xFFFFFF90] =	vst v11;
	v4 =	vmul.f32 v9, v4  }
0x4ac: {  	v9 =	vld [tilespmem:s14+$0xFFFFFFD0];
	p0 =	slt.u32 s10, $0xF8;
	[tilespmem:s6+$0xFFFFFFA0] =	vst v10;
	v3 =	vmul.f32 v8, v3  }
0x4ad: {  	v8 =	vld [tilespmem:s14+$0xFFFFFFE0];
	[tilespmem:s6+$0xFFFFFFB0] =	vst v4;
	v2 =	vmul.f32 v6, v2  }
0x4ae: {  	v6 =	vld [tilespmem:s14+$0xFFFFFFF0];
	[tilespmem:s6+$0xFFFFFFC0] =	vst v3;
	v0 =	vmul.f32 v5, v0  }
0x4af: {  	v5 =	vld [tilespmem:s14+$0x0];
	[tilespmem:s6+$0xFFFFFFD0] =	vst v2;
	v1 =	vmul.f32 v7, v1  }
0x4b0: {  	v7 =	vld [tilespmem:s14+$0x10];
	[tilespmem:s6+$0xFFFFFFE0] =	vst v0  }
0x4b1: {  	v10 =	vld [tilespmem:s14+$0x20];
	[tilespmem:s6+$0xFFFFFFF0] =	vst v1  }
0x4b2: {  	v1 =	vld [tilespmem:s14+$0xFFFFFFC0]  }
0x4b3: {  	s6 =	sadd.s32 $0x80, s6;
	v11 =	vld.idx.msk [tilespmem:v12+s5+$0x0], $0xffff  }
0x4b4: {  	v12 =	vld [tilespmem:s6+$0x0]  }
0x4b5: {  	v13 =	vld.idx.msk [tilespmem:v9+s5+$0x0], $0xffff  }
0x4b6: {  	v4 =	vld.idx.msk [tilespmem:v8+s5+$0x0], $0xffff  }
0x4b7: {  	v3 =	vld.idx.msk [tilespmem:v6+s5+$0x0], $0xffff  }
0x4b8: {  	v2 =	vld.idx.msk [tilespmem:v5+s5+$0x0], $0xffff  }
0x4b9: {  	v0 =	vld.idx.msk [tilespmem:v7+s5+$0x0], $0xffff;
	v5 =	vmul.f32 v12, v11  }
0x4ba: {  	v7 =	vld.idx.msk [tilespmem:v1+s5+$0x0], $0xffff  }
0x4bb: {  	v1 =	vld.idx.msk [tilespmem:v10+s5+$0x0], $0xffff;
	[tilespmem:s6+$0x0] =	vst v5  }
0x4bc: {  	v5 =	vld [tilespmem:s6+$0xFFFFFF90]  }
0x4bd: {  	v10 =	vld [tilespmem:s6+$0xFFFFFFA0]  }
.Ltmp21:
0x4be: {  	v9 =	vld [tilespmem:s6+$0xFFFFFFB0];
	(pc) =	sbr.rel @p0 .LBB2_44-.Ltmp21, $4  }
0x4bf: {  	v8 =	vld [tilespmem:s6+$0xFFFFFFC0]  }
0x4c0: {  	v6 =	vld [tilespmem:s6+$0xFFFFFFD0]  }
0x4c1: {  	v11 =	vmul.f32 v5, v7;
	v5 =	vld [tilespmem:s6+$0xFFFFFFE0]  }
0x4c2: {  	s14 =	sadd.s32 $0x80, s14;
	v10 =	vmul.f32 v10, v13;
	v7 =	vld [tilespmem:s6+$0xFFFFFFF0]  }
0x4c3: {  	[tilespmem:s6+$0xFFFFFF90] =	vst v11;
	v4 =	vmul.f32 v9, v4  }
0x4c4: {  	[tilespmem:s6+$0xFFFFFFA0] =	vst v10;
	v3 =	vmul.f32 v8, v3  }
0x4c5: {  	[tilespmem:s6+$0xFFFFFFB0] =	vst v4;
	v2 =	vmul.f32 v6, v2  }
0x4c6: {  	[tilespmem:s6+$0xFFFFFFC0] =	vst v3;
	v0 =	vmul.f32 v5, v0  }
0x4c7: {  	[tilespmem:s6+$0xFFFFFFD0] =	vst v2;
	v1 =	vmul.f32 v7, v1  }
0x4c8: {  	[tilespmem:s6+$0xFFFFFFE0] =	vst v0  }
0x4c9: {  	[tilespmem:s6+$0xFFFFFFF0] =	vst v1  }
0x4ca: {  	_ =	swait.ge [sflag:s29], $0x1000  }
0x4cb: {  	[sflag:s29] =	ssyncset.done $0x0  }
0x4cc: {  	s14 =	simm.s32 $0x1C740;
	[sflag:s29] =	ssyncadd.s32 $0xFFFFF000  }
0x4cd: {  	[tilespmem:s30], [sflag:$0x3] =	stream.linear.gather [hbm4b:s17+s5], $0x1000, $0x38;
	[tilespmem:$0x1E700] =	vst v63  }
0x4ce: {  	v0 =	vld [tilespmem:s14+$0x30]  }
0x4cf: {  	v1 =	vld [tilespmem:s14+$0xFFFFFFD0]  }
0x4d0: {  	v2 =	vld [tilespmem:s14+$0xFFFFFFE0]  }
0x4d1: {  	v3 =	vld [tilespmem:s14+$0xFFFFFFF0]  }
0x4d2: {  	v5 =	vld [tilespmem:s14+$0x0]  }
0x4d3: {  	v6 =	vld [tilespmem:s14+$0x10]  }
0x4d4: {  	v7 =	vld [tilespmem:s14+$0x20]  }
0x4d5: {  	s6 =	simm.s32 $0x1A770;
	v8 =	vld [tilespmem:s14+$0xFFFFFFC0]  }
0x4d6: {  	v11 =	vld [tilespmem:s6+$0x0]  }
0x4d7: {  	v14 =	vld [tilespmem:s6+$0xFFFFFFA0]  }
0x4d8: {  	v9 =	vld [tilespmem:s6+$0xFFFFFFB0]  }
0x4d9: {  	v10 =	vld.idx.msk [tilespmem:v0+s5+$0x0], $0xffff  }
0x4da: {  	v12 =	vld.idx.msk [tilespmem:v1+s5+$0x0], $0xffff  }
0x4db: {  	v4 =	vld.idx.msk [tilespmem:v2+s5+$0x0], $0xffff  }
0x4dc: {  	v3 =	vld.idx.msk [tilespmem:v3+s5+$0x0], $0xffff  }
0x4dd: {  	v13 =	vld.idx.msk [tilespmem:v8+s5+$0x0], $0xffff  }
0x4de: {  	v1 =	vld.idx.msk [tilespmem:v7+s5+$0x0], $0xffff  }
0x4df: {  	v7 =	vld [tilespmem:s6+$0xFFFFFF90]  }
0x4e0: {  	v2 =	vld.idx.msk [tilespmem:v5+s5+$0x0], $0xffff  }
0x4e1: {  	v0 =	vld.idx.msk [tilespmem:v6+s5+$0x0], $0xffff  }
0x4e2: {  	v8 =	vld [tilespmem:s6+$0xFFFFFFC0]  }
0x4e3: {  	v6 =	vld [tilespmem:s6+$0xFFFFFFD0];
	v10 =	vmul.f32 v11, v10  }
0x4e4: {  	v5 =	vld [tilespmem:s6+$0xFFFFFFE0];
	v11 =	vmul.f32 v7, v13  }
0x4e5: {  	s10 =	simm.s32 $0x0;
	s14 =	simm.s32 $0x1C7C0;
	v7 =	vld [tilespmem:s6+$0xFFFFFFF0];
	[tilespmem:s6+$0x0] =	vst v10;
	v10 =	vmul.f32 v14, v12  }
.LBB2_46:
0x4e6: {  	v12 =	vld [tilespmem:s14+$0x30];
	s10 =	sadd.s32 $0x8, s10;
	[tilespmem:s6+$0xFFFFFF90] =	vst v11;
	v4 =	vmul.f32 v9, v4  }
0x4e7: {  	v9 =	vld [tilespmem:s14+$0xFFFFFFD0];
	p0 =	slt.u32 s10, $0xF8;
	[tilespmem:s6+$0xFFFFFFA0] =	vst v10;
	v3 =	vmul.f32 v8, v3  }
0x4e8: {  	v8 =	vld [tilespmem:s14+$0xFFFFFFE0];
	[tilespmem:s6+$0xFFFFFFB0] =	vst v4;
	v2 =	vmul.f32 v6, v2  }
0x4e9: {  	v6 =	vld [tilespmem:s14+$0xFFFFFFF0];
	[tilespmem:s6+$0xFFFFFFC0] =	vst v3;
	v0 =	vmul.f32 v5, v0  }
0x4ea: {  	v5 =	vld [tilespmem:s14+$0x0];
	[tilespmem:s6+$0xFFFFFFD0] =	vst v2;
	v1 =	vmul.f32 v7, v1  }
0x4eb: {  	v7 =	vld [tilespmem:s14+$0x10];
	[tilespmem:s6+$0xFFFFFFE0] =	vst v0  }
0x4ec: {  	v10 =	vld [tilespmem:s14+$0x20];
	[tilespmem:s6+$0xFFFFFFF0] =	vst v1  }
0x4ed: {  	v1 =	vld [tilespmem:s14+$0xFFFFFFC0]  }
0x4ee: {  	s6 =	sadd.s32 $0x80, s6;
	v11 =	vld.idx.msk [tilespmem:v12+s5+$0x0], $0xffff  }
0x4ef: {  	v12 =	vld [tilespmem:s6+$0x0]  }
0x4f0: {  	v13 =	vld.idx.msk [tilespmem:v9+s5+$0x0], $0xffff  }
0x4f1: {  	v4 =	vld.idx.msk [tilespmem:v8+s5+$0x0], $0xffff  }
0x4f2: {  	v3 =	vld.idx.msk [tilespmem:v6+s5+$0x0], $0xffff  }
0x4f3: {  	v2 =	vld.idx.msk [tilespmem:v5+s5+$0x0], $0xffff  }
0x4f4: {  	v0 =	vld.idx.msk [tilespmem:v7+s5+$0x0], $0xffff;
	v5 =	vmul.f32 v12, v11  }
0x4f5: {  	v7 =	vld.idx.msk [tilespmem:v1+s5+$0x0], $0xffff  }
0x4f6: {  	v1 =	vld.idx.msk [tilespmem:v10+s5+$0x0], $0xffff;
	[tilespmem:s6+$0x0] =	vst v5  }
0x4f7: {  	v5 =	vld [tilespmem:s6+$0xFFFFFF90]  }
0x4f8: {  	v10 =	vld [tilespmem:s6+$0xFFFFFFA0]  }
.Ltmp22:
0x4f9: {  	v9 =	vld [tilespmem:s6+$0xFFFFFFB0];
	(pc) =	sbr.rel @p0 .LBB2_46-.Ltmp22, $4  }
0x4fa: {  	v8 =	vld [tilespmem:s6+$0xFFFFFFC0]  }
0x4fb: {  	v6 =	vld [tilespmem:s6+$0xFFFFFFD0]  }
0x4fc: {  	v11 =	vmul.f32 v5, v7;
	v5 =	vld [tilespmem:s6+$0xFFFFFFE0]  }
0x4fd: {  	s14 =	sadd.s32 $0x80, s14;
	v10 =	vmul.f32 v10, v13;
	v7 =	vld [tilespmem:s6+$0xFFFFFFF0]  }
0x4fe: {  	[tilespmem:s6+$0xFFFFFF90] =	vst v11;
	v4 =	vmul.f32 v9, v4  }
0x4ff: {  	[tilespmem:s6+$0xFFFFFFA0] =	vst v10;
	v3 =	vmul.f32 v8, v3  }
0x500: {  	[tilespmem:s6+$0xFFFFFFB0] =	vst v4;
	v2 =	vmul.f32 v6, v2  }
0x501: {  	[tilespmem:s6+$0xFFFFFFC0] =	vst v3;
	v0 =	vmul.f32 v5, v0  }
0x502: {  	[tilespmem:s6+$0xFFFFFFD0] =	vst v2;
	v1 =	vmul.f32 v7, v1  }
0x503: {  	[tilespmem:s6+$0xFFFFFFE0] =	vst v0  }
0x504: {  	[tilespmem:s6+$0xFFFFFFF0] =	vst v1  }
0x505: {  	_ =	swait.ge [sflag:s31], $0x1000  }
0x506: {  	[sflag:s31] =	ssyncset.done $0x0  }
0x507: {  	s14 =	simm.s32 $0x1D740;
	[sflag:s31] =	ssyncadd.s32 $0xFFFFF000  }
0x508: {  	v0 =	vld [tilespmem:s14+$0x30]  }
0x509: {  	v1 =	vld [tilespmem:s14+$0xFFFFFFD0]  }
0x50a: {  	v2 =	vld [tilespmem:s14+$0xFFFFFFE0]  }
0x50b: {  	v3 =	vld [tilespmem:s14+$0xFFFFFFF0]  }
0x50c: {  	v5 =	vld [tilespmem:s14+$0x0]  }
0x50d: {  	v6 =	vld [tilespmem:s14+$0x10]  }
0x50e: {  	v7 =	vld [tilespmem:s14+$0x20]  }
0x50f: {  	s6 =	simm.s32 $0x1B770;
	v8 =	vld [tilespmem:s14+$0xFFFFFFC0]  }
0x510: {  	v11 =	vld [tilespmem:s6+$0x0]  }
0x511: {  	v14 =	vld [tilespmem:s6+$0xFFFFFFA0]  }
0x512: {  	v9 =	vld [tilespmem:s6+$0xFFFFFFB0]  }
0x513: {  	v10 =	vld.idx.msk [tilespmem:v0+s5+$0x0], $0xffff  }
0x514: {  	v12 =	vld.idx.msk [tilespmem:v1+s5+$0x0], $0xffff  }
0x515: {  	v4 =	vld.idx.msk [tilespmem:v2+s5+$0x0], $0xffff  }
0x516: {  	v3 =	vld.idx.msk [tilespmem:v3+s5+$0x0], $0xffff  }
0x517: {  	v13 =	vld.idx.msk [tilespmem:v8+s5+$0x0], $0xffff  }
0x518: {  	v1 =	vld.idx.msk [tilespmem:v7+s5+$0x0], $0xffff  }
0x519: {  	v7 =	vld [tilespmem:s6+$0xFFFFFF90]  }
0x51a: {  	v2 =	vld.idx.msk [tilespmem:v5+s5+$0x0], $0xffff  }
0x51b: {  	v0 =	vld.idx.msk [tilespmem:v6+s5+$0x0], $0xffff  }
0x51c: {  	v8 =	vld [tilespmem:s6+$0xFFFFFFC0]  }
0x51d: {  	v6 =	vld [tilespmem:s6+$0xFFFFFFD0];
	v10 =	vmul.f32 v11, v10  }
0x51e: {  	v5 =	vld [tilespmem:s6+$0xFFFFFFE0];
	v11 =	vmul.f32 v7, v13  }
0x51f: {  	s10 =	simm.s32 $0x0;
	s14 =	simm.s32 $0x1D7C0;
	v7 =	vld [tilespmem:s6+$0xFFFFFFF0];
	[tilespmem:s6+$0x0] =	vst v10;
	v10 =	vmul.f32 v14, v12  }
.LBB2_48:
0x520: {  	v12 =	vld [tilespmem:s14+$0x30];
	s10 =	sadd.s32 $0x8, s10;
	[tilespmem:s6+$0xFFFFFF90] =	vst v11;
	v4 =	vmul.f32 v9, v4  }
0x521: {  	v9 =	vld [tilespmem:s14+$0xFFFFFFD0];
	p0 =	slt.u32 s10, $0xF8;
	[tilespmem:s6+$0xFFFFFFA0] =	vst v10;
	v3 =	vmul.f32 v8, v3  }
0x522: {  	v8 =	vld [tilespmem:s14+$0xFFFFFFE0];
	[tilespmem:s6+$0xFFFFFFB0] =	vst v4;
	v2 =	vmul.f32 v6, v2  }
0x523: {  	v6 =	vld [tilespmem:s14+$0xFFFFFFF0];
	[tilespmem:s6+$0xFFFFFFC0] =	vst v3;
	v0 =	vmul.f32 v5, v0  }
0x524: {  	v5 =	vld [tilespmem:s14+$0x0];
	[tilespmem:s6+$0xFFFFFFD0] =	vst v2;
	v1 =	vmul.f32 v7, v1  }
0x525: {  	v7 =	vld [tilespmem:s14+$0x10];
	[tilespmem:s6+$0xFFFFFFE0] =	vst v0  }
0x526: {  	v10 =	vld [tilespmem:s14+$0x20];
	[tilespmem:s6+$0xFFFFFFF0] =	vst v1  }
0x527: {  	v1 =	vld [tilespmem:s14+$0xFFFFFFC0]  }
0x528: {  	s6 =	sadd.s32 $0x80, s6;
	v11 =	vld.idx.msk [tilespmem:v12+s5+$0x0], $0xffff  }
0x529: {  	v12 =	vld [tilespmem:s6+$0x0]  }
0x52a: {  	v13 =	vld.idx.msk [tilespmem:v9+s5+$0x0], $0xffff  }
0x52b: {  	v4 =	vld.idx.msk [tilespmem:v8+s5+$0x0], $0xffff  }
0x52c: {  	v3 =	vld.idx.msk [tilespmem:v6+s5+$0x0], $0xffff  }
0x52d: {  	v2 =	vld.idx.msk [tilespmem:v5+s5+$0x0], $0xffff  }
0x52e: {  	v0 =	vld.idx.msk [tilespmem:v7+s5+$0x0], $0xffff;
	v5 =	vmul.f32 v12, v11  }
0x52f: {  	v7 =	vld.idx.msk [tilespmem:v1+s5+$0x0], $0xffff  }
0x530: {  	v1 =	vld.idx.msk [tilespmem:v10+s5+$0x0], $0xffff;
	[tilespmem:s6+$0x0] =	vst v5  }
0x531: {  	v5 =	vld [tilespmem:s6+$0xFFFFFF90]  }
0x532: {  	v10 =	vld [tilespmem:s6+$0xFFFFFFA0]  }
.Ltmp23:
0x533: {  	v9 =	vld [tilespmem:s6+$0xFFFFFFB0];
	(pc) =	sbr.rel @p0 .LBB2_48-.Ltmp23, $4  }
0x534: {  	v8 =	vld [tilespmem:s6+$0xFFFFFFC0]  }
0x535: {  	v6 =	vld [tilespmem:s6+$0xFFFFFFD0]  }
0x536: {  	v11 =	vmul.f32 v5, v7;
	v5 =	vld [tilespmem:s6+$0xFFFFFFE0]  }
0x537: {  	s14 =	sadd.s32 $0x80, s14;
	v10 =	vmul.f32 v10, v13;
	v7 =	vld [tilespmem:s6+$0xFFFFFFF0]  }
0x538: {  	[tilespmem:s6+$0xFFFFFF90] =	vst v11;
	v4 =	vmul.f32 v9, v4  }
0x539: {  	[tilespmem:s6+$0xFFFFFFA0] =	vst v10;
	v3 =	vmul.f32 v8, v3  }
0x53a: {  	[tilespmem:s6+$0xFFFFFFB0] =	vst v4;
	v2 =	vmul.f32 v6, v2  }
0x53b: {  	[tilespmem:s6+$0xFFFFFFC0] =	vst v3;
	v0 =	vmul.f32 v5, v0  }
0x53c: {  	s1 =	sadd.s32 $0x1, s1;
	[tilespmem:s6+$0xFFFFFFD0] =	vst v2;
	v1 =	vmul.f32 v7, v1  }
0x53d: {  	p0 =	sne.s32 s1, s23;
	[tilespmem:s6+$0xFFFFFFE0] =	vst v0  }
.Ltmp24:
0x53e: {  	s14 =	simm.s32 $0x18700;
	[tilespmem:s6+$0xFFFFFFF0] =	vst v1;
	(pc) =	sbr.rel @p0 .LBB2_1-.Ltmp24, $4  }
0x53f: {  	[hbm4b:s22+s24] =	stream.strided.scatter [tilespmem:s14], [sflag:$0x4], $0x4000, s25, s24, $0x38;
	[tilespmem:$0x1E700] =	vst v63  }
0x540: {  	_ =	swait.ge [sflag:s4], $0x4000  }
0x541: {  	[sflag:s4] =	ssyncset.done $0x0  }
0x542: {  	[sflag:s4] =	ssyncadd.s32 $0xFFFFC000  }
0x543: {  	_ =	sfence.sel $0x180000  }
0x544: {  	[bflag:$0x0] =	sbarrier.arrive $0xFFFF  }
0x545: {  	_ =	strace $0x90000047  }
0x546: {  	s0 =	stileid.u32;
	[bflag:$0x2] =	sbarrier.arrive $0xFFFF  }
0x547: {  	p0 =	sne.s32 s0, $0x0;
	s0 =	rddreg [dreg:$0x7]  }
0x548: {  	s0 =	sadd.s32 @!p0 $0x100000, s0  }
0x549: {  	[sflag:s0] =	ssyncadd.tile.s32 @!p0 $0x1;
	_ =	shalt  }
.Lfunc_end2:
_tile_overlayer_lowered:
.L_overlay_start_2:
0x54a: {  	(tag) =	ssettag $0x2  }
0x54b: {  	s0 =	rddreg [dreg:$0x0];
	s2 =	stileid.u32  }
0x54c: {  	s1 =	rddreg [dreg:$0x1];
	p0 =	sne.s32 s2, $0x0  }
0x54d: {  	s3 =	rddreg [dreg:$0x2];
	[bflag:$0x3] =	sbarrier.arrive $0xFFFF;
	s2 =	simm.s32 @!p0 $0x1C04  }
0x54e: {  	[timem:s3], [sflag:s2] =	dma.local @!p0 [hbm:s0], s1  }
0x54f: {  	s0 =	simm.s32 @!p0 $0x4  }
0x550: {  	_ =	swait.ge @!p0 [sflag:s0], s1  }
0x551: {  	s1 =	ssub.s32 @!p0 $0x0, s1;
	[sflag:s0] =	ssyncset.done @!p0 $0x0  }
0x552: {  	[sflag:s0] =	ssyncadd.s32 @!p0 s1  }
0x553: {  	[bflag:$0x3] =	sbarrier.arrive $0xFFFF  }
0x554: {  	_ =	shalt  }

</sc_bundles>
